<compile_context>
chip_gen: v7x
topology: tpu7x:2x2x1
jax: 0.10.2.dev20260603
libtpu: 0.0.44.dev20260713+nightly
codegen_flags: <defaults>
</compile_context>

<pallas_src>
import dataclasses
import functools

import jax
import jax.numpy as jnp
import numpy as np
from jax import lax
from jax.experimental import pallas as pl
from jax.experimental.pallas import tpu as pltpu
from jax.experimental.pallas import tpu_sc as plsc

N_NODES = 10000
N_PAD = 10240
D_FEAT = 128
UNITS = 128

NUM_CORES = 2
NUM_SUBCORES = 16
N_TILES = NUM_CORES * NUM_SUBCORES
CHUNK = 120
ROWS_PER_TILE = N_PAD // NUM_SUBCORES
ZROWS = 80

_PERM = np.zeros(D_FEAT, np.int32)
for _j in range(D_FEAT // 32):
    for _k in range(16):
        _PERM[32 * _j + 2 * _k] = 32 * _j + _k
        _PERM[32 * _j + 2 * _k + 1] = 32 * _j + 16 + _k

_mesh = plsc.VectorSubcoreMesh(core_axis_name="c", subcore_axis_name="s")

_sc_params = pltpu.CompilerParams(use_tc_tiling_on_sc=False)
if "needs_layout_passes" in pltpu.CompilerParams.__dataclass_fields__:
    _sc_params = dataclasses.replace(_sc_params, needs_layout_passes=False)


def _sc_agg_build(n_chunks):

    @functools.partial(
        pl.kernel,
        mesh=_mesh,
        compiler_params=_sc_params,
        out_type=jax.ShapeDtypeStruct((NUM_CORES, N_PAD, D_FEAT),
                                      jnp.float32),
        scratch_types=[
            pltpu.VMEM((4, 3, CHUNK), jnp.int32),
            pltpu.VMEM((2, CHUNK, D_FEAT // 2), jnp.int32),
            pltpu.VMEM((2, CHUNK, D_FEAT), jnp.float32),
            pltpu.VMEM_SHARED((N_PAD, D_FEAT), jnp.float32),
            pltpu.SemaphoreType.DMA,
            pltpu.SemaphoreType.DMA,
            pltpu.SemaphoreType.DMA,
            pltpu.SemaphoreType.DMA,
            pltpu.SemaphoreType.DMA,
            pltpu.SemaphoreType.DMA,
            pltpu.SemaphoreType.DMA,
            pltpu.SemaphoreType.DMA,
        ],
    )
    def sc_agg(x_hbm, pk_hbm, out_hbm,
               idx4, rows2, rowsf, agg_sh,
               g0, g1, s0, s1, i0, i1, i2, i3):
        gth = (g0, g1)
        sct = (s0, s1)
        ixs = (i0, i1, i2, i3)
        c = lax.axis_index("c")
        s = lax.axis_index("s")

        row0 = s * ROWS_PER_TILE
        zero16 = jnp.zeros((16,), jnp.float32)

        @pl.loop(0, ZROWS)
        def _(i):
            for j in range(D_FEAT // 16):
                rowsf[0, i, pl.ds(j * 16, 16)] = zero16

        for k in range(ROWS_PER_TILE // ZROWS):
            pltpu.sync_copy(rowsf.at[0].at[pl.ds(0, ZROWS)],
                            agg_sh.at[pl.ds(row0 + k * ZROWS, ZROWS)])

        plsc.subcore_barrier()

        tile = c * NUM_SUBCORES + s
        chunk0 = tile * n_chunks

        def idx_copy(n, slot):
            return pltpu.make_async_copy(pk_hbm.at[chunk0 + n],
                                         idx4.at[slot], ixs[slot])

        def gather_copy(slot, rb):
            return pltpu.make_async_copy(x_hbm.at[idx4.at[slot].at[0]],
                                         rows2.at[rb], gth[rb])

        def scatter_copy(slot, rb):
            return pltpu.make_async_copy(rowsf.at[rb],
                                         agg_sh.at[idx4.at[slot].at[1]],
                                         sct[rb])

        idx_copy(0, 0).start()
        idx_copy(1, 1).start()
        idx_copy(0, 0).wait()
        gather_copy(0, 0).start()

        @pl.loop(0, n_chunks, step=4)
        def _(g):
            for b in range(4):
                n = g + b
                rb = b % 2
                nrb = (b + 1) % 2

                @pl.when(n >= 2)
                def _():
                    scatter_copy((b + 2) % 4, rb).wait()

                @pl.when(n + 2 < n_chunks)
                def _():
                    idx_copy(n + 2, (b + 2) % 4).start()

                @pl.when(n + 1 < n_chunks)
                def _():
                    idx_copy(n + 1, (b + 1) % 4).wait()
                    gather_copy((b + 1) % 4, nrb).start()

                gather_copy(b, rb).wait()

                @plsc.parallel_loop(0, CHUNK, unroll=4)
                def _(e):
                    wb = plsc.bitcast(
                        plsc.load_gather(
                            idx4.at[b].at[2],
                            [jnp.full((16,), e, jnp.int32)]),
                        jnp.float32)
                    for j in range(D_FEAT // 32):
                        vi = rows2[rb, e, pl.ds(j * 16, 16)]
                        v = plsc.bitcast(vi, jnp.bfloat16)
                        hi, lo = plsc.unpack(
                            v, format=plsc.PackFormat.INTERLEAVED)
                        rowsf[rb, e, pl.ds(j * 32, 16)] = hi * wb
                        rowsf[rb, e, pl.ds(j * 32 + 16, 16)] = lo * wb

                scatter_copy(b, rb).start(add=True)

        scatter_copy((n_chunks - 2) % 4, (n_chunks - 2) % 2).wait()
        scatter_copy((n_chunks - 1) % 4, (n_chunks - 1) % 2).wait()

        plsc.subcore_barrier()

        pltpu.sync_copy(agg_sh.at[pl.ds(row0, ROWS_PER_TILE)],
                        out_hbm.at[c].at[pl.ds(row0, ROWS_PER_TILE)])

    return sc_agg


def _tc_body(p0_ref, p1_ref, w_ref, b_ref, o_ref):
    a = p0_ref[...] + p1_ref[...]
    acc = jnp.dot(a, w_ref[...], preferred_element_type=jnp.float32)
    o_ref[...] = jnp.maximum(acc + b_ref[...], 0.0)


def _tc_out(p0, p1, w, b2d):
    m_blk = 2000
    grid = (N_NODES // m_blk,)
    return pl.pallas_call(
        _tc_body,
        grid=grid,
        in_specs=[
            pl.BlockSpec((m_blk, D_FEAT), lambda i: (i, 0)),
            pl.BlockSpec((m_blk, D_FEAT), lambda i: (i, 0)),
            pl.BlockSpec((D_FEAT, UNITS), lambda i: (0, 0)),
            pl.BlockSpec((1, UNITS), lambda i: (0, 0)),
        ],
        out_specs=pl.BlockSpec((m_blk, UNITS), lambda i: (i, 0)),
        out_shape=jax.ShapeDtypeStruct((N_NODES, UNITS), jnp.float32),
    )(p0, p1, w, b2d)


def kernel(features, edge_index, edge_weight, kernel, bias):
    kern = kernel
    n_edges = edge_weight.shape[0]
    n_chunks = -(-n_edges // (N_TILES * CHUNK))
    n_chunks = -(-n_chunks // 4) * 4
    e_pad = n_chunks * CHUNK * N_TILES

    src = edge_index[1].astype(jnp.int32)
    dst = edge_index[0].astype(jnp.int32)
    w = edge_weight.astype(jnp.float32)
    pad = e_pad - n_edges
    if pad:
        src = jnp.concatenate([src, jnp.zeros((pad,), jnp.int32)])
        dst = jnp.concatenate([dst, jnp.zeros((pad,), jnp.int32)])
        w = jnp.concatenate([w, jnp.zeros((pad,), jnp.float32)])

    w_i = jax.lax.bitcast_convert_type(w, jnp.int32)
    packed = jnp.stack([src.reshape(-1, CHUNK), dst.reshape(-1, CHUNK),
                        w_i.reshape(-1, CHUNK)], axis=1)

    xp = jnp.pad(features, ((0, N_PAD - N_NODES), (0, 0)))
    x_bf = xp.astype(jnp.bfloat16)[:, _PERM]
    x_i = jax.lax.bitcast_convert_type(
        x_bf.reshape(N_PAD, D_FEAT // 2, 2), jnp.int32)

    agg = _sc_agg_build(n_chunks)(x_i, packed)

    return _tc_out(agg[0, :N_NODES], agg[1, :N_NODES], kern,
                   bias.reshape(1, UNITS))

# --- scband reference (transcript-rebuilt; emitter-appended) ---
"""Pipeline reference for scband-graph-con-74990128988566 (READ-ONLY COPY).

The authoritative reference and input builder live on the scoring server;
editing this copy changes nothing except your own understanding.
"""

import jax, jax.numpy as jnp
import numpy as np

N_NODES = 10000
N_EDGES = 320000
D_FEAT = 128
UNITS = 128

def setup_inputs(seed: int = 0) -> dict:
    key = jax.random.key(seed)
    k1, k2, k3, k4, k5 = jax.random.split(key, 5)
    features = jax.random.normal(k1, (N_NODES, D_FEAT), dtype=jnp.float32)
    edge_index = jax.random.randint(k2, (2, N_EDGES), 0, N_NODES, dtype=jnp.int64)
    edge_weight = jax.random.uniform(k3, (N_EDGES,), dtype=jnp.float32)
    # glorot_uniform kernel
    limit = float(np.sqrt(6.0 / (D_FEAT + UNITS)))
    kernel = jax.random.uniform(k4, (D_FEAT, UNITS), dtype=jnp.float32, minval=-limit, maxval=limit)
    bias = jnp.zeros((UNITS,), dtype=jnp.float32)
    return {"features": features, "edge_index": edge_index, "edge_weight": edge_weight, "kernel": kernel, "bias": bias}

def reference(features, edge_index, edge_weight, kernel, bias):
    # GraphCon.call at inference (dropout inactive):
    #   out = relu( sparse_dense_matmul(A, features) @ kernel + bias )
    # Sparse A given as COO: A[dst, src] = edge_weight
    src = edge_index[1]
    dst = edge_index[0]
    messages = features[src] * edge_weight[:, None]          # gather + scale
    agg = jax.ops.segment_sum(messages, dst, num_segments=N_NODES)  # scatter-add == A @ features
    out = jnp.matmul(agg, kernel) + bias
    return jax.nn.relu(out)

if __name__ == "__main__":
    import jax
    _d = setup_inputs()
    print(jax.jit(kernel)(*tuple(_d.values())))

</pallas_src>

<mosaic_0001>
#map = affine_map<(d0, d1) -> (0, 0)>
#map1 = affine_map<(d0, d1) -> (0, 0, 0)>
module attributes {stable_mosaic.version = 14 : i64} {
  func.func @sc_agg(%arg0: i32, %arg1: i32, %arg2: memref<10240x64xi32, #tpu.memory_space<hbm>>, %arg3: memref<2688x3x120xi32, #tpu.memory_space<hbm>>, %arg4: memref<2x10240x128xf32, #tpu.memory_space<hbm>>, %arg5: memref<4x3x120xi32, #tpu.memory_space<vmem>>, %arg6: memref<2x120x64xi32, #tpu.memory_space<vmem>>, %arg7: memref<2x120x128xf32, #tpu.memory_space<vmem>>, %arg8: memref<10240x128xf32, #tpu.memory_space<vmem_shared>>, %arg9: memref<!tpu.dma_semaphore, #tpu.memory_space<semaphore_mem>>, %arg10: memref<!tpu.dma_semaphore, #tpu.memory_space<semaphore_mem>>, %arg11: memref<!tpu.dma_semaphore, #tpu.memory_space<semaphore_mem>>, %arg12: memref<!tpu.dma_semaphore, #tpu.memory_space<semaphore_mem>>, %arg13: memref<!tpu.dma_semaphore, #tpu.memory_space<semaphore_mem>>, %arg14: memref<!tpu.dma_semaphore, #tpu.memory_space<semaphore_mem>>, %arg15: memref<!tpu.dma_semaphore, #tpu.memory_space<semaphore_mem>>, %arg16: memref<!tpu.dma_semaphore, #tpu.memory_space<semaphore_mem>>) attributes {dimension_semantics = [#tpu.dimension_semantics<core_parallel>, #tpu.dimension_semantics<subcore_parallel>], iteration_bounds = array<i64: 2, 16>, scalar_prefetch = 0 : i64, scratch_operands = 12 : i64, tpu.core_type = #tpu.core_type<sc_vector_subcore>, window_params = [{transform_indices = #map}, {transform_indices = #map1}, {transform_indices = #map1}]} {
    %mul3A = arith.constant 640 : i32
    %mul3A_0 = arith.muli %arg1, %mul3A : i32
    %broadcast_in_dim3A = arith.constant 0.000000e+00 : f32
    %broadcast_in_dim3A_1 = vector.broadcast %broadcast_in_dim3A : f32 to vector<16xf32>
    %scan3A = arith.constant 0 : i32
    %scan3A_2 = arith.constant 80 : i32
    %scan3A_3 = arith.addi %scan3A, %scan3A_2 : i32
    %scan3A_4 = arith.constant 1 : i32
    scf.for %scan3A_145 = %scan3A to %scan3A_3 step %scan3A_4  : i32 {
      %mul3A_146 = arith.constant 1 : i32
      %mul3A_147 = arith.muli %scan3A_145, %mul3A_146 : i32
      %add3A_148 = arith.constant 0 : i32
      %add3A_149 = arith.addi %add3A_148, %mul3A_147 : i32
      %swap3A = arith.constant 0 : i32
      %swap3A_150 = arith.index_cast %swap3A : i32 to index
      %swap3A_151 = arith.index_cast %add3A_149 : i32 to index
      %swap3A_152 = arith.constant 0 : index
      %swap3A_153 = tpu.vector_load %arg7[%swap3A_150, %swap3A_151, %swap3A_152] {strides = array<i32>} : memref<2x120x128xf32, #tpu.memory_space<vmem>>, vector<16xf32>,
      tpu.vector_store %arg7[%swap3A_150, %swap3A_151, %swap3A_152], %broadcast_in_dim3A_1 {strides = array<i32>} : memref<2x120x128xf32, #tpu.memory_space<vmem>>, vector<16xf32>,
      %swap3A_154 = arith.constant 0 : i32
      %swap3A_155 = arith.index_cast %swap3A_154 : i32 to index
      %swap3A_156 = arith.index_cast %add3A_149 : i32 to index
      %swap3A_157 = arith.constant 16 : index
      %swap3A_158 = tpu.vector_load %arg7[%swap3A_155, %swap3A_156, %swap3A_157] {strides = array<i32>} : memref<2x120x128xf32, #tpu.memory_space<vmem>>, vector<16xf32>,
      tpu.vector_store %arg7[%swap3A_155, %swap3A_156, %swap3A_157], %broadcast_in_dim3A_1 {strides = array<i32>} : memref<2x120x128xf32, #tpu.memory_space<vmem>>, vector<16xf32>,
      %swap3A_159 = arith.constant 0 : i32
      %swap3A_160 = arith.index_cast %swap3A_159 : i32 to index
      %swap3A_161 = arith.index_cast %add3A_149 : i32 to index
      %swap3A_162 = arith.constant 32 : index
      %swap3A_163 = tpu.vector_load %arg7[%swap3A_160, %swap3A_161, %swap3A_162] {strides = array<i32>} : memref<2x120x128xf32, #tpu.memory_space<vmem>>, vector<16xf32>,
      tpu.vector_store %arg7[%swap3A_160, %swap3A_161, %swap3A_162], %broadcast_in_dim3A_1 {strides = array<i32>} : memref<2x120x128xf32, #tpu.memory_space<vmem>>, vector<16xf32>,
      %swap3A_164 = arith.constant 0 : i32
      %swap3A_165 = arith.index_cast %swap3A_164 : i32 to index
      %swap3A_166 = arith.index_cast %add3A_149 : i32 to index
      %swap3A_167 = arith.constant 48 : index
      %swap3A_168 = tpu.vector_load %arg7[%swap3A_165, %swap3A_166, %swap3A_167] {strides = array<i32>} : memref<2x120x128xf32, #tpu.memory_space<vmem>>, vector<16xf32>,
      tpu.vector_store %arg7[%swap3A_165, %swap3A_166, %swap3A_167], %broadcast_in_dim3A_1 {strides = array<i32>} : memref<2x120x128xf32, #tpu.memory_space<vmem>>, vector<16xf32>,
      %swap3A_169 = arith.constant 0 : i32
      %swap3A_170 = arith.index_cast %swap3A_169 : i32 to index
      %swap3A_171 = arith.index_cast %add3A_149 : i32 to index
      %swap3A_172 = arith.constant 64 : index
      %swap3A_173 = tpu.vector_load %arg7[%swap3A_170, %swap3A_171, %swap3A_172] {strides = array<i32>} : memref<2x120x128xf32, #tpu.memory_space<vmem>>, vector<16xf32>,
      tpu.vector_store %arg7[%swap3A_170, %swap3A_171, %swap3A_172], %broadcast_in_dim3A_1 {strides = array<i32>} : memref<2x120x128xf32, #tpu.memory_space<vmem>>, vector<16xf32>,
      %swap3A_174 = arith.constant 0 : i32
      %swap3A_175 = arith.index_cast %swap3A_174 : i32 to index
      %swap3A_176 = arith.index_cast %add3A_149 : i32 to index
      %swap3A_177 = arith.constant 80 : index
      %swap3A_178 = tpu.vector_load %arg7[%swap3A_175, %swap3A_176, %swap3A_177] {strides = array<i32>} : memref<2x120x128xf32, #tpu.memory_space<vmem>>, vector<16xf32>,
      tpu.vector_store %arg7[%swap3A_175, %swap3A_176, %swap3A_177], %broadcast_in_dim3A_1 {strides = array<i32>} : memref<2x120x128xf32, #tpu.memory_space<vmem>>, vector<16xf32>,
      %swap3A_179 = arith.constant 0 : i32
      %swap3A_180 = arith.index_cast %swap3A_179 : i32 to index
      %swap3A_181 = arith.index_cast %add3A_149 : i32 to index
      %swap3A_182 = arith.constant 96 : index
      %swap3A_183 = tpu.vector_load %arg7[%swap3A_180, %swap3A_181, %swap3A_182] {strides = array<i32>} : memref<2x120x128xf32, #tpu.memory_space<vmem>>, vector<16xf32>,
      tpu.vector_store %arg7[%swap3A_180, %swap3A_181, %swap3A_182], %broadcast_in_dim3A_1 {strides = array<i32>} : memref<2x120x128xf32, #tpu.memory_space<vmem>>, vector<16xf32>,
      %swap3A_184 = arith.constant 0 : i32
      %swap3A_185 = arith.index_cast %swap3A_184 : i32 to index
      %swap3A_186 = arith.index_cast %add3A_149 : i32 to index
      %swap3A_187 = arith.constant 112 : index
      %swap3A_188 = tpu.vector_load %arg7[%swap3A_185, %swap3A_186, %swap3A_187] {strides = array<i32>} : memref<2x120x128xf32, #tpu.memory_space<vmem>>, vector<16xf32>,
      tpu.vector_store %arg7[%swap3A_185, %swap3A_186, %swap3A_187], %broadcast_in_dim3A_1 {strides = array<i32>} : memref<2x120x128xf32, #tpu.memory_space<vmem>>, vector<16xf32>,
    }
    %scan3A_5 = arith.constant 80 : i32
    %add3A = arith.constant 0 : i32
    %add3A_6 = arith.addi %mul3A_0, %add3A : i32
    %run_scoped3A = arith.constant 0 : i32
    "tpu.region"() ({
      %run_scoped3A_145 = tpu.sem_alloc : memref<!tpu.dma_semaphore, #tpu.memory_space<semaphore_mem>>
      %dma_start3A_146 = arith.constant 0 : i32
      %dma_start3A_147 = arith.constant 0 : i32
      %dma_start3A_148 = tpu.memref_slice %arg7[%run_scoped3A, %dma_start3A_146, %dma_start3A_147] : memref<2x120x128xf32, #tpu.memory_space<vmem>> -> memref<1x120x128xf32, #tpu.memory_space<vmem>>
      %dma_start3A_149 = tpu.memref_squeeze %dma_start3A_148 : memref<1x120x128xf32, #tpu.memory_space<vmem>> -> memref<120x128xf32, #tpu.memory_space<vmem>>
      %dma_start3A_150 = arith.constant 0 : i32
      %dma_start3A_151 = arith.constant 0 : i32
      %dma_start3A_152 = tpu.memref_slice %dma_start3A_149[%dma_start3A_150, %dma_start3A_151] : memref<120x128xf32, #tpu.memory_space<vmem>> -> memref<80x128xf32, #tpu.memory_space<vmem>>
      %dma_start3A_153 = arith.constant 0 : i32
      %dma_start3A_154 = tpu.memref_slice %arg8[%add3A_6, %dma_start3A_153] : memref<10240x128xf32, #tpu.memory_space<vmem_shared>> -> memref<80x128xf32, #tpu.memory_space<vmem_shared>>
      %dma_start3A_155 = arith.constant 0 : i32
      %dma_start3A_156 = tpu.memref_slice %arg8[%add3A_6, %dma_start3A_155] : memref<10240x128xf32, #tpu.memory_space<vmem_shared>> -> memref<80x128xf32, #tpu.memory_space<vmem_shared>>
      %dma_start3A_157 = arith.constant 0 : i32
      %dma_start3A_158 = arith.constant 0 : i32
      %dma_start3A_159 = tpu.memref_slice %arg7[%run_scoped3A, %dma_start3A_157, %dma_start3A_158] : memref<2x120x128xf32, #tpu.memory_space<vmem>> -> memref<1x120x128xf32, #tpu.memory_space<vmem>>
      %dma_start3A_160 = tpu.memref_squeeze %dma_start3A_159 : memref<1x120x128xf32, #tpu.memory_space<vmem>> -> memref<120x128xf32, #tpu.memory_space<vmem>>
      %dma_start3A_161 = arith.constant 0 : i32
      %dma_start3A_162 = arith.constant 0 : i32
      %dma_start3A_163 = tpu.memref_slice %dma_start3A_160[%dma_start3A_161, %dma_start3A_162] : memref<120x128xf32, #tpu.memory_space<vmem>> -> memref<80x128xf32, #tpu.memory_space<vmem>>
      tpu.enqueue_dma source(%dma_start3A_163 : memref<80x128xf32, #tpu.memory_space<vmem>>) target(%dma_start3A_156 : memref<80x128xf32, #tpu.memory_space<vmem_shared>>) target_semaphore(%run_scoped3A_145 : memref<!tpu.dma_semaphore, #tpu.memory_space<semaphore_mem>>)
      %dma_wait3A_164 = arith.constant 0 : i32
      %dma_wait3A_165 = arith.constant 0 : i32
      %dma_wait3A_166 = tpu.memref_slice %arg7[%run_scoped3A, %dma_wait3A_164, %dma_wait3A_165] : memref<2x120x128xf32, #tpu.memory_space<vmem>> -> memref<1x120x128xf32, #tpu.memory_space<vmem>>
      %dma_wait3A_167 = tpu.memref_squeeze %dma_wait3A_166 : memref<1x120x128xf32, #tpu.memory_space<vmem>> -> memref<120x128xf32, #tpu.memory_space<vmem>>
      %dma_wait3A_168 = arith.constant 0 : i32
      %dma_wait3A_169 = arith.constant 0 : i32
      %dma_wait3A_170 = tpu.memref_slice %dma_wait3A_167[%dma_wait3A_168, %dma_wait3A_169] : memref<120x128xf32, #tpu.memory_space<vmem>> -> memref<80x128xf32, #tpu.memory_space<vmem>>
      %dma_wait3A_171 = arith.constant 0 : i32
      %dma_wait3A_172 = tpu.memref_slice %arg8[%add3A_6, %dma_wait3A_171] : memref<10240x128xf32, #tpu.memory_space<vmem_shared>> -> memref<80x128xf32, #tpu.memory_space<vmem_shared>>
      %dma_wait3A_173 = arith.constant 0 : i32
      %dma_wait3A_174 = tpu.memref_slice %arg8[%add3A_6, %dma_wait3A_173] : memref<10240x128xf32, #tpu.memory_space<vmem_shared>> -> memref<80x128xf32, #tpu.memory_space<vmem_shared>>
      %dma_wait3A_175 = arith.constant 0 : i32
      %dma_wait3A_176 = arith.constant 0 : i32
      %dma_wait3A_177 = tpu.memref_slice %arg7[%run_scoped3A, %dma_wait3A_175, %dma_wait3A_176] : memref<2x120x128xf32, #tpu.memory_space<vmem>> -> memref<1x120x128xf32, #tpu.memory_space<vmem>>
      %dma_wait3A_178 = tpu.memref_squeeze %dma_wait3A_177 : memref<1x120x128xf32, #tpu.memory_space<vmem>> -> memref<120x128xf32, #tpu.memory_space<vmem>>
      %dma_wait3A_179 = arith.constant 0 : i32
      %dma_wait3A_180 = arith.constant 0 : i32
      %dma_wait3A_181 = tpu.memref_slice %dma_wait3A_178[%dma_wait3A_179, %dma_wait3A_180] : memref<120x128xf32, #tpu.memory_space<vmem>> -> memref<80x128xf32, #tpu.memory_space<vmem>>
      tpu.wait_dma2 semaphore(%run_scoped3A_145 : memref<!tpu.dma_semaphore, #tpu.memory_space<semaphore_mem>>) src(%dma_wait3A_181 : memref<80x128xf32, #tpu.memory_space<vmem>>) dst(%dma_wait3A_174 : memref<80x128xf32, #tpu.memory_space<vmem_shared>>)
      tpu.yield
    }) : () -> ()
    %add3A_7 = arith.constant 80 : i32
    %add3A_8 = arith.addi %mul3A_0, %add3A_7 : i32
    %run_scoped3A_9 = arith.constant 0 : i32
    "tpu.region"() ({
      %run_scoped3A_145 = tpu.sem_alloc : memref<!tpu.dma_semaphore, #tpu.memory_space<semaphore_mem>>
      %dma_start3A_146 = arith.constant 0 : i32
      %dma_start3A_147 = arith.constant 0 : i32
      %dma_start3A_148 = tpu.memref_slice %arg7[%run_scoped3A_9, %dma_start3A_146, %dma_start3A_147] : memref<2x120x128xf32, #tpu.memory_space<vmem>> -> memref<1x120x128xf32, #tpu.memory_space<vmem>>
      %dma_start3A_149 = tpu.memref_squeeze %dma_start3A_148 : memref<1x120x128xf32, #tpu.memory_space<vmem>> -> memref<120x128xf32, #tpu.memory_space<vmem>>
      %dma_start3A_150 = arith.constant 0 : i32
      %dma_start3A_151 = arith.constant 0 : i32
      %dma_start3A_152 = tpu.memref_slice %dma_start3A_149[%dma_start3A_150, %dma_start3A_151] : memref<120x128xf32, #tpu.memory_space<vmem>> -> memref<80x128xf32, #tpu.memory_space<vmem>>
      %dma_start3A_153 = arith.constant 0 : i32
      %dma_start3A_154 = tpu.memref_slice %arg8[%add3A_8, %dma_start3A_153] : memref<10240x128xf32, #tpu.memory_space<vmem_shared>> -> memref<80x128xf32, #tpu.memory_space<vmem_shared>>
      %dma_start3A_155 = arith.constant 0 : i32
      %dma_start3A_156 = tpu.memref_slice %arg8[%add3A_8, %dma_start3A_155] : memref<10240x128xf32, #tpu.memory_space<vmem_shared>> -> memref<80x128xf32, #tpu.memory_space<vmem_shared>>
      %dma_start3A_157 = arith.constant 0 : i32
      %dma_start3A_158 = arith.constant 0 : i32
      %dma_start3A_159 = tpu.memref_slice %arg7[%run_scoped3A_9, %dma_start3A_157, %dma_start3A_158] : memref<2x120x128xf32, #tpu.memory_space<vmem>> -> memref<1x120x128xf32, #tpu.memory_space<vmem>>
      %dma_start3A_160 = tpu.memref_squeeze %dma_start3A_159 : memref<1x120x128xf32, #tpu.memory_space<vmem>> -> memref<120x128xf32, #tpu.memory_space<vmem>>
      %dma_start3A_161 = arith.constant 0 : i32
      %dma_start3A_162 = arith.constant 0 : i32
      %dma_start3A_163 = tpu.memref_slice %dma_start3A_160[%dma_start3A_161, %dma_start3A_162] : memref<120x128xf32, #tpu.memory_space<vmem>> -> memref<80x128xf32, #tpu.memory_space<vmem>>
      tpu.enqueue_dma source(%dma_start3A_163 : memref<80x128xf32, #tpu.memory_space<vmem>>) target(%dma_start3A_156 : memref<80x128xf32, #tpu.memory_space<vmem_shared>>) target_semaphore(%run_scoped3A_145 : memref<!tpu.dma_semaphore, #tpu.memory_space<semaphore_mem>>)
      %dma_wait3A_164 = arith.constant 0 : i32
      %dma_wait3A_165 = arith.constant 0 : i32
      %dma_wait3A_166 = tpu.memref_slice %arg7[%run_scoped3A_9, %dma_wait3A_164, %dma_wait3A_165] : memref<2x120x128xf32, #tpu.memory_space<vmem>> -> memref<1x120x128xf32, #tpu.memory_space<vmem>>
      %dma_wait3A_167 = tpu.memref_squeeze %dma_wait3A_166 : memref<1x120x128xf32, #tpu.memory_space<vmem>> -> memref<120x128xf32, #tpu.memory_space<vmem>>
      %dma_wait3A_168 = arith.constant 0 : i32
      %dma_wait3A_169 = arith.constant 0 : i32
      %dma_wait3A_170 = tpu.memref_slice %dma_wait3A_167[%dma_wait3A_168, %dma_wait3A_169] : memref<120x128xf32, #tpu.memory_space<vmem>> -> memref<80x128xf32, #tpu.memory_space<vmem>>
      %dma_wait3A_171 = arith.constant 0 : i32
      %dma_wait3A_172 = tpu.memref_slice %arg8[%add3A_8, %dma_wait3A_171] : memref<10240x128xf32, #tpu.memory_space<vmem_shared>> -> memref<80x128xf32, #tpu.memory_space<vmem_shared>>
      %dma_wait3A_173 = arith.constant 0 : i32
      %dma_wait3A_174 = tpu.memref_slice %arg8[%add3A_8, %dma_wait3A_173] : memref<10240x128xf32, #tpu.memory_space<vmem_shared>> -> memref<80x128xf32, #tpu.memory_space<vmem_shared>>
      %dma_wait3A_175 = arith.constant 0 : i32
      %dma_wait3A_176 = arith.constant 0 : i32
      %dma_wait3A_177 = tpu.memref_slice %arg7[%run_scoped3A_9, %dma_wait3A_175, %dma_wait3A_176] : memref<2x120x128xf32, #tpu.memory_space<vmem>> -> memref<1x120x128xf32, #tpu.memory_space<vmem>>
      %dma_wait3A_178 = tpu.memref_squeeze %dma_wait3A_177 : memref<1x120x128xf32, #tpu.memory_space<vmem>> -> memref<120x128xf32, #tpu.memory_space<vmem>>
      %dma_wait3A_179 = arith.constant 0 : i32
      %dma_wait3A_180 = arith.constant 0 : i32
      %dma_wait3A_181 = tpu.memref_slice %dma_wait3A_178[%dma_wait3A_179, %dma_wait3A_180] : memref<120x128xf32, #tpu.memory_space<vmem>> -> memref<80x128xf32, #tpu.memory_space<vmem>>
      tpu.wait_dma2 semaphore(%run_scoped3A_145 : memref<!tpu.dma_semaphore, #tpu.memory_space<semaphore_mem>>) src(%dma_wait3A_181 : memref<80x128xf32, #tpu.memory_space<vmem>>) dst(%dma_wait3A_174 : memref<80x128xf32, #tpu.memory_space<vmem_shared>>)
      tpu.yield
    }) : () -> ()
    %add3A_10 = arith.constant 160 : i32
    %add3A_11 = arith.addi %mul3A_0, %add3A_10 : i32
    %run_scoped3A_12 = arith.constant 0 : i32
    "tpu.region"() ({
      %run_scoped3A_145 = tpu.sem_alloc : memref<!tpu.dma_semaphore, #tpu.memory_space<semaphore_mem>>
      %dma_start3A_146 = arith.constant 0 : i32
      %dma_start3A_147 = arith.constant 0 : i32
      %dma_start3A_148 = tpu.memref_slice %arg7[%run_scoped3A_12, %dma_start3A_146, %dma_start3A_147] : memref<2x120x128xf32, #tpu.memory_space<vmem>> -> memref<1x120x128xf32, #tpu.memory_space<vmem>>
      %dma_start3A_149 = tpu.memref_squeeze %dma_start3A_148 : memref<1x120x128xf32, #tpu.memory_space<vmem>> -> memref<120x128xf32, #tpu.memory_space<vmem>>
      %dma_start3A_150 = arith.constant 0 : i32
      %dma_start3A_151 = arith.constant 0 : i32
      %dma_start3A_152 = tpu.memref_slice %dma_start3A_149[%dma_start3A_150, %dma_start3A_151] : memref<120x128xf32, #tpu.memory_space<vmem>> -> memref<80x128xf32, #tpu.memory_space<vmem>>
      %dma_start3A_153 = arith.constant 0 : i32
      %dma_start3A_154 = tpu.memref_slice %arg8[%add3A_11, %dma_start3A_153] : memref<10240x128xf32, #tpu.memory_space<vmem_shared>> -> memref<80x128xf32, #tpu.memory_space<vmem_shared>>
      %dma_start3A_155 = arith.constant 0 : i32
      %dma_start3A_156 = tpu.memref_slice %arg8[%add3A_11, %dma_start3A_155] : memref<10240x128xf32, #tpu.memory_space<vmem_shared>> -> memref<80x128xf32, #tpu.memory_space<vmem_shared>>
      %dma_start3A_157 = arith.constant 0 : i32
      %dma_start3A_158 = arith.constant 0 : i32
      %dma_start3A_159 = tpu.memref_slice %arg7[%run_scoped3A_12, %dma_start3A_157, %dma_start3A_158] : memref<2x120x128xf32, #tpu.memory_space<vmem>> -> memref<1x120x128xf32, #tpu.memory_space<vmem>>
      %dma_start3A_160 = tpu.memref_squeeze %dma_start3A_159 : memref<1x120x128xf32, #tpu.memory_space<vmem>> -> memref<120x128xf32, #tpu.memory_space<vmem>>
      %dma_start3A_161 = arith.constant 0 : i32
      %dma_start3A_162 = arith.constant 0 : i32
      %dma_start3A_163 = tpu.memref_slice %dma_start3A_160[%dma_start3A_161, %dma_start3A_162] : memref<120x128xf32, #tpu.memory_space<vmem>> -> memref<80x128xf32, #tpu.memory_space<vmem>>
      tpu.enqueue_dma source(%dma_start3A_163 : memref<80x128xf32, #tpu.memory_space<vmem>>) target(%dma_start3A_156 : memref<80x128xf32, #tpu.memory_space<vmem_shared>>) target_semaphore(%run_scoped3A_145 : memref<!tpu.dma_semaphore, #tpu.memory_space<semaphore_mem>>)
      %dma_wait3A_164 = arith.constant 0 : i32
      %dma_wait3A_165 = arith.constant 0 : i32
      %dma_wait3A_166 = tpu.memref_slice %arg7[%run_scoped3A_12, %dma_wait3A_164, %dma_wait3A_165] : memref<2x120x128xf32, #tpu.memory_space<vmem>> -> memref<1x120x128xf32, #tpu.memory_space<vmem>>
      %dma_wait3A_167 = tpu.memref_squeeze %dma_wait3A_166 : memref<1x120x128xf32, #tpu.memory_space<vmem>> -> memref<120x128xf32, #tpu.memory_space<vmem>>
      %dma_wait3A_168 = arith.constant 0 : i32
      %dma_wait3A_169 = arith.constant 0 : i32
      %dma_wait3A_170 = tpu.memref_slice %dma_wait3A_167[%dma_wait3A_168, %dma_wait3A_169] : memref<120x128xf32, #tpu.memory_space<vmem>> -> memref<80x128xf32, #tpu.memory_space<vmem>>
      %dma_wait3A_171 = arith.constant 0 : i32
      %dma_wait3A_172 = tpu.memref_slice %arg8[%add3A_11, %dma_wait3A_171] : memref<10240x128xf32, #tpu.memory_space<vmem_shared>> -> memref<80x128xf32, #tpu.memory_space<vmem_shared>>
      %dma_wait3A_173 = arith.constant 0 : i32
      %dma_wait3A_174 = tpu.memref_slice %arg8[%add3A_11, %dma_wait3A_173] : memref<10240x128xf32, #tpu.memory_space<vmem_shared>> -> memref<80x128xf32, #tpu.memory_space<vmem_shared>>
      %dma_wait3A_175 = arith.constant 0 : i32
      %dma_wait3A_176 = arith.constant 0 : i32
      %dma_wait3A_177 = tpu.memref_slice %arg7[%run_scoped3A_12, %dma_wait3A_175, %dma_wait3A_176] : memref<2x120x128xf32, #tpu.memory_space<vmem>> -> memref<1x120x128xf32, #tpu.memory_space<vmem>>
      %dma_wait3A_178 = tpu.memref_squeeze %dma_wait3A_177 : memref<1x120x128xf32, #tpu.memory_space<vmem>> -> memref<120x128xf32, #tpu.memory_space<vmem>>
      %dma_wait3A_179 = arith.constant 0 : i32
      %dma_wait3A_180 = arith.constant 0 : i32
      %dma_wait3A_181 = tpu.memref_slice %dma_wait3A_178[%dma_wait3A_179, %dma_wait3A_180] : memref<120x128xf32, #tpu.memory_space<vmem>> -> memref<80x128xf32, #tpu.memory_space<vmem>>
      tpu.wait_dma2 semaphore(%run_scoped3A_145 : memref<!tpu.dma_semaphore, #tpu.memory_space<semaphore_mem>>) src(%dma_wait3A_181 : memref<80x128xf32, #tpu.memory_space<vmem>>) dst(%dma_wait3A_174 : memref<80x128xf32, #tpu.memory_space<vmem_shared>>)
      tpu.yield
    }) : () -> ()
    %add3A_13 = arith.constant 240 : i32
    %add3A_14 = arith.addi %mul3A_0, %add3A_13 : i32
    %run_scoped3A_15 = arith.constant 0 : i32
    "tpu.region"() ({
      %run_scoped3A_145 = tpu.sem_alloc : memref<!tpu.dma_semaphore, #tpu.memory_space<semaphore_mem>>
      %dma_start3A_146 = arith.constant 0 : i32
      %dma_start3A_147 = arith.constant 0 : i32
      %dma_start3A_148 = tpu.memref_slice %arg7[%run_scoped3A_15, %dma_start3A_146, %dma_start3A_147] : memref<2x120x128xf32, #tpu.memory_space<vmem>> -> memref<1x120x128xf32, #tpu.memory_space<vmem>>
      %dma_start3A_149 = tpu.memref_squeeze %dma_start3A_148 : memref<1x120x128xf32, #tpu.memory_space<vmem>> -> memref<120x128xf32, #tpu.memory_space<vmem>>
      %dma_start3A_150 = arith.constant 0 : i32
      %dma_start3A_151 = arith.constant 0 : i32
      %dma_start3A_152 = tpu.memref_slice %dma_start3A_149[%dma_start3A_150, %dma_start3A_151] : memref<120x128xf32, #tpu.memory_space<vmem>> -> memref<80x128xf32, #tpu.memory_space<vmem>>
      %dma_start3A_153 = arith.constant 0 : i32
      %dma_start3A_154 = tpu.memref_slice %arg8[%add3A_14, %dma_start3A_153] : memref<10240x128xf32, #tpu.memory_space<vmem_shared>> -> memref<80x128xf32, #tpu.memory_space<vmem_shared>>
      %dma_start3A_155 = arith.constant 0 : i32
      %dma_start3A_156 = tpu.memref_slice %arg8[%add3A_14, %dma_start3A_155] : memref<10240x128xf32, #tpu.memory_space<vmem_shared>> -> memref<80x128xf32, #tpu.memory_space<vmem_shared>>
      %dma_start3A_157 = arith.constant 0 : i32
      %dma_start3A_158 = arith.constant 0 : i32
      %dma_start3A_159 = tpu.memref_slice %arg7[%run_scoped3A_15, %dma_start3A_157, %dma_start3A_158] : memref<2x120x128xf32, #tpu.memory_space<vmem>> -> memref<1x120x128xf32, #tpu.memory_space<vmem>>
      %dma_start3A_160 = tpu.memref_squeeze %dma_start3A_159 : memref<1x120x128xf32, #tpu.memory_space<vmem>> -> memref<120x128xf32, #tpu.memory_space<vmem>>
      %dma_start3A_161 = arith.constant 0 : i32
      %dma_start3A_162 = arith.constant 0 : i32
      %dma_start3A_163 = tpu.memref_slice %dma_start3A_160[%dma_start3A_161, %dma_start3A_162] : memref<120x128xf32, #tpu.memory_space<vmem>> -> memref<80x128xf32, #tpu.memory_space<vmem>>
      tpu.enqueue_dma source(%dma_start3A_163 : memref<80x128xf32, #tpu.memory_space<vmem>>) target(%dma_start3A_156 : memref<80x128xf32, #tpu.memory_space<vmem_shared>>) target_semaphore(%run_scoped3A_145 : memref<!tpu.dma_semaphore, #tpu.memory_space<semaphore_mem>>)
      %dma_wait3A_164 = arith.constant 0 : i32
      %dma_wait3A_165 = arith.constant 0 : i32
      %dma_wait3A_166 = tpu.memref_slice %arg7[%run_scoped3A_15, %dma_wait3A_164, %dma_wait3A_165] : memref<2x120x128xf32, #tpu.memory_space<vmem>> -> memref<1x120x128xf32, #tpu.memory_space<vmem>>
      %dma_wait3A_167 = tpu.memref_squeeze %dma_wait3A_166 : memref<1x120x128xf32, #tpu.memory_space<vmem>> -> memref<120x128xf32, #tpu.memory_space<vmem>>
      %dma_wait3A_168 = arith.constant 0 : i32
      %dma_wait3A_169 = arith.constant 0 : i32
      %dma_wait3A_170 = tpu.memref_slice %dma_wait3A_167[%dma_wait3A_168, %dma_wait3A_169] : memref<120x128xf32, #tpu.memory_space<vmem>> -> memref<80x128xf32, #tpu.memory_space<vmem>>
      %dma_wait3A_171 = arith.constant 0 : i32
      %dma_wait3A_172 = tpu.memref_slice %arg8[%add3A_14, %dma_wait3A_171] : memref<10240x128xf32, #tpu.memory_space<vmem_shared>> -> memref<80x128xf32, #tpu.memory_space<vmem_shared>>
      %dma_wait3A_173 = arith.constant 0 : i32
      %dma_wait3A_174 = tpu.memref_slice %arg8[%add3A_14, %dma_wait3A_173] : memref<10240x128xf32, #tpu.memory_space<vmem_shared>> -> memref<80x128xf32, #tpu.memory_space<vmem_shared>>
      %dma_wait3A_175 = arith.constant 0 : i32
      %dma_wait3A_176 = arith.constant 0 : i32
      %dma_wait3A_177 = tpu.memref_slice %arg7[%run_scoped3A_15, %dma_wait3A_175, %dma_wait3A_176] : memref<2x120x128xf32, #tpu.memory_space<vmem>> -> memref<1x120x128xf32, #tpu.memory_space<vmem>>
      %dma_wait3A_178 = tpu.memref_squeeze %dma_wait3A_177 : memref<1x120x128xf32, #tpu.memory_space<vmem>> -> memref<120x128xf32, #tpu.memory_space<vmem>>
      %dma_wait3A_179 = arith.constant 0 : i32
      %dma_wait3A_180 = arith.constant 0 : i32
      %dma_wait3A_181 = tpu.memref_slice %dma_wait3A_178[%dma_wait3A_179, %dma_wait3A_180] : memref<120x128xf32, #tpu.memory_space<vmem>> -> memref<80x128xf32, #tpu.memory_space<vmem>>
      tpu.wait_dma2 semaphore(%run_scoped3A_145 : memref<!tpu.dma_semaphore, #tpu.memory_space<semaphore_mem>>) src(%dma_wait3A_181 : memref<80x128xf32, #tpu.memory_space<vmem>>) dst(%dma_wait3A_174 : memref<80x128xf32, #tpu.memory_space<vmem_shared>>)
      tpu.yield
    }) : () -> ()
    %add3A_16 = arith.constant 320 : i32
    %add3A_17 = arith.addi %mul3A_0, %add3A_16 : i32
    %run_scoped3A_18 = arith.constant 0 : i32
    "tpu.region"() ({
      %run_scoped3A_145 = tpu.sem_alloc : memref<!tpu.dma_semaphore, #tpu.memory_space<semaphore_mem>>
      %dma_start3A_146 = arith.constant 0 : i32
      %dma_start3A_147 = arith.constant 0 : i32
      %dma_start3A_148 = tpu.memref_slice %arg7[%run_scoped3A_18, %dma_start3A_146, %dma_start3A_147] : memref<2x120x128xf32, #tpu.memory_space<vmem>> -> memref<1x120x128xf32, #tpu.memory_space<vmem>>
      %dma_start3A_149 = tpu.memref_squeeze %dma_start3A_148 : memref<1x120x128xf32, #tpu.memory_space<vmem>> -> memref<120x128xf32, #tpu.memory_space<vmem>>
      %dma_start3A_150 = arith.constant 0 : i32
      %dma_start3A_151 = arith.constant 0 : i32
      %dma_start3A_152 = tpu.memref_slice %dma_start3A_149[%dma_start3A_150, %dma_start3A_151] : memref<120x128xf32, #tpu.memory_space<vmem>> -> memref<80x128xf32, #tpu.memory_space<vmem>>
      %dma_start3A_153 = arith.constant 0 : i32
      %dma_start3A_154 = tpu.memref_slice %arg8[%add3A_17, %dma_start3A_153] : memref<10240x128xf32, #tpu.memory_space<vmem_shared>> -> memref<80x128xf32, #tpu.memory_space<vmem_shared>>
      %dma_start3A_155 = arith.constant 0 : i32
      %dma_start3A_156 = tpu.memref_slice %arg8[%add3A_17, %dma_start3A_155] : memref<10240x128xf32, #tpu.memory_space<vmem_shared>> -> memref<80x128xf32, #tpu.memory_space<vmem_shared>>
      %dma_start3A_157 = arith.constant 0 : i32
      %dma_start3A_158 = arith.constant 0 : i32
      %dma_start3A_159 = tpu.memref_slice %arg7[%run_scoped3A_18, %dma_start3A_157, %dma_start3A_158] : memref<2x120x128xf32, #tpu.memory_space<vmem>> -> memref<1x120x128xf32, #tpu.memory_space<vmem>>
      %dma_start3A_160 = tpu.memref_squeeze %dma_start3A_159 : memref<1x120x128xf32, #tpu.memory_space<vmem>> -> memref<120x128xf32, #tpu.memory_space<vmem>>
      %dma_start3A_161 = arith.constant 0 : i32
      %dma_start3A_162 = arith.constant 0 : i32
      %dma_start3A_163 = tpu.memref_slice %dma_start3A_160[%dma_start3A_161, %dma_start3A_162] : memref<120x128xf32, #tpu.memory_space<vmem>> -> memref<80x128xf32, #tpu.memory_space<vmem>>
      tpu.enqueue_dma source(%dma_start3A_163 : memref<80x128xf32, #tpu.memory_space<vmem>>) target(%dma_start3A_156 : memref<80x128xf32, #tpu.memory_space<vmem_shared>>) target_semaphore(%run_scoped3A_145 : memref<!tpu.dma_semaphore, #tpu.memory_space<semaphore_mem>>)
      %dma_wait3A_164 = arith.constant 0 : i32
      %dma_wait3A_165 = arith.constant 0 : i32
      %dma_wait3A_166 = tpu.memref_slice %arg7[%run_scoped3A_18, %dma_wait3A_164, %dma_wait3A_165] : memref<2x120x128xf32, #tpu.memory_space<vmem>> -> memref<1x120x128xf32, #tpu.memory_space<vmem>>
      %dma_wait3A_167 = tpu.memref_squeeze %dma_wait3A_166 : memref<1x120x128xf32, #tpu.memory_space<vmem>> -> memref<120x128xf32, #tpu.memory_space<vmem>>
      %dma_wait3A_168 = arith.constant 0 : i32
      %dma_wait3A_169 = arith.constant 0 : i32
      %dma_wait3A_170 = tpu.memref_slice %dma_wait3A_167[%dma_wait3A_168, %dma_wait3A_169] : memref<120x128xf32, #tpu.memory_space<vmem>> -> memref<80x128xf32, #tpu.memory_space<vmem>>
      %dma_wait3A_171 = arith.constant 0 : i32
      %dma_wait3A_172 = tpu.memref_slice %arg8[%add3A_17, %dma_wait3A_171] : memref<10240x128xf32, #tpu.memory_space<vmem_shared>> -> memref<80x128xf32, #tpu.memory_space<vmem_shared>>
      %dma_wait3A_173 = arith.constant 0 : i32
      %dma_wait3A_174 = tpu.memref_slice %arg8[%add3A_17, %dma_wait3A_173] : memref<10240x128xf32, #tpu.memory_space<vmem_shared>> -> memref<80x128xf32, #tpu.memory_space<vmem_shared>>
      %dma_wait3A_175 = arith.constant 0 : i32
      %dma_wait3A_176 = arith.constant 0 : i32
      %dma_wait3A_177 = tpu.memref_slice %arg7[%run_scoped3A_18, %dma_wait3A_175, %dma_wait3A_176] : memref<2x120x128xf32, #tpu.memory_space<vmem>> -> memref<1x120x128xf32, #tpu.memory_space<vmem>>
      %dma_wait3A_178 = tpu.memref_squeeze %dma_wait3A_177 : memref<1x120x128xf32, #tpu.memory_space<vmem>> -> memref<120x128xf32, #tpu.memory_space<vmem>>
      %dma_wait3A_179 = arith.constant 0 : i32
      %dma_wait3A_180 = arith.constant 0 : i32
      %dma_wait3A_181 = tpu.memref_slice %dma_wait3A_178[%dma_wait3A_179, %dma_wait3A_180] : memref<120x128xf32, #tpu.memory_space<vmem>> -> memref<80x128xf32, #tpu.memory_space<vmem>>
      tpu.wait_dma2 semaphore(%run_scoped3A_145 : memref<!tpu.dma_semaphore, #tpu.memory_space<semaphore_mem>>) src(%dma_wait3A_181 : memref<80x128xf32, #tpu.memory_space<vmem>>) dst(%dma_wait3A_174 : memref<80x128xf32, #tpu.memory_space<vmem_shared>>)
      tpu.yield
    }) : () -> ()
    %add3A_19 = arith.constant 400 : i32
    %add3A_20 = arith.addi %mul3A_0, %add3A_19 : i32
    %run_scoped3A_21 = arith.constant 0 : i32
    "tpu.region"() ({
      %run_scoped3A_145 = tpu.sem_alloc : memref<!tpu.dma_semaphore, #tpu.memory_space<semaphore_mem>>
      %dma_start3A_146 = arith.constant 0 : i32
      %dma_start3A_147 = arith.constant 0 : i32
      %dma_start3A_148 = tpu.memref_slice %arg7[%run_scoped3A_21, %dma_start3A_146, %dma_start3A_147] : memref<2x120x128xf32, #tpu.memory_space<vmem>> -> memref<1x120x128xf32, #tpu.memory_space<vmem>>
      %dma_start3A_149 = tpu.memref_squeeze %dma_start3A_148 : memref<1x120x128xf32, #tpu.memory_space<vmem>> -> memref<120x128xf32, #tpu.memory_space<vmem>>
      %dma_start3A_150 = arith.constant 0 : i32
      %dma_start3A_151 = arith.constant 0 : i32
      %dma_start3A_152 = tpu.memref_slice %dma_start3A_149[%dma_start3A_150, %dma_start3A_151] : memref<120x128xf32, #tpu.memory_space<vmem>> -> memref<80x128xf32, #tpu.memory_space<vmem>>
      %dma_start3A_153 = arith.constant 0 : i32
      %dma_start3A_154 = tpu.memref_slice %arg8[%add3A_20, %dma_start3A_153] : memref<10240x128xf32, #tpu.memory_space<vmem_shared>> -> memref<80x128xf32, #tpu.memory_space<vmem_shared>>
      %dma_start3A_155 = arith.constant 0 : i32
      %dma_start3A_156 = tpu.memref_slice %arg8[%add3A_20, %dma_start3A_155] : memref<10240x128xf32, #tpu.memory_space<vmem_shared>> -> memref<80x128xf32, #tpu.memory_space<vmem_shared>>
      %dma_start3A_157 = arith.constant 0 : i32
      %dma_start3A_158 = arith.constant 0 : i32
      %dma_start3A_159 = tpu.memref_slice %arg7[%run_scoped3A_21, %dma_start3A_157, %dma_start3A_158] : memref<2x120x128xf32, #tpu.memory_space<vmem>> -> memref<1x120x128xf32, #tpu.memory_space<vmem>>
      %dma_start3A_160 = tpu.memref_squeeze %dma_start3A_159 : memref<1x120x128xf32, #tpu.memory_space<vmem>> -> memref<120x128xf32, #tpu.memory_space<vmem>>
      %dma_start3A_161 = arith.constant 0 : i32
      %dma_start3A_162 = arith.constant 0 : i32
      %dma_start3A_163 = tpu.memref_slice %dma_start3A_160[%dma_start3A_161, %dma_start3A_162] : memref<120x128xf32, #tpu.memory_space<vmem>> -> memref<80x128xf32, #tpu.memory_space<vmem>>
      tpu.enqueue_dma source(%dma_start3A_163 : memref<80x128xf32, #tpu.memory_space<vmem>>) target(%dma_start3A_156 : memref<80x128xf32, #tpu.memory_space<vmem_shared>>) target_semaphore(%run_scoped3A_145 : memref<!tpu.dma_semaphore, #tpu.memory_space<semaphore_mem>>)
      %dma_wait3A_164 = arith.constant 0 : i32
      %dma_wait3A_165 = arith.constant 0 : i32
      %dma_wait3A_166 = tpu.memref_slice %arg7[%run_scoped3A_21, %dma_wait3A_164, %dma_wait3A_165] : memref<2x120x128xf32, #tpu.memory_space<vmem>> -> memref<1x120x128xf32, #tpu.memory_space<vmem>>
      %dma_wait3A_167 = tpu.memref_squeeze %dma_wait3A_166 : memref<1x120x128xf32, #tpu.memory_space<vmem>> -> memref<120x128xf32, #tpu.memory_space<vmem>>
      %dma_wait3A_168 = arith.constant 0 : i32
      %dma_wait3A_169 = arith.constant 0 : i32
      %dma_wait3A_170 = tpu.memref_slice %dma_wait3A_167[%dma_wait3A_168, %dma_wait3A_169] : memref<120x128xf32, #tpu.memory_space<vmem>> -> memref<80x128xf32, #tpu.memory_space<vmem>>
      %dma_wait3A_171 = arith.constant 0 : i32
      %dma_wait3A_172 = tpu.memref_slice %arg8[%add3A_20, %dma_wait3A_171] : memref<10240x128xf32, #tpu.memory_space<vmem_shared>> -> memref<80x128xf32, #tpu.memory_space<vmem_shared>>
      %dma_wait3A_173 = arith.constant 0 : i32
      %dma_wait3A_174 = tpu.memref_slice %arg8[%add3A_20, %dma_wait3A_173] : memref<10240x128xf32, #tpu.memory_space<vmem_shared>> -> memref<80x128xf32, #tpu.memory_space<vmem_shared>>
      %dma_wait3A_175 = arith.constant 0 : i32
      %dma_wait3A_176 = arith.constant 0 : i32
      %dma_wait3A_177 = tpu.memref_slice %arg7[%run_scoped3A_21, %dma_wait3A_175, %dma_wait3A_176] : memref<2x120x128xf32, #tpu.memory_space<vmem>> -> memref<1x120x128xf32, #tpu.memory_space<vmem>>
      %dma_wait3A_178 = tpu.memref_squeeze %dma_wait3A_177 : memref<1x120x128xf32, #tpu.memory_space<vmem>> -> memref<120x128xf32, #tpu.memory_space<vmem>>
      %dma_wait3A_179 = arith.constant 0 : i32
      %dma_wait3A_180 = arith.constant 0 : i32
      %dma_wait3A_181 = tpu.memref_slice %dma_wait3A_178[%dma_wait3A_179, %dma_wait3A_180] : memref<120x128xf32, #tpu.memory_space<vmem>> -> memref<80x128xf32, #tpu.memory_space<vmem>>
      tpu.wait_dma2 semaphore(%run_scoped3A_145 : memref<!tpu.dma_semaphore, #tpu.memory_space<semaphore_mem>>) src(%dma_wait3A_181 : memref<80x128xf32, #tpu.memory_space<vmem>>) dst(%dma_wait3A_174 : memref<80x128xf32, #tpu.memory_space<vmem_shared>>)
      tpu.yield
    }) : () -> ()
    %add3A_22 = arith.constant 480 : i32
    %add3A_23 = arith.addi %mul3A_0, %add3A_22 : i32
    %run_scoped3A_24 = arith.constant 0 : i32
    "tpu.region"() ({
      %run_scoped3A_145 = tpu.sem_alloc : memref<!tpu.dma_semaphore, #tpu.memory_space<semaphore_mem>>
      %dma_start3A_146 = arith.constant 0 : i32
      %dma_start3A_147 = arith.constant 0 : i32
      %dma_start3A_148 = tpu.memref_slice %arg7[%run_scoped3A_24, %dma_start3A_146, %dma_start3A_147] : memref<2x120x128xf32, #tpu.memory_space<vmem>> -> memref<1x120x128xf32, #tpu.memory_space<vmem>>
      %dma_start3A_149 = tpu.memref_squeeze %dma_start3A_148 : memref<1x120x128xf32, #tpu.memory_space<vmem>> -> memref<120x128xf32, #tpu.memory_space<vmem>>
      %dma_start3A_150 = arith.constant 0 : i32
      %dma_start3A_151 = arith.constant 0 : i32
      %dma_start3A_152 = tpu.memref_slice %dma_start3A_149[%dma_start3A_150, %dma_start3A_151] : memref<120x128xf32, #tpu.memory_space<vmem>> -> memref<80x128xf32, #tpu.memory_space<vmem>>
      %dma_start3A_153 = arith.constant 0 : i32
      %dma_start3A_154 = tpu.memref_slice %arg8[%add3A_23, %dma_start3A_153] : memref<10240x128xf32, #tpu.memory_space<vmem_shared>> -> memref<80x128xf32, #tpu.memory_space<vmem_shared>>
      %dma_start3A_155 = arith.constant 0 : i32
      %dma_start3A_156 = tpu.memref_slice %arg8[%add3A_23, %dma_start3A_155] : memref<10240x128xf32, #tpu.memory_space<vmem_shared>> -> memref<80x128xf32, #tpu.memory_space<vmem_shared>>
      %dma_start3A_157 = arith.constant 0 : i32
      %dma_start3A_158 = arith.constant 0 : i32
      %dma_start3A_159 = tpu.memref_slice %arg7[%run_scoped3A_24, %dma_start3A_157, %dma_start3A_158] : memref<2x120x128xf32, #tpu.memory_space<vmem>> -> memref<1x120x128xf32, #tpu.memory_space<vmem>>
      %dma_start3A_160 = tpu.memref_squeeze %dma_start3A_159 : memref<1x120x128xf32, #tpu.memory_space<vmem>> -> memref<120x128xf32, #tpu.memory_space<vmem>>
      %dma_start3A_161 = arith.constant 0 : i32
      %dma_start3A_162 = arith.constant 0 : i32
      %dma_start3A_163 = tpu.memref_slice %dma_start3A_160[%dma_start3A_161, %dma_start3A_162] : memref<120x128xf32, #tpu.memory_space<vmem>> -> memref<80x128xf32, #tpu.memory_space<vmem>>
      tpu.enqueue_dma source(%dma_start3A_163 : memref<80x128xf32, #tpu.memory_space<vmem>>) target(%dma_start3A_156 : memref<80x128xf32, #tpu.memory_space<vmem_shared>>) target_semaphore(%run_scoped3A_145 : memref<!tpu.dma_semaphore, #tpu.memory_space<semaphore_mem>>)
      %dma_wait3A_164 = arith.constant 0 : i32
      %dma_wait3A_165 = arith.constant 0 : i32
      %dma_wait3A_166 = tpu.memref_slice %arg7[%run_scoped3A_24, %dma_wait3A_164, %dma_wait3A_165] : memref<2x120x128xf32, #tpu.memory_space<vmem>> -> memref<1x120x128xf32, #tpu.memory_space<vmem>>
      %dma_wait3A_167 = tpu.memref_squeeze %dma_wait3A_166 : memref<1x120x128xf32, #tpu.memory_space<vmem>> -> memref<120x128xf32, #tpu.memory_space<vmem>>
      %dma_wait3A_168 = arith.constant 0 : i32
      %dma_wait3A_169 = arith.constant 0 : i32
      %dma_wait3A_170 = tpu.memref_slice %dma_wait3A_167[%dma_wait3A_168, %dma_wait3A_169] : memref<120x128xf32, #tpu.memory_space<vmem>> -> memref<80x128xf32, #tpu.memory_space<vmem>>
      %dma_wait3A_171 = arith.constant 0 : i32
      %dma_wait3A_172 = tpu.memref_slice %arg8[%add3A_23, %dma_wait3A_171] : memref<10240x128xf32, #tpu.memory_space<vmem_shared>> -> memref<80x128xf32, #tpu.memory_space<vmem_shared>>
      %dma_wait3A_173 = arith.constant 0 : i32
      %dma_wait3A_174 = tpu.memref_slice %arg8[%add3A_23, %dma_wait3A_173] : memref<10240x128xf32, #tpu.memory_space<vmem_shared>> -> memref<80x128xf32, #tpu.memory_space<vmem_shared>>
      %dma_wait3A_175 = arith.constant 0 : i32
      %dma_wait3A_176 = arith.constant 0 : i32
      %dma_wait3A_177 = tpu.memref_slice %arg7[%run_scoped3A_24, %dma_wait3A_175, %dma_wait3A_176] : memref<2x120x128xf32, #tpu.memory_space<vmem>> -> memref<1x120x128xf32, #tpu.memory_space<vmem>>
      %dma_wait3A_178 = tpu.memref_squeeze %dma_wait3A_177 : memref<1x120x128xf32, #tpu.memory_space<vmem>> -> memref<120x128xf32, #tpu.memory_space<vmem>>
      %dma_wait3A_179 = arith.constant 0 : i32
      %dma_wait3A_180 = arith.constant 0 : i32
      %dma_wait3A_181 = tpu.memref_slice %dma_wait3A_178[%dma_wait3A_179, %dma_wait3A_180] : memref<120x128xf32, #tpu.memory_space<vmem>> -> memref<80x128xf32, #tpu.memory_space<vmem>>
      tpu.wait_dma2 semaphore(%run_scoped3A_145 : memref<!tpu.dma_semaphore, #tpu.memory_space<semaphore_mem>>) src(%dma_wait3A_181 : memref<80x128xf32, #tpu.memory_space<vmem>>) dst(%dma_wait3A_174 : memref<80x128xf32, #tpu.memory_space<vmem_shared>>)
      tpu.yield
    }) : () -> ()
    %add3A_25 = arith.constant 560 : i32
    %add3A_26 = arith.addi %mul3A_0, %add3A_25 : i32
    %run_scoped3A_27 = arith.constant 0 : i32
    "tpu.region"() ({
      %run_scoped3A_145 = tpu.sem_alloc : memref<!tpu.dma_semaphore, #tpu.memory_space<semaphore_mem>>
      %dma_start3A_146 = arith.constant 0 : i32
      %dma_start3A_147 = arith.constant 0 : i32
      %dma_start3A_148 = tpu.memref_slice %arg7[%run_scoped3A_27, %dma_start3A_146, %dma_start3A_147] : memref<2x120x128xf32, #tpu.memory_space<vmem>> -> memref<1x120x128xf32, #tpu.memory_space<vmem>>
      %dma_start3A_149 = tpu.memref_squeeze %dma_start3A_148 : memref<1x120x128xf32, #tpu.memory_space<vmem>> -> memref<120x128xf32, #tpu.memory_space<vmem>>
      %dma_start3A_150 = arith.constant 0 : i32
      %dma_start3A_151 = arith.constant 0 : i32
      %dma_start3A_152 = tpu.memref_slice %dma_start3A_149[%dma_start3A_150, %dma_start3A_151] : memref<120x128xf32, #tpu.memory_space<vmem>> -> memref<80x128xf32, #tpu.memory_space<vmem>>
      %dma_start3A_153 = arith.constant 0 : i32
      %dma_start3A_154 = tpu.memref_slice %arg8[%add3A_26, %dma_start3A_153] : memref<10240x128xf32, #tpu.memory_space<vmem_shared>> -> memref<80x128xf32, #tpu.memory_space<vmem_shared>>
      %dma_start3A_155 = arith.constant 0 : i32
      %dma_start3A_156 = tpu.memref_slice %arg8[%add3A_26, %dma_start3A_155] : memref<10240x128xf32, #tpu.memory_space<vmem_shared>> -> memref<80x128xf32, #tpu.memory_space<vmem_shared>>
      %dma_start3A_157 = arith.constant 0 : i32
      %dma_start3A_158 = arith.constant 0 : i32
      %dma_start3A_159 = tpu.memref_slice %arg7[%run_scoped3A_27, %dma_start3A_157, %dma_start3A_158] : memref<2x120x128xf32, #tpu.memory_space<vmem>> -> memref<1x120x128xf32, #tpu.memory_space<vmem>>
      %dma_start3A_160 = tpu.memref_squeeze %dma_start3A_159 : memref<1x120x128xf32, #tpu.memory_space<vmem>> -> memref<120x128xf32, #tpu.memory_space<vmem>>
      %dma_start3A_161 = arith.constant 0 : i32
      %dma_start3A_162 = arith.constant 0 : i32
      %dma_start3A_163 = tpu.memref_slice %dma_start3A_160[%dma_start3A_161, %dma_start3A_162] : memref<120x128xf32, #tpu.memory_space<vmem>> -> memref<80x128xf32, #tpu.memory_space<vmem>>
      tpu.enqueue_dma source(%dma_start3A_163 : memref<80x128xf32, #tpu.memory_space<vmem>>) target(%dma_start3A_156 : memref<80x128xf32, #tpu.memory_space<vmem_shared>>) target_semaphore(%run_scoped3A_145 : memref<!tpu.dma_semaphore, #tpu.memory_space<semaphore_mem>>)
      %dma_wait3A_164 = arith.constant 0 : i32
      %dma_wait3A_165 = arith.constant 0 : i32
      %dma_wait3A_166 = tpu.memref_slice %arg7[%run_scoped3A_27, %dma_wait3A_164, %dma_wait3A_165] : memref<2x120x128xf32, #tpu.memory_space<vmem>> -> memref<1x120x128xf32, #tpu.memory_space<vmem>>
      %dma_wait3A_167 = tpu.memref_squeeze %dma_wait3A_166 : memref<1x120x128xf32, #tpu.memory_space<vmem>> -> memref<120x128xf32, #tpu.memory_space<vmem>>
      %dma_wait3A_168 = arith.constant 0 : i32
      %dma_wait3A_169 = arith.constant 0 : i32
      %dma_wait3A_170 = tpu.memref_slice %dma_wait3A_167[%dma_wait3A_168, %dma_wait3A_169] : memref<120x128xf32, #tpu.memory_space<vmem>> -> memref<80x128xf32, #tpu.memory_space<vmem>>
      %dma_wait3A_171 = arith.constant 0 : i32
      %dma_wait3A_172 = tpu.memref_slice %arg8[%add3A_26, %dma_wait3A_171] : memref<10240x128xf32, #tpu.memory_space<vmem_shared>> -> memref<80x128xf32, #tpu.memory_space<vmem_shared>>
      %dma_wait3A_173 = arith.constant 0 : i32
      %dma_wait3A_174 = tpu.memref_slice %arg8[%add3A_26, %dma_wait3A_173] : memref<10240x128xf32, #tpu.memory_space<vmem_shared>> -> memref<80x128xf32, #tpu.memory_space<vmem_shared>>
      %dma_wait3A_175 = arith.constant 0 : i32
      %dma_wait3A_176 = arith.constant 0 : i32
      %dma_wait3A_177 = tpu.memref_slice %arg7[%run_scoped3A_27, %dma_wait3A_175, %dma_wait3A_176] : memref<2x120x128xf32, #tpu.memory_space<vmem>> -> memref<1x120x128xf32, #tpu.memory_space<vmem>>
      %dma_wait3A_178 = tpu.memref_squeeze %dma_wait3A_177 : memref<1x120x128xf32, #tpu.memory_space<vmem>> -> memref<120x128xf32, #tpu.memory_space<vmem>>
      %dma_wait3A_179 = arith.constant 0 : i32
      %dma_wait3A_180 = arith.constant 0 : i32
      %dma_wait3A_181 = tpu.memref_slice %dma_wait3A_178[%dma_wait3A_179, %dma_wait3A_180] : memref<120x128xf32, #tpu.memory_space<vmem>> -> memref<80x128xf32, #tpu.memory_space<vmem>>
      tpu.wait_dma2 semaphore(%run_scoped3A_145 : memref<!tpu.dma_semaphore, #tpu.memory_space<semaphore_mem>>) src(%dma_wait3A_181 : memref<80x128xf32, #tpu.memory_space<vmem>>) dst(%dma_wait3A_174 : memref<80x128xf32, #tpu.memory_space<vmem_shared>>)
      tpu.yield
    }) : () -> ()
    %barrier3A = arith.constant 0 : index
    tpu.barrier barrier_id(%barrier3A)
    %mul3A_28 = arith.constant 16 : i32
    %mul3A_29 = arith.muli %arg0, %mul3A_28 : i32
    %add3A_30 = arith.addi %mul3A_29, %arg1 : i32
    %mul3A_31 = arith.constant 84 : i32
    %mul3A_32 = arith.muli %add3A_30, %mul3A_31 : i32
    %add3A_33 = arith.constant 0 : i32
    %add3A_34 = arith.addi %mul3A_32, %add3A_33 : i32
    %dma_start3A = arith.constant 0 : i32
    %dma_start3A_35 = arith.constant 0 : i32
    %dma_start3A_36 = arith.constant 0 : i32
    %dma_start3A_37 = tpu.memref_slice %arg5[%dma_start3A, %dma_start3A_35, %dma_start3A_36] : memref<4x3x120xi32, #tpu.memory_space<vmem>> -> memref<1x3x120xi32, #tpu.memory_space<vmem>>
    %dma_start3A_38 = tpu.memref_squeeze %dma_start3A_37 : memref<1x3x120xi32, #tpu.memory_space<vmem>> -> memref<3x120xi32, #tpu.memory_space<vmem>>
    %dma_start3A_39 = arith.constant 0 : i32
    %dma_start3A_40 = arith.constant 0 : i32
    %dma_start3A_41 = tpu.memref_slice %arg3[%add3A_34, %dma_start3A_39, %dma_start3A_40] : memref<2688x3x120xi32, #tpu.memory_space<hbm>> -> memref<1x3x120xi32, #tpu.memory_space<hbm>>
    %dma_start3A_42 = tpu.memref_squeeze %dma_start3A_41 : memref<1x3x120xi32, #tpu.memory_space<hbm>> -> memref<3x120xi32, #tpu.memory_space<hbm>>
    %dma_start3A_43 = arith.constant 0 : i32
    %dma_start3A_44 = arith.constant 0 : i32
    %dma_start3A_45 = tpu.memref_slice %arg5[%dma_start3A, %dma_start3A_43, %dma_start3A_44] : memref<4x3x120xi32, #tpu.memory_space<vmem>> -> memref<1x3x120xi32, #tpu.memory_space<vmem>>
    %dma_start3A_46 = tpu.memref_squeeze %dma_start3A_45 : memref<1x3x120xi32, #tpu.memory_space<vmem>> -> memref<3x120xi32, #tpu.memory_space<vmem>>
    %dma_start3A_47 = arith.constant 0 : i32
    %dma_start3A_48 = arith.constant 0 : i32
    %dma_start3A_49 = tpu.memref_slice %arg3[%add3A_34, %dma_start3A_47, %dma_start3A_48] : memref<2688x3x120xi32, #tpu.memory_space<hbm>> -> memref<1x3x120xi32, #tpu.memory_space<hbm>>
    %dma_start3A_50 = tpu.memref_squeeze %dma_start3A_49 : memref<1x3x120xi32, #tpu.memory_space<hbm>> -> memref<3x120xi32, #tpu.memory_space<hbm>>
    tpu.enqueue_dma source(%dma_start3A_50 : memref<3x120xi32, #tpu.memory_space<hbm>>) target(%dma_start3A_46 : memref<3x120xi32, #tpu.memory_space<vmem>>) target_semaphore(%arg13 : memref<!tpu.dma_semaphore, #tpu.memory_space<semaphore_mem>>)
    %add3A_51 = arith.constant 1 : i32
    %add3A_52 = arith.addi %mul3A_32, %add3A_51 : i32
    %dma_start3A_53 = arith.constant 1 : i32
    %dma_start3A_54 = arith.constant 0 : i32
    %dma_start3A_55 = arith.constant 0 : i32
    %dma_start3A_56 = tpu.memref_slice %arg5[%dma_start3A_53, %dma_start3A_54, %dma_start3A_55] : memref<4x3x120xi32, #tpu.memory_space<vmem>> -> memref<1x3x120xi32, #tpu.memory_space<vmem>>
    %dma_start3A_57 = tpu.memref_squeeze %dma_start3A_56 : memref<1x3x120xi32, #tpu.memory_space<vmem>> -> memref<3x120xi32, #tpu.memory_space<vmem>>
    %dma_start3A_58 = arith.constant 0 : i32
    %dma_start3A_59 = arith.constant 0 : i32
    %dma_start3A_60 = tpu.memref_slice %arg3[%add3A_52, %dma_start3A_58, %dma_start3A_59] : memref<2688x3x120xi32, #tpu.memory_space<hbm>> -> memref<1x3x120xi32, #tpu.memory_space<hbm>>
    %dma_start3A_61 = tpu.memref_squeeze %dma_start3A_60 : memref<1x3x120xi32, #tpu.memory_space<hbm>> -> memref<3x120xi32, #tpu.memory_space<hbm>>
    %dma_start3A_62 = arith.constant 0 : i32
    %dma_start3A_63 = arith.constant 0 : i32
    %dma_start3A_64 = tpu.memref_slice %arg5[%dma_start3A_53, %dma_start3A_62, %dma_start3A_63] : memref<4x3x120xi32, #tpu.memory_space<vmem>> -> memref<1x3x120xi32, #tpu.memory_space<vmem>>
    %dma_start3A_65 = tpu.memref_squeeze %dma_start3A_64 : memref<1x3x120xi32, #tpu.memory_space<vmem>> -> memref<3x120xi32, #tpu.memory_space<vmem>>
    %dma_start3A_66 = arith.constant 0 : i32
    %dma_start3A_67 = arith.constant 0 : i32
    %dma_start3A_68 = tpu.memref_slice %arg3[%add3A_52, %dma_start3A_66, %dma_start3A_67] : memref<2688x3x120xi32, #tpu.memory_space<hbm>> -> memref<1x3x120xi32, #tpu.memory_space<hbm>>
    %dma_start3A_69 = tpu.memref_squeeze %dma_start3A_68 : memref<1x3x120xi32, #tpu.memory_space<hbm>> -> memref<3x120xi32, #tpu.memory_space<hbm>>
    tpu.enqueue_dma source(%dma_start3A_69 : memref<3x120xi32, #tpu.memory_space<hbm>>) target(%dma_start3A_65 : memref<3x120xi32, #tpu.memory_space<vmem>>) target_semaphore(%arg14 : memref<!tpu.dma_semaphore, #tpu.memory_space<semaphore_mem>>)
    %add3A_70 = arith.constant 0 : i32
    %add3A_71 = arith.addi %mul3A_32, %add3A_70 : i32
    %dma_wait3A = arith.constant 0 : i32
    %dma_wait3A_72 = arith.constant 0 : i32
    %dma_wait3A_73 = arith.constant 0 : i32
    %dma_wait3A_74 = tpu.memref_slice %arg5[%dma_wait3A, %dma_wait3A_72, %dma_wait3A_73] : memref<4x3x120xi32, #tpu.memory_space<vmem>> -> memref<1x3x120xi32, #tpu.memory_space<vmem>>
    %dma_wait3A_75 = tpu.memref_squeeze %dma_wait3A_74 : memref<1x3x120xi32, #tpu.memory_space<vmem>> -> memref<3x120xi32, #tpu.memory_space<vmem>>
    %dma_wait3A_76 = arith.constant 0 : i32
    %dma_wait3A_77 = arith.constant 0 : i32
    %dma_wait3A_78 = tpu.memref_slice %arg3[%add3A_71, %dma_wait3A_76, %dma_wait3A_77] : memref<2688x3x120xi32, #tpu.memory_space<hbm>> -> memref<1x3x120xi32, #tpu.memory_space<hbm>>
    %dma_wait3A_79 = tpu.memref_squeeze %dma_wait3A_78 : memref<1x3x120xi32, #tpu.memory_space<hbm>> -> memref<3x120xi32, #tpu.memory_space<hbm>>
    %dma_wait3A_80 = arith.constant 0 : i32
    %dma_wait3A_81 = arith.constant 0 : i32
    %dma_wait3A_82 = tpu.memref_slice %arg5[%dma_wait3A, %dma_wait3A_80, %dma_wait3A_81] : memref<4x3x120xi32, #tpu.memory_space<vmem>> -> memref<1x3x120xi32, #tpu.memory_space<vmem>>
    %dma_wait3A_83 = tpu.memref_squeeze %dma_wait3A_82 : memref<1x3x120xi32, #tpu.memory_space<vmem>> -> memref<3x120xi32, #tpu.memory_space<vmem>>
    %dma_wait3A_84 = arith.constant 0 : i32
    %dma_wait3A_85 = arith.constant 0 : i32
    %dma_wait3A_86 = tpu.memref_slice %arg3[%add3A_71, %dma_wait3A_84, %dma_wait3A_85] : memref<2688x3x120xi32, #tpu.memory_space<hbm>> -> memref<1x3x120xi32, #tpu.memory_space<hbm>>
    %dma_wait3A_87 = tpu.memref_squeeze %dma_wait3A_86 : memref<1x3x120xi32, #tpu.memory_space<hbm>> -> memref<3x120xi32, #tpu.memory_space<hbm>>
    tpu.wait_dma2 semaphore(%arg13 : memref<!tpu.dma_semaphore, #tpu.memory_space<semaphore_mem>>) src(%dma_wait3A_87 : memref<3x120xi32, #tpu.memory_space<hbm>>) dst(%dma_wait3A_83 : memref<3x120xi32, #tpu.memory_space<vmem>>)
    %dma_start3A_88 = arith.constant 0 : i32
    %dma_start3A_89 = arith.constant 0 : i32
    %dma_start3A_90 = arith.constant 0 : i32
    %dma_start3A_91 = arith.constant 0 : i32
    %dma_start3A_92 = arith.constant 0 : i32
    %dma_start3A_93 = tpu.memref_slice %arg6[%dma_start3A_90, %dma_start3A_91, %dma_start3A_92] : memref<2x120x64xi32, #tpu.memory_space<vmem>> -> memref<1x120x64xi32, #tpu.memory_space<vmem>>
    %dma_start3A_94 = tpu.memref_squeeze %dma_start3A_93 : memref<1x120x64xi32, #tpu.memory_space<vmem>> -> memref<120x64xi32, #tpu.memory_space<vmem>>
    %dma_start3A_95 = arith.constant 0 : i32
    %dma_start3A_96 = arith.constant 0 : i32
    %dma_start3A_97 = tpu.memref_slice %arg5[%dma_start3A_88, %dma_start3A_95, %dma_start3A_96] : memref<4x3x120xi32, #tpu.memory_space<vmem>> -> memref<1x3x120xi32, #tpu.memory_space<vmem>>
    %dma_start3A_98 = tpu.memref_squeeze %dma_start3A_97 : memref<1x3x120xi32, #tpu.memory_space<vmem>> -> memref<3x120xi32, #tpu.memory_space<vmem>>
    %dma_start3A_99 = arith.constant 0 : i32
    %dma_start3A_100 = tpu.memref_slice %dma_start3A_98[%dma_start3A_89, %dma_start3A_99] : memref<3x120xi32, #tpu.memory_space<vmem>> -> memref<1x120xi32, #tpu.memory_space<vmem>>
    %dma_start3A_101 = tpu.memref_squeeze %dma_start3A_100 : memref<1x120xi32, #tpu.memory_space<vmem>> -> memref<120xi32, #tpu.memory_space<vmem>>
    %dma_start3A_102 = arith.constant 0 : i32
    %dma_start3A_103 = arith.constant 0 : i32
    %dma_start3A_104 = tpu.memref_slice %arg2[%dma_start3A_102, %dma_start3A_103] : memref<10240x64xi32, #tpu.memory_space<hbm>> -> memref<10240x64xi32, #tpu.memory_space<hbm>>
    tpu.enqueue_indirect_dma source(%dma_start3A_104 : memref<10240x64xi32, #tpu.memory_space<hbm>>) target(%dma_start3A_94 : memref<120x64xi32, #tpu.memory_space<vmem>>) offsets(%dma_start3A_101 : memref<120xi32, #tpu.memory_space<vmem>>) semaphore(%arg9 : memref<!tpu.dma_semaphore, #tpu.memory_space<semaphore_mem>>)
    %scan3A_105 = arith.constant 0 : i32
    %scan3A_106 = arith.constant 21 : i32
    %scan3A_107 = arith.addi %scan3A_105, %scan3A_106 : i32
    %scan3A_108 = arith.constant 1 : i32
    scf.for %scan3A_145 = %scan3A_105 to %scan3A_107 step %scan3A_108  : i32 {
      %mul3A_146 = arith.constant 4 : i32
      %mul3A_147 = arith.muli %scan3A_145, %mul3A_146 : i32
      %add3A_148 = arith.constant 0 : i32
      %add3A_149 = arith.addi %add3A_148, %mul3A_147 : i32
      %add3A_150 = arith.constant 0 : i32
      %add3A_151 = arith.addi %add3A_149, %add3A_150 : i32
      %ge3A = arith.constant 2 : i32
      %ge3A_152 = arith.cmpi sge, %add3A_151, %ge3A : i32
      %convert_element_type3A = arith.extui %ge3A_152 : i1 to i32
      %cond3A = arith.constant 0 : i32
      %cond3A_153 = arith.cmpi ne, %convert_element_type3A, %cond3A : i32
      scf.if %cond3A_153 {
        %dma_wait3A_377 = arith.constant 0 : i32
        %dma_wait3A_378 = arith.constant 2 : i32
        %dma_wait3A_379 = arith.constant 1 : i32
        %dma_wait3A_380 = arith.constant 0 : i32
        %dma_wait3A_381 = arith.constant 0 : i32
        %dma_wait3A_382 = tpu.memref_slice %arg7[%dma_wait3A_377, %dma_wait3A_380, %dma_wait3A_381] : memref<2x120x128xf32, #tpu.memory_space<vmem>> -> memref<1x120x128xf32, #tpu.memory_space<vmem>>
        %dma_wait3A_383 = tpu.memref_squeeze %dma_wait3A_382 : memref<1x120x128xf32, #tpu.memory_space<vmem>> -> memref<120x128xf32, #tpu.memory_space<vmem>>
        %dma_wait3A_384 = arith.constant 0 : i32
        %dma_wait3A_385 = arith.constant 0 : i32
        %dma_wait3A_386 = tpu.memref_slice %arg5[%dma_wait3A_378, %dma_wait3A_384, %dma_wait3A_385] : memref<4x3x120xi32, #tpu.memory_space<vmem>> -> memref<1x3x120xi32, #tpu.memory_space<vmem>>
        %dma_wait3A_387 = tpu.memref_squeeze %dma_wait3A_386 : memref<1x3x120xi32, #tpu.memory_space<vmem>> -> memref<3x120xi32, #tpu.memory_space<vmem>>
        %dma_wait3A_388 = arith.constant 0 : i32
        %dma_wait3A_389 = tpu.memref_slice %dma_wait3A_387[%dma_wait3A_379, %dma_wait3A_388] : memref<3x120xi32, #tpu.memory_space<vmem>> -> memref<1x120xi32, #tpu.memory_space<vmem>>
        %dma_wait3A_390 = tpu.memref_squeeze %dma_wait3A_389 : memref<1x120xi32, #tpu.memory_space<vmem>> -> memref<120xi32, #tpu.memory_space<vmem>>
        %dma_wait3A_391 = arith.constant 0 : i32
        %dma_wait3A_392 = arith.constant 0 : i32
        %dma_wait3A_393 = tpu.memref_slice %arg8[%dma_wait3A_391, %dma_wait3A_392] : memref<10240x128xf32, #tpu.memory_space<vmem_shared>> -> memref<10240x128xf32, #tpu.memory_space<vmem_shared>>
        tpu.wait_indirect_dma semaphore(%arg11 : memref<!tpu.dma_semaphore, #tpu.memory_space<semaphore_mem>>) src(%dma_wait3A_383 : memref<120x128xf32, #tpu.memory_space<vmem>>) dst(%dma_wait3A_393 : memref<10240x128xf32, #tpu.memory_space<vmem_shared>>)
      } else {
      }
      %add3A_154 = arith.constant 2 : i32
      %add3A_155 = arith.addi %add3A_151, %add3A_154 : i32
      %lt3A = arith.constant 84 : i32
      %lt3A_156 = arith.cmpi slt, %add3A_155, %lt3A : i32
      %convert_element_type3A_157 = arith.extui %lt3A_156 : i1 to i32
      %cond3A_158 = arith.constant 0 : i32
      %cond3A_159 = arith.cmpi ne, %convert_element_type3A_157, %cond3A_158 : i32
      scf.if %cond3A_159 {
        %add3A_377 = arith.constant 2 : i32
        %add3A_378 = arith.addi %add3A_151, %add3A_377 : i32
        %add3A_379 = arith.addi %mul3A_32, %add3A_378 : i32
        %dma_start3A_380 = arith.constant 2 : i32
        %dma_start3A_381 = arith.constant 0 : i32
        %dma_start3A_382 = arith.constant 0 : i32
        %dma_start3A_383 = tpu.memref_slice %arg5[%dma_start3A_380, %dma_start3A_381, %dma_start3A_382] : memref<4x3x120xi32, #tpu.memory_space<vmem>> -> memref<1x3x120xi32, #tpu.memory_space<vmem>>
        %dma_start3A_384 = tpu.memref_squeeze %dma_start3A_383 : memref<1x3x120xi32, #tpu.memory_space<vmem>> -> memref<3x120xi32, #tpu.memory_space<vmem>>
        %dma_start3A_385 = arith.constant 0 : i32
        %dma_start3A_386 = arith.constant 0 : i32
        %dma_start3A_387 = tpu.memref_slice %arg3[%add3A_379, %dma_start3A_385, %dma_start3A_386] : memref<2688x3x120xi32, #tpu.memory_space<hbm>> -> memref<1x3x120xi32, #tpu.memory_space<hbm>>
        %dma_start3A_388 = tpu.memref_squeeze %dma_start3A_387 : memref<1x3x120xi32, #tpu.memory_space<hbm>> -> memref<3x120xi32, #tpu.memory_space<hbm>>
        %dma_start3A_389 = arith.constant 0 : i32
        %dma_start3A_390 = arith.constant 0 : i32
        %dma_start3A_391 = tpu.memref_slice %arg5[%dma_start3A_380, %dma_start3A_389, %dma_start3A_390] : memref<4x3x120xi32, #tpu.memory_space<vmem>> -> memref<1x3x120xi32, #tpu.memory_space<vmem>>
        %dma_start3A_392 = tpu.memref_squeeze %dma_start3A_391 : memref<1x3x120xi32, #tpu.memory_space<vmem>> -> memref<3x120xi32, #tpu.memory_space<vmem>>
        %dma_start3A_393 = arith.constant 0 : i32
        %dma_start3A_394 = arith.constant 0 : i32
        %dma_start3A_395 = tpu.memref_slice %arg3[%add3A_379, %dma_start3A_393, %dma_start3A_394] : memref<2688x3x120xi32, #tpu.memory_space<hbm>> -> memref<1x3x120xi32, #tpu.memory_space<hbm>>
        %dma_start3A_396 = tpu.memref_squeeze %dma_start3A_395 : memref<1x3x120xi32, #tpu.memory_space<hbm>> -> memref<3x120xi32, #tpu.memory_space<hbm>>
        tpu.enqueue_dma source(%dma_start3A_396 : memref<3x120xi32, #tpu.memory_space<hbm>>) target(%dma_start3A_392 : memref<3x120xi32, #tpu.memory_space<vmem>>) target_semaphore(%arg15 : memref<!tpu.dma_semaphore, #tpu.memory_space<semaphore_mem>>)
      } else {
      }
      %add3A_160 = arith.constant 1 : i32
      %add3A_161 = arith.addi %add3A_151, %add3A_160 : i32
      %lt3A_162 = arith.constant 84 : i32
      %lt3A_163 = arith.cmpi slt, %add3A_161, %lt3A_162 : i32
      %convert_element_type3A_164 = arith.extui %lt3A_163 : i1 to i32
      %cond3A_165 = arith.constant 0 : i32
      %cond3A_166 = arith.cmpi ne, %convert_element_type3A_164, %cond3A_165 : i32
      scf.if %cond3A_166 {
        %add3A_377 = arith.constant 1 : i32
        %add3A_378 = arith.addi %add3A_151, %add3A_377 : i32
        %add3A_379 = arith.addi %mul3A_32, %add3A_378 : i32
        %dma_wait3A_380 = arith.constant 1 : i32
        %dma_wait3A_381 = arith.constant 0 : i32
        %dma_wait3A_382 = arith.constant 0 : i32
        %dma_wait3A_383 = tpu.memref_slice %arg5[%dma_wait3A_380, %dma_wait3A_381, %dma_wait3A_382] : memref<4x3x120xi32, #tpu.memory_space<vmem>> -> memref<1x3x120xi32, #tpu.memory_space<vmem>>
        %dma_wait3A_384 = tpu.memref_squeeze %dma_wait3A_383 : memref<1x3x120xi32, #tpu.memory_space<vmem>> -> memref<3x120xi32, #tpu.memory_space<vmem>>
        %dma_wait3A_385 = arith.constant 0 : i32
        %dma_wait3A_386 = arith.constant 0 : i32
        %dma_wait3A_387 = tpu.memref_slice %arg3[%add3A_379, %dma_wait3A_385, %dma_wait3A_386] : memref<2688x3x120xi32, #tpu.memory_space<hbm>> -> memref<1x3x120xi32, #tpu.memory_space<hbm>>
        %dma_wait3A_388 = tpu.memref_squeeze %dma_wait3A_387 : memref<1x3x120xi32, #tpu.memory_space<hbm>> -> memref<3x120xi32, #tpu.memory_space<hbm>>
        %dma_wait3A_389 = arith.constant 0 : i32
        %dma_wait3A_390 = arith.constant 0 : i32
        %dma_wait3A_391 = tpu.memref_slice %arg5[%dma_wait3A_380, %dma_wait3A_389, %dma_wait3A_390] : memref<4x3x120xi32, #tpu.memory_space<vmem>> -> memref<1x3x120xi32, #tpu.memory_space<vmem>>
        %dma_wait3A_392 = tpu.memref_squeeze %dma_wait3A_391 : memref<1x3x120xi32, #tpu.memory_space<vmem>> -> memref<3x120xi32, #tpu.memory_space<vmem>>
        %dma_wait3A_393 = arith.constant 0 : i32
        %dma_wait3A_394 = arith.constant 0 : i32
        %dma_wait3A_395 = tpu.memref_slice %arg3[%add3A_379, %dma_wait3A_393, %dma_wait3A_394] : memref<2688x3x120xi32, #tpu.memory_space<hbm>> -> memref<1x3x120xi32, #tpu.memory_space<hbm>>
        %dma_wait3A_396 = tpu.memref_squeeze %dma_wait3A_395 : memref<1x3x120xi32, #tpu.memory_space<hbm>> -> memref<3x120xi32, #tpu.memory_space<hbm>>
        tpu.wait_dma2 semaphore(%arg14 : memref<!tpu.dma_semaphore, #tpu.memory_space<semaphore_mem>>) src(%dma_wait3A_396 : memref<3x120xi32, #tpu.memory_space<hbm>>) dst(%dma_wait3A_392 : memref<3x120xi32, #tpu.memory_space<vmem>>)
        %dma_start3A_397 = arith.constant 1 : i32
        %dma_start3A_398 = arith.constant 0 : i32
        %dma_start3A_399 = arith.constant 1 : i32
        %dma_start3A_400 = arith.constant 0 : i32
        %dma_start3A_401 = arith.constant 0 : i32
        %dma_start3A_402 = tpu.memref_slice %arg6[%dma_start3A_399, %dma_start3A_400, %dma_start3A_401] : memref<2x120x64xi32, #tpu.memory_space<vmem>> -> memref<1x120x64xi32, #tpu.memory_space<vmem>>
        %dma_start3A_403 = tpu.memref_squeeze %dma_start3A_402 : memref<1x120x64xi32, #tpu.memory_space<vmem>> -> memref<120x64xi32, #tpu.memory_space<vmem>>
        %dma_start3A_404 = arith.constant 0 : i32
        %dma_start3A_405 = arith.constant 0 : i32
        %dma_start3A_406 = tpu.memref_slice %arg5[%dma_start3A_397, %dma_start3A_404, %dma_start3A_405] : memref<4x3x120xi32, #tpu.memory_space<vmem>> -> memref<1x3x120xi32, #tpu.memory_space<vmem>>
        %dma_start3A_407 = tpu.memref_squeeze %dma_start3A_406 : memref<1x3x120xi32, #tpu.memory_space<vmem>> -> memref<3x120xi32, #tpu.memory_space<vmem>>
        %dma_start3A_408 = arith.constant 0 : i32
        %dma_start3A_409 = tpu.memref_slice %dma_start3A_407[%dma_start3A_398, %dma_start3A_408] : memref<3x120xi32, #tpu.memory_space<vmem>> -> memref<1x120xi32, #tpu.memory_space<vmem>>
        %dma_start3A_410 = tpu.memref_squeeze %dma_start3A_409 : memref<1x120xi32, #tpu.memory_space<vmem>> -> memref<120xi32, #tpu.memory_space<vmem>>
        %dma_start3A_411 = arith.constant 0 : i32
        %dma_start3A_412 = arith.constant 0 : i32
        %dma_start3A_413 = tpu.memref_slice %arg2[%dma_start3A_411, %dma_start3A_412] : memref<10240x64xi32, #tpu.memory_space<hbm>> -> memref<10240x64xi32, #tpu.memory_space<hbm>>
        tpu.enqueue_indirect_dma source(%dma_start3A_413 : memref<10240x64xi32, #tpu.memory_space<hbm>>) target(%dma_start3A_403 : memref<120x64xi32, #tpu.memory_space<vmem>>) offsets(%dma_start3A_410 : memref<120xi32, #tpu.memory_space<vmem>>) semaphore(%arg10 : memref<!tpu.dma_semaphore, #tpu.memory_space<semaphore_mem>>)
      } else {
      }
      %dma_wait3A_167 = arith.constant 0 : i32
      %dma_wait3A_168 = arith.constant 0 : i32
      %dma_wait3A_169 = arith.constant 0 : i32
      %dma_wait3A_170 = arith.constant 0 : i32
      %dma_wait3A_171 = arith.constant 0 : i32
      %dma_wait3A_172 = tpu.memref_slice %arg6[%dma_wait3A_169, %dma_wait3A_170, %dma_wait3A_171] : memref<2x120x64xi32, #tpu.memory_space<vmem>> -> memref<1x120x64xi32, #tpu.memory_space<vmem>>
      %dma_wait3A_173 = tpu.memref_squeeze %dma_wait3A_172 : memref<1x120x64xi32, #tpu.memory_space<vmem>> -> memref<120x64xi32, #tpu.memory_space<vmem>>
      %dma_wait3A_174 = arith.constant 0 : i32
      %dma_wait3A_175 = arith.constant 0 : i32
      %dma_wait3A_176 = tpu.memref_slice %arg5[%dma_wait3A_167, %dma_wait3A_174, %dma_wait3A_175] : memref<4x3x120xi32, #tpu.memory_space<vmem>> -> memref<1x3x120xi32, #tpu.memory_space<vmem>>
      %dma_wait3A_177 = tpu.memref_squeeze %dma_wait3A_176 : memref<1x3x120xi32, #tpu.memory_space<vmem>> -> memref<3x120xi32, #tpu.memory_space<vmem>>
      %dma_wait3A_178 = arith.constant 0 : i32
      %dma_wait3A_179 = tpu.memref_slice %dma_wait3A_177[%dma_wait3A_168, %dma_wait3A_178] : memref<3x120xi32, #tpu.memory_space<vmem>> -> memref<1x120xi32, #tpu.memory_space<vmem>>
      %dma_wait3A_180 = tpu.memref_squeeze %dma_wait3A_179 : memref<1x120xi32, #tpu.memory_space<vmem>> -> memref<120xi32, #tpu.memory_space<vmem>>
      %dma_wait3A_181 = arith.constant 0 : i32
      %dma_wait3A_182 = arith.constant 0 : i32
      %dma_wait3A_183 = tpu.memref_slice %arg2[%dma_wait3A_181, %dma_wait3A_182] : memref<10240x64xi32, #tpu.memory_space<hbm>> -> memref<10240x64xi32, #tpu.memory_space<hbm>>
      tpu.wait_indirect_dma semaphore(%arg9 : memref<!tpu.dma_semaphore, #tpu.memory_space<semaphore_mem>>) src(%dma_wait3A_183 : memref<10240x64xi32, #tpu.memory_space<hbm>>) dst(%dma_wait3A_173 : memref<120x64xi32, #tpu.memory_space<vmem>>)
      %parallel_loop3A = arith.constant 0 : i32
      %parallel_loop3A_184 = arith.constant 120 : i32
      %parallel_loop3A_185 = arith.constant 1 : i32
      scf.for %parallel_loop3A_377 = %parallel_loop3A to %parallel_loop3A_184 step %parallel_loop3A_185  : i32 {
        %parallel_loop3A_378 = vector.broadcast %parallel_loop3A_377 : i32 to vector<16xi32>
        %parallel_loop3A_379 = arith.constant 0 : i32
        %parallel_loop3A_380 = arith.constant 2 : i32
        %parallel_loop3A_381 = arith.constant 0 : i32
        %parallel_loop3A_382 = arith.constant 0 : i32
        %parallel_loop3A_383 = tpu.memref_slice %arg5[%parallel_loop3A_379, %parallel_loop3A_381, %parallel_loop3A_382] : memref<4x3x120xi32, #tpu.memory_space<vmem>> -> memref<1x3x120xi32, #tpu.memory_space<vmem>>
        %parallel_loop3A_384 = tpu.memref_squeeze %parallel_loop3A_383 : memref<1x3x120xi32, #tpu.memory_space<vmem>> -> memref<3x120xi32, #tpu.memory_space<vmem>>
        %parallel_loop3A_385 = arith.constant 0 : i32
        %parallel_loop3A_386 = tpu.memref_slice %parallel_loop3A_384[%parallel_loop3A_380, %parallel_loop3A_385] : memref<3x120xi32, #tpu.memory_space<vmem>> -> memref<1x120xi32, #tpu.memory_space<vmem>>
        %parallel_loop3A_387 = tpu.memref_squeeze %parallel_loop3A_386 : memref<1x120xi32, #tpu.memory_space<vmem>> -> memref<120xi32, #tpu.memory_space<vmem>>
        %parallel_loop3A_388 = tpu.vector_load_idx %parallel_loop3A_387[%parallel_loop3A_378] : memref<120xi32, #tpu.memory_space<vmem>>[vector<16xi32>], vector<16xi32>,
        %parallel_loop3A_389 = vector.bitcast %parallel_loop3A_388 : vector<16xi32> to vector<16xf32>
        %parallel_loop3A_390 = arith.constant 0 : i32
        %parallel_loop3A_391 = arith.index_cast %parallel_loop3A_390 : i32 to index
        %parallel_loop3A_392 = arith.index_cast %parallel_loop3A_377 : i32 to index
        %parallel_loop3A_393 = arith.constant 0 : index
        %parallel_loop3A_394 = tpu.vector_load %arg6[%parallel_loop3A_391, %parallel_loop3A_392, %parallel_loop3A_393] {strides = array<i32>} : memref<2x120x64xi32, #tpu.memory_space<vmem>>, vector<16xi32>,
        %parallel_loop3A_395 = vector.bitcast %parallel_loop3A_394 : vector<16xi32> to vector<32xbf16>
        %parallel_loop3A_396 = tpu.unpack_subelements %parallel_loop3A_395, 0 {pack_format = #tpu.pack_format<interleaved>} : vector<32xbf16> -> vector<16xf32>
        %parallel_loop3A_397 = tpu.unpack_subelements %parallel_loop3A_395, 1 {pack_format = #tpu.pack_format<interleaved>} : vector<32xbf16> -> vector<16xf32>
        %parallel_loop3A_398 = arith.mulf %parallel_loop3A_396, %parallel_loop3A_389 : vector<16xf32>
        %parallel_loop3A_399 = arith.constant 0 : i32
        %parallel_loop3A_400 = arith.index_cast %parallel_loop3A_399 : i32 to index
        %parallel_loop3A_401 = arith.index_cast %parallel_loop3A_377 : i32 to index
        %parallel_loop3A_402 = arith.constant 0 : index
        %parallel_loop3A_403 = tpu.vector_load %arg7[%parallel_loop3A_400, %parallel_loop3A_401, %parallel_loop3A_402] {strides = array<i32>} : memref<2x120x128xf32, #tpu.memory_space<vmem>>, vector<16xf32>,
        tpu.vector_store %arg7[%parallel_loop3A_400, %parallel_loop3A_401, %parallel_loop3A_402], %parallel_loop3A_398 {strides = array<i32>} : memref<2x120x128xf32, #tpu.memory_space<vmem>>, vector<16xf32>,
        %parallel_loop3A_404 = arith.mulf %parallel_loop3A_397, %parallel_loop3A_389 : vector<16xf32>
        %parallel_loop3A_405 = arith.constant 0 : i32
        %parallel_loop3A_406 = arith.index_cast %parallel_loop3A_405 : i32 to index
        %parallel_loop3A_407 = arith.index_cast %parallel_loop3A_377 : i32 to index
        %parallel_loop3A_408 = arith.constant 16 : index
        %parallel_loop3A_409 = tpu.vector_load %arg7[%parallel_loop3A_406, %parallel_loop3A_407, %parallel_loop3A_408] {strides = array<i32>} : memref<2x120x128xf32, #tpu.memory_space<vmem>>, vector<16xf32>,
        tpu.vector_store %arg7[%parallel_loop3A_406, %parallel_loop3A_407, %parallel_loop3A_408], %parallel_loop3A_404 {strides = array<i32>} : memref<2x120x128xf32, #tpu.memory_space<vmem>>, vector<16xf32>,
        %parallel_loop3A_410 = arith.constant 0 : i32
        %parallel_loop3A_411 = arith.index_cast %parallel_loop3A_410 : i32 to index
        %parallel_loop3A_412 = arith.index_cast %parallel_loop3A_377 : i32 to index
        %parallel_loop3A_413 = arith.constant 16 : index
        %parallel_loop3A_414 = tpu.vector_load %arg6[%parallel_loop3A_411, %parallel_loop3A_412, %parallel_loop3A_413] {strides = array<i32>} : memref<2x120x64xi32, #tpu.memory_space<vmem>>, vector<16xi32>,
        %parallel_loop3A_415 = vector.bitcast %parallel_loop3A_414 : vector<16xi32> to vector<32xbf16>
        %parallel_loop3A_416 = tpu.unpack_subelements %parallel_loop3A_415, 0 {pack_format = #tpu.pack_format<interleaved>} : vector<32xbf16> -> vector<16xf32>
        %parallel_loop3A_417 = tpu.unpack_subelements %parallel_loop3A_415, 1 {pack_format = #tpu.pack_format<interleaved>} : vector<32xbf16> -> vector<16xf32>
        %parallel_loop3A_418 = arith.mulf %parallel_loop3A_416, %parallel_loop3A_389 : vector<16xf32>
        %parallel_loop3A_419 = arith.constant 0 : i32
        %parallel_loop3A_420 = arith.index_cast %parallel_loop3A_419 : i32 to index
        %parallel_loop3A_421 = arith.index_cast %parallel_loop3A_377 : i32 to index
        %parallel_loop3A_422 = arith.constant 32 : index
        %parallel_loop3A_423 = tpu.vector_load %arg7[%parallel_loop3A_420, %parallel_loop3A_421, %parallel_loop3A_422] {strides = array<i32>} : memref<2x120x128xf32, #tpu.memory_space<vmem>>, vector<16xf32>,
        tpu.vector_store %arg7[%parallel_loop3A_420, %parallel_loop3A_421, %parallel_loop3A_422], %parallel_loop3A_418 {strides = array<i32>} : memref<2x120x128xf32, #tpu.memory_space<vmem>>, vector<16xf32>,
        %parallel_loop3A_424 = arith.mulf %parallel_loop3A_417, %parallel_loop3A_389 : vector<16xf32>
        %parallel_loop3A_425 = arith.constant 0 : i32
        %parallel_loop3A_426 = arith.index_cast %parallel_loop3A_425 : i32 to index
        %parallel_loop3A_427 = arith.index_cast %parallel_loop3A_377 : i32 to index
        %parallel_loop3A_428 = arith.constant 48 : index
        %parallel_loop3A_429 = tpu.vector_load %arg7[%parallel_loop3A_426, %parallel_loop3A_427, %parallel_loop3A_428] {strides = array<i32>} : memref<2x120x128xf32, #tpu.memory_space<vmem>>, vector<16xf32>,
        tpu.vector_store %arg7[%parallel_loop3A_426, %parallel_loop3A_427, %parallel_loop3A_428], %parallel_loop3A_424 {strides = array<i32>} : memref<2x120x128xf32, #tpu.memory_space<vmem>>, vector<16xf32>,
        %parallel_loop3A_430 = arith.constant 0 : i32
        %parallel_loop3A_431 = arith.index_cast %parallel_loop3A_430 : i32 to index
        %parallel_loop3A_432 = arith.index_cast %parallel_loop3A_377 : i32 to index
        %parallel_loop3A_433 = arith.constant 32 : index
        %parallel_loop3A_434 = tpu.vector_load %arg6[%parallel_loop3A_431, %parallel_loop3A_432, %parallel_loop3A_433] {strides = array<i32>} : memref<2x120x64xi32, #tpu.memory_space<vmem>>, vector<16xi32>,
        %parallel_loop3A_435 = vector.bitcast %parallel_loop3A_434 : vector<16xi32> to vector<32xbf16>
        %parallel_loop3A_436 = tpu.unpack_subelements %parallel_loop3A_435, 0 {pack_format = #tpu.pack_format<interleaved>} : vector<32xbf16> -> vector<16xf32>
        %parallel_loop3A_437 = tpu.unpack_subelements %parallel_loop3A_435, 1 {pack_format = #tpu.pack_format<interleaved>} : vector<32xbf16> -> vector<16xf32>
        %parallel_loop3A_438 = arith.mulf %parallel_loop3A_436, %parallel_loop3A_389 : vector<16xf32>
        %parallel_loop3A_439 = arith.constant 0 : i32
        %parallel_loop3A_440 = arith.index_cast %parallel_loop3A_439 : i32 to index
        %parallel_loop3A_441 = arith.index_cast %parallel_loop3A_377 : i32 to index
        %parallel_loop3A_442 = arith.constant 64 : index
        %parallel_loop3A_443 = tpu.vector_load %arg7[%parallel_loop3A_440, %parallel_loop3A_441, %parallel_loop3A_442] {strides = array<i32>} : memref<2x120x128xf32, #tpu.memory_space<vmem>>, vector<16xf32>,
        tpu.vector_store %arg7[%parallel_loop3A_440, %parallel_loop3A_441, %parallel_loop3A_442], %parallel_loop3A_438 {strides = array<i32>} : memref<2x120x128xf32, #tpu.memory_space<vmem>>, vector<16xf32>,
        %parallel_loop3A_444 = arith.mulf %parallel_loop3A_437, %parallel_loop3A_389 : vector<16xf32>
        %parallel_loop3A_445 = arith.constant 0 : i32
        %parallel_loop3A_446 = arith.index_cast %parallel_loop3A_445 : i32 to index
        %parallel_loop3A_447 = arith.index_cast %parallel_loop3A_377 : i32 to index
        %parallel_loop3A_448 = arith.constant 80 : index
        %parallel_loop3A_449 = tpu.vector_load %arg7[%parallel_loop3A_446, %parallel_loop3A_447, %parallel_loop3A_448] {strides = array<i32>} : memref<2x120x128xf32, #tpu.memory_space<vmem>>, vector<16xf32>,
        tpu.vector_store %arg7[%parallel_loop3A_446, %parallel_loop3A_447, %parallel_loop3A_448], %parallel_loop3A_444 {strides = array<i32>} : memref<2x120x128xf32, #tpu.memory_space<vmem>>, vector<16xf32>,
        %parallel_loop3A_450 = arith.constant 0 : i32
        %parallel_loop3A_451 = arith.index_cast %parallel_loop3A_450 : i32 to index
        %parallel_loop3A_452 = arith.index_cast %parallel_loop3A_377 : i32 to index
        %parallel_loop3A_453 = arith.constant 48 : index
        %parallel_loop3A_454 = tpu.vector_load %arg6[%parallel_loop3A_451, %parallel_loop3A_452, %parallel_loop3A_453] {strides = array<i32>} : memref<2x120x64xi32, #tpu.memory_space<vmem>>, vector<16xi32>,
        %parallel_loop3A_455 = vector.bitcast %parallel_loop3A_454 : vector<16xi32> to vector<32xbf16>
        %parallel_loop3A_456 = tpu.unpack_subelements %parallel_loop3A_455, 0 {pack_format = #tpu.pack_format<interleaved>} : vector<32xbf16> -> vector<16xf32>
        %parallel_loop3A_457 = tpu.unpack_subelements %parallel_loop3A_455, 1 {pack_format = #tpu.pack_format<interleaved>} : vector<32xbf16> -> vector<16xf32>
        %parallel_loop3A_458 = arith.mulf %parallel_loop3A_456, %parallel_loop3A_389 : vector<16xf32>
        %parallel_loop3A_459 = arith.constant 0 : i32
        %parallel_loop3A_460 = arith.index_cast %parallel_loop3A_459 : i32 to index
        %parallel_loop3A_461 = arith.index_cast %parallel_loop3A_377 : i32 to index
        %parallel_loop3A_462 = arith.constant 96 : index
        %parallel_loop3A_463 = tpu.vector_load %arg7[%parallel_loop3A_460, %parallel_loop3A_461, %parallel_loop3A_462] {strides = array<i32>} : memref<2x120x128xf32, #tpu.memory_space<vmem>>, vector<16xf32>,
        tpu.vector_store %arg7[%parallel_loop3A_460, %parallel_loop3A_461, %parallel_loop3A_462], %parallel_loop3A_458 {strides = array<i32>} : memref<2x120x128xf32, #tpu.memory_space<vmem>>, vector<16xf32>,
        %parallel_loop3A_464 = arith.mulf %parallel_loop3A_457, %parallel_loop3A_389 : vector<16xf32>
        %parallel_loop3A_465 = arith.constant 0 : i32
        %parallel_loop3A_466 = arith.index_cast %parallel_loop3A_465 : i32 to index
        %parallel_loop3A_467 = arith.index_cast %parallel_loop3A_377 : i32 to index
        %parallel_loop3A_468 = arith.constant 112 : index
        %parallel_loop3A_469 = tpu.vector_load %arg7[%parallel_loop3A_466, %parallel_loop3A_467, %parallel_loop3A_468] {strides = array<i32>} : memref<2x120x128xf32, #tpu.memory_space<vmem>>, vector<16xf32>,
        tpu.vector_store %arg7[%parallel_loop3A_466, %parallel_loop3A_467, %parallel_loop3A_468], %parallel_loop3A_464 {strides = array<i32>} : memref<2x120x128xf32, #tpu.memory_space<vmem>>, vector<16xf32>,
      } {sc.loop_unroll_factor = 4 : i64, sc.parallel_access}
      %dma_start3A_186 = arith.constant 0 : i32
      %dma_start3A_187 = arith.constant 0 : i32
      %dma_start3A_188 = arith.constant 1 : i32
      %dma_start3A_189 = arith.constant 0 : i32
      %dma_start3A_190 = arith.constant 0 : i32
      %dma_start3A_191 = tpu.memref_slice %arg7[%dma_start3A_186, %dma_start3A_189, %dma_start3A_190] : memref<2x120x128xf32, #tpu.memory_space<vmem>> -> memref<1x120x128xf32, #tpu.memory_space<vmem>>
      %dma_start3A_192 = tpu.memref_squeeze %dma_start3A_191 : memref<1x120x128xf32, #tpu.memory_space<vmem>> -> memref<120x128xf32, #tpu.memory_space<vmem>>
      %dma_start3A_193 = arith.constant 0 : i32
      %dma_start3A_194 = arith.constant 0 : i32
      %dma_start3A_195 = tpu.memref_slice %arg5[%dma_start3A_187, %dma_start3A_193, %dma_start3A_194] : memref<4x3x120xi32, #tpu.memory_space<vmem>> -> memref<1x3x120xi32, #tpu.memory_space<vmem>>
      %dma_start3A_196 = tpu.memref_squeeze %dma_start3A_195 : memref<1x3x120xi32, #tpu.memory_space<vmem>> -> memref<3x120xi32, #tpu.memory_space<vmem>>
      %dma_start3A_197 = arith.constant 0 : i32
      %dma_start3A_198 = tpu.memref_slice %dma_start3A_196[%dma_start3A_188, %dma_start3A_197] : memref<3x120xi32, #tpu.memory_space<vmem>> -> memref<1x120xi32, #tpu.memory_space<vmem>>
      %dma_start3A_199 = tpu.memref_squeeze %dma_start3A_198 : memref<1x120xi32, #tpu.memory_space<vmem>> -> memref<120xi32, #tpu.memory_space<vmem>>
      %dma_start3A_200 = arith.constant 0 : i32
      %dma_start3A_201 = arith.constant 0 : i32
      %dma_start3A_202 = tpu.memref_slice %arg8[%dma_start3A_200, %dma_start3A_201] : memref<10240x128xf32, #tpu.memory_space<vmem_shared>> -> memref<10240x128xf32, #tpu.memory_space<vmem_shared>>
      tpu.enqueue_indirect_dma source(%dma_start3A_192 : memref<120x128xf32, #tpu.memory_space<vmem>>) target(%dma_start3A_202 : memref<10240x128xf32, #tpu.memory_space<vmem_shared>>) offsets(%dma_start3A_199 : memref<120xi32, #tpu.memory_space<vmem>>) semaphore(%arg11 : memref<!tpu.dma_semaphore, #tpu.memory_space<semaphore_mem>>) {add = true}
      %add3A_203 = arith.constant 1 : i32
      %add3A_204 = arith.addi %add3A_149, %add3A_203 : i32
      %ge3A_205 = arith.constant 2 : i32
      %ge3A_206 = arith.cmpi sge, %add3A_204, %ge3A_205 : i32
      %convert_element_type3A_207 = arith.extui %ge3A_206 : i1 to i32
      %cond3A_208 = arith.constant 0 : i32
      %cond3A_209 = arith.cmpi ne, %convert_element_type3A_207, %cond3A_208 : i32
      scf.if %cond3A_209 {
        %dma_wait3A_377 = arith.constant 1 : i32
        %dma_wait3A_378 = arith.constant 3 : i32
        %dma_wait3A_379 = arith.constant 1 : i32
        %dma_wait3A_380 = arith.constant 0 : i32
        %dma_wait3A_381 = arith.constant 0 : i32
        %dma_wait3A_382 = tpu.memref_slice %arg7[%dma_wait3A_377, %dma_wait3A_380, %dma_wait3A_381] : memref<2x120x128xf32, #tpu.memory_space<vmem>> -> memref<1x120x128xf32, #tpu.memory_space<vmem>>
        %dma_wait3A_383 = tpu.memref_squeeze %dma_wait3A_382 : memref<1x120x128xf32, #tpu.memory_space<vmem>> -> memref<120x128xf32, #tpu.memory_space<vmem>>
        %dma_wait3A_384 = arith.constant 0 : i32
        %dma_wait3A_385 = arith.constant 0 : i32
        %dma_wait3A_386 = tpu.memref_slice %arg5[%dma_wait3A_378, %dma_wait3A_384, %dma_wait3A_385] : memref<4x3x120xi32, #tpu.memory_space<vmem>> -> memref<1x3x120xi32, #tpu.memory_space<vmem>>
        %dma_wait3A_387 = tpu.memref_squeeze %dma_wait3A_386 : memref<1x3x120xi32, #tpu.memory_space<vmem>> -> memref<3x120xi32, #tpu.memory_space<vmem>>
        %dma_wait3A_388 = arith.constant 0 : i32
        %dma_wait3A_389 = tpu.memref_slice %dma_wait3A_387[%dma_wait3A_379, %dma_wait3A_388] : memref<3x120xi32, #tpu.memory_space<vmem>> -> memref<1x120xi32, #tpu.memory_space<vmem>>
        %dma_wait3A_390 = tpu.memref_squeeze %dma_wait3A_389 : memref<1x120xi32, #tpu.memory_space<vmem>> -> memref<120xi32, #tpu.memory_space<vmem>>
        %dma_wait3A_391 = arith.constant 0 : i32
        %dma_wait3A_392 = arith.constant 0 : i32
        %dma_wait3A_393 = tpu.memref_slice %arg8[%dma_wait3A_391, %dma_wait3A_392] : memref<10240x128xf32, #tpu.memory_space<vmem_shared>> -> memref<10240x128xf32, #tpu.memory_space<vmem_shared>>
        tpu.wait_indirect_dma semaphore(%arg12 : memref<!tpu.dma_semaphore, #tpu.memory_space<semaphore_mem>>) src(%dma_wait3A_383 : memref<120x128xf32, #tpu.memory_space<vmem>>) dst(%dma_wait3A_393 : memref<10240x128xf32, #tpu.memory_space<vmem_shared>>)
      } else {
      }
      %add3A_210 = arith.constant 2 : i32
      %add3A_211 = arith.addi %add3A_204, %add3A_210 : i32
      %lt3A_212 = arith.constant 84 : i32
      %lt3A_213 = arith.cmpi slt, %add3A_211, %lt3A_212 : i32
      %convert_element_type3A_214 = arith.extui %lt3A_213 : i1 to i32
      %cond3A_215 = arith.constant 0 : i32
      %cond3A_216 = arith.cmpi ne, %convert_element_type3A_214, %cond3A_215 : i32
      scf.if %cond3A_216 {
        %add3A_377 = arith.constant 2 : i32
        %add3A_378 = arith.addi %add3A_204, %add3A_377 : i32
        %add3A_379 = arith.addi %mul3A_32, %add3A_378 : i32
        %dma_start3A_380 = arith.constant 3 : i32
        %dma_start3A_381 = arith.constant 0 : i32
        %dma_start3A_382 = arith.constant 0 : i32
        %dma_start3A_383 = tpu.memref_slice %arg5[%dma_start3A_380, %dma_start3A_381, %dma_start3A_382] : memref<4x3x120xi32, #tpu.memory_space<vmem>> -> memref<1x3x120xi32, #tpu.memory_space<vmem>>
        %dma_start3A_384 = tpu.memref_squeeze %dma_start3A_383 : memref<1x3x120xi32, #tpu.memory_space<vmem>> -> memref<3x120xi32, #tpu.memory_space<vmem>>
        %dma_start3A_385 = arith.constant 0 : i32
        %dma_start3A_386 = arith.constant 0 : i32
        %dma_start3A_387 = tpu.memref_slice %arg3[%add3A_379, %dma_start3A_385, %dma_start3A_386] : memref<2688x3x120xi32, #tpu.memory_space<hbm>> -> memref<1x3x120xi32, #tpu.memory_space<hbm>>
        %dma_start3A_388 = tpu.memref_squeeze %dma_start3A_387 : memref<1x3x120xi32, #tpu.memory_space<hbm>> -> memref<3x120xi32, #tpu.memory_space<hbm>>
        %dma_start3A_389 = arith.constant 0 : i32
        %dma_start3A_390 = arith.constant 0 : i32
        %dma_start3A_391 = tpu.memref_slice %arg5[%dma_start3A_380, %dma_start3A_389, %dma_start3A_390] : memref<4x3x120xi32, #tpu.memory_space<vmem>> -> memref<1x3x120xi32, #tpu.memory_space<vmem>>
        %dma_start3A_392 = tpu.memref_squeeze %dma_start3A_391 : memref<1x3x120xi32, #tpu.memory_space<vmem>> -> memref<3x120xi32, #tpu.memory_space<vmem>>
        %dma_start3A_393 = arith.constant 0 : i32
        %dma_start3A_394 = arith.constant 0 : i32
        %dma_start3A_395 = tpu.memref_slice %arg3[%add3A_379, %dma_start3A_393, %dma_start3A_394] : memref<2688x3x120xi32, #tpu.memory_space<hbm>> -> memref<1x3x120xi32, #tpu.memory_space<hbm>>
        %dma_start3A_396 = tpu.memref_squeeze %dma_start3A_395 : memref<1x3x120xi32, #tpu.memory_space<hbm>> -> memref<3x120xi32, #tpu.memory_space<hbm>>
        tpu.enqueue_dma source(%dma_start3A_396 : memref<3x120xi32, #tpu.memory_space<hbm>>) target(%dma_start3A_392 : memref<3x120xi32, #tpu.memory_space<vmem>>) target_semaphore(%arg16 : memref<!tpu.dma_semaphore, #tpu.memory_space<semaphore_mem>>)
      } else {
      }
      %add3A_217 = arith.constant 1 : i32
      %add3A_218 = arith.addi %add3A_204, %add3A_217 : i32
      %lt3A_219 = arith.constant 84 : i32
      %lt3A_220 = arith.cmpi slt, %add3A_218, %lt3A_219 : i32
      %convert_element_type3A_221 = arith.extui %lt3A_220 : i1 to i32
      %cond3A_222 = arith.constant 0 : i32
      %cond3A_223 = arith.cmpi ne, %convert_element_type3A_221, %cond3A_222 : i32
      scf.if %cond3A_223 {
        %add3A_377 = arith.constant 1 : i32
        %add3A_378 = arith.addi %add3A_204, %add3A_377 : i32
        %add3A_379 = arith.addi %mul3A_32, %add3A_378 : i32
        %dma_wait3A_380 = arith.constant 2 : i32
        %dma_wait3A_381 = arith.constant 0 : i32
        %dma_wait3A_382 = arith.constant 0 : i32
        %dma_wait3A_383 = tpu.memref_slice %arg5[%dma_wait3A_380, %dma_wait3A_381, %dma_wait3A_382] : memref<4x3x120xi32, #tpu.memory_space<vmem>> -> memref<1x3x120xi32, #tpu.memory_space<vmem>>
        %dma_wait3A_384 = tpu.memref_squeeze %dma_wait3A_383 : memref<1x3x120xi32, #tpu.memory_space<vmem>> -> memref<3x120xi32, #tpu.memory_space<vmem>>
        %dma_wait3A_385 = arith.constant 0 : i32
        %dma_wait3A_386 = arith.constant 0 : i32
        %dma_wait3A_387 = tpu.memref_slice %arg3[%add3A_379, %dma_wait3A_385, %dma_wait3A_386] : memref<2688x3x120xi32, #tpu.memory_space<hbm>> -> memref<1x3x120xi32, #tpu.memory_space<hbm>>
        %dma_wait3A_388 = tpu.memref_squeeze %dma_wait3A_387 : memref<1x3x120xi32, #tpu.memory_space<hbm>> -> memref<3x120xi32, #tpu.memory_space<hbm>>
        %dma_wait3A_389 = arith.constant 0 : i32
        %dma_wait3A_390 = arith.constant 0 : i32
        %dma_wait3A_391 = tpu.memref_slice %arg5[%dma_wait3A_380, %dma_wait3A_389, %dma_wait3A_390] : memref<4x3x120xi32, #tpu.memory_space<vmem>> -> memref<1x3x120xi32, #tpu.memory_space<vmem>>
        %dma_wait3A_392 = tpu.memref_squeeze %dma_wait3A_391 : memref<1x3x120xi32, #tpu.memory_space<vmem>> -> memref<3x120xi32, #tpu.memory_space<vmem>>
        %dma_wait3A_393 = arith.constant 0 : i32
        %dma_wait3A_394 = arith.constant 0 : i32
        %dma_wait3A_395 = tpu.memref_slice %arg3[%add3A_379, %dma_wait3A_393, %dma_wait3A_394] : memref<2688x3x120xi32, #tpu.memory_space<hbm>> -> memref<1x3x120xi32, #tpu.memory_space<hbm>>
        %dma_wait3A_396 = tpu.memref_squeeze %dma_wait3A_395 : memref<1x3x120xi32, #tpu.memory_space<hbm>> -> memref<3x120xi32, #tpu.memory_space<hbm>>
        tpu.wait_dma2 semaphore(%arg15 : memref<!tpu.dma_semaphore, #tpu.memory_space<semaphore_mem>>) src(%dma_wait3A_396 : memref<3x120xi32, #tpu.memory_space<hbm>>) dst(%dma_wait3A_392 : memref<3x120xi32, #tpu.memory_space<vmem>>)
        %dma_start3A_397 = arith.constant 2 : i32
        %dma_start3A_398 = arith.constant 0 : i32
        %dma_start3A_399 = arith.constant 0 : i32
        %dma_start3A_400 = arith.constant 0 : i32
        %dma_start3A_401 = arith.constant 0 : i32
        %dma_start3A_402 = tpu.memref_slice %arg6[%dma_start3A_399, %dma_start3A_400, %dma_start3A_401] : memref<2x120x64xi32, #tpu.memory_space<vmem>> -> memref<1x120x64xi32, #tpu.memory_space<vmem>>
        %dma_start3A_403 = tpu.memref_squeeze %dma_start3A_402 : memref<1x120x64xi32, #tpu.memory_space<vmem>> -> memref<120x64xi32, #tpu.memory_space<vmem>>
        %dma_start3A_404 = arith.constant 0 : i32
        %dma_start3A_405 = arith.constant 0 : i32
        %dma_start3A_406 = tpu.memref_slice %arg5[%dma_start3A_397, %dma_start3A_404, %dma_start3A_405] : memref<4x3x120xi32, #tpu.memory_space<vmem>> -> memref<1x3x120xi32, #tpu.memory_space<vmem>>
        %dma_start3A_407 = tpu.memref_squeeze %dma_start3A_406 : memref<1x3x120xi32, #tpu.memory_space<vmem>> -> memref<3x120xi32, #tpu.memory_space<vmem>>
        %dma_start3A_408 = arith.constant 0 : i32
        %dma_start3A_409 = tpu.memref_slice %dma_start3A_407[%dma_start3A_398, %dma_start3A_408] : memref<3x120xi32, #tpu.memory_space<vmem>> -> memref<1x120xi32, #tpu.memory_space<vmem>>
        %dma_start3A_410 = tpu.memref_squeeze %dma_start3A_409 : memref<1x120xi32, #tpu.memory_space<vmem>> -> memref<120xi32, #tpu.memory_space<vmem>>
        %dma_start3A_411 = arith.constant 0 : i32
        %dma_start3A_412 = arith.constant 0 : i32
        %dma_start3A_413 = tpu.memref_slice %arg2[%dma_start3A_411, %dma_start3A_412] : memref<10240x64xi32, #tpu.memory_space<hbm>> -> memref<10240x64xi32, #tpu.memory_space<hbm>>
        tpu.enqueue_indirect_dma source(%dma_start3A_413 : memref<10240x64xi32, #tpu.memory_space<hbm>>) target(%dma_start3A_403 : memref<120x64xi32, #tpu.memory_space<vmem>>) offsets(%dma_start3A_410 : memref<120xi32, #tpu.memory_space<vmem>>) semaphore(%arg9 : memref<!tpu.dma_semaphore, #tpu.memory_space<semaphore_mem>>)
      } else {
      }
      %dma_wait3A_224 = arith.constant 1 : i32
      %dma_wait3A_225 = arith.constant 0 : i32
      %dma_wait3A_226 = arith.constant 1 : i32
      %dma_wait3A_227 = arith.constant 0 : i32
      %dma_wait3A_228 = arith.constant 0 : i32
      %dma_wait3A_229 = tpu.memref_slice %arg6[%dma_wait3A_226, %dma_wait3A_227, %dma_wait3A_228] : memref<2x120x64xi32, #tpu.memory_space<vmem>> -> memref<1x120x64xi32, #tpu.memory_space<vmem>>
      %dma_wait3A_230 = tpu.memref_squeeze %dma_wait3A_229 : memref<1x120x64xi32, #tpu.memory_space<vmem>> -> memref<120x64xi32, #tpu.memory_space<vmem>>
      %dma_wait3A_231 = arith.constant 0 : i32
      %dma_wait3A_232 = arith.constant 0 : i32
      %dma_wait3A_233 = tpu.memref_slice %arg5[%dma_wait3A_224, %dma_wait3A_231, %dma_wait3A_232] : memref<4x3x120xi32, #tpu.memory_space<vmem>> -> memref<1x3x120xi32, #tpu.memory_space<vmem>>
      %dma_wait3A_234 = tpu.memref_squeeze %dma_wait3A_233 : memref<1x3x120xi32, #tpu.memory_space<vmem>> -> memref<3x120xi32, #tpu.memory_space<vmem>>
      %dma_wait3A_235 = arith.constant 0 : i32
      %dma_wait3A_236 = tpu.memref_slice %dma_wait3A_234[%dma_wait3A_225, %dma_wait3A_235] : memref<3x120xi32, #tpu.memory_space<vmem>> -> memref<1x120xi32, #tpu.memory_space<vmem>>
      %dma_wait3A_237 = tpu.memref_squeeze %dma_wait3A_236 : memref<1x120xi32, #tpu.memory_space<vmem>> -> memref<120xi32, #tpu.memory_space<vmem>>
      %dma_wait3A_238 = arith.constant 0 : i32
      %dma_wait3A_239 = arith.constant 0 : i32
      %dma_wait3A_240 = tpu.memref_slice %arg2[%dma_wait3A_238, %dma_wait3A_239] : memref<10240x64xi32, #tpu.memory_space<hbm>> -> memref<10240x64xi32, #tpu.memory_space<hbm>>
      tpu.wait_indirect_dma semaphore(%arg10 : memref<!tpu.dma_semaphore, #tpu.memory_space<semaphore_mem>>) src(%dma_wait3A_240 : memref<10240x64xi32, #tpu.memory_space<hbm>>) dst(%dma_wait3A_230 : memref<120x64xi32, #tpu.memory_space<vmem>>)
      %parallel_loop3A_241 = arith.constant 0 : i32
      %parallel_loop3A_242 = arith.constant 120 : i32
      %parallel_loop3A_243 = arith.constant 1 : i32
      scf.for %parallel_loop3A_377 = %parallel_loop3A_241 to %parallel_loop3A_242 step %parallel_loop3A_243  : i32 {
        %parallel_loop3A_378 = vector.broadcast %parallel_loop3A_377 : i32 to vector<16xi32>
        %parallel_loop3A_379 = arith.constant 1 : i32
        %parallel_loop3A_380 = arith.constant 2 : i32
        %parallel_loop3A_381 = arith.constant 0 : i32
        %parallel_loop3A_382 = arith.constant 0 : i32
        %parallel_loop3A_383 = tpu.memref_slice %arg5[%parallel_loop3A_379, %parallel_loop3A_381, %parallel_loop3A_382] : memref<4x3x120xi32, #tpu.memory_space<vmem>> -> memref<1x3x120xi32, #tpu.memory_space<vmem>>
        %parallel_loop3A_384 = tpu.memref_squeeze %parallel_loop3A_383 : memref<1x3x120xi32, #tpu.memory_space<vmem>> -> memref<3x120xi32, #tpu.memory_space<vmem>>
        %parallel_loop3A_385 = arith.constant 0 : i32
        %parallel_loop3A_386 = tpu.memref_slice %parallel_loop3A_384[%parallel_loop3A_380, %parallel_loop3A_385] : memref<3x120xi32, #tpu.memory_space<vmem>> -> memref<1x120xi32, #tpu.memory_space<vmem>>
        %parallel_loop3A_387 = tpu.memref_squeeze %parallel_loop3A_386 : memref<1x120xi32, #tpu.memory_space<vmem>> -> memref<120xi32, #tpu.memory_space<vmem>>
        %parallel_loop3A_388 = tpu.vector_load_idx %parallel_loop3A_387[%parallel_loop3A_378] : memref<120xi32, #tpu.memory_space<vmem>>[vector<16xi32>], vector<16xi32>,
        %parallel_loop3A_389 = vector.bitcast %parallel_loop3A_388 : vector<16xi32> to vector<16xf32>
        %parallel_loop3A_390 = arith.constant 1 : i32
        %parallel_loop3A_391 = arith.index_cast %parallel_loop3A_390 : i32 to index
        %parallel_loop3A_392 = arith.index_cast %parallel_loop3A_377 : i32 to index
        %parallel_loop3A_393 = arith.constant 0 : index
        %parallel_loop3A_394 = tpu.vector_load %arg6[%parallel_loop3A_391, %parallel_loop3A_392, %parallel_loop3A_393] {strides = array<i32>} : memref<2x120x64xi32, #tpu.memory_space<vmem>>, vector<16xi32>,
        %parallel_loop3A_395 = vector.bitcast %parallel_loop3A_394 : vector<16xi32> to vector<32xbf16>
        %parallel_loop3A_396 = tpu.unpack_subelements %parallel_loop3A_395, 0 {pack_format = #tpu.pack_format<interleaved>} : vector<32xbf16> -> vector<16xf32>
        %parallel_loop3A_397 = tpu.unpack_subelements %parallel_loop3A_395, 1 {pack_format = #tpu.pack_format<interleaved>} : vector<32xbf16> -> vector<16xf32>
        %parallel_loop3A_398 = arith.mulf %parallel_loop3A_396, %parallel_loop3A_389 : vector<16xf32>
        %parallel_loop3A_399 = arith.constant 1 : i32
        %parallel_loop3A_400 = arith.index_cast %parallel_loop3A_399 : i32 to index
        %parallel_loop3A_401 = arith.index_cast %parallel_loop3A_377 : i32 to index
        %parallel_loop3A_402 = arith.constant 0 : index
        %parallel_loop3A_403 = tpu.vector_load %arg7[%parallel_loop3A_400, %parallel_loop3A_401, %parallel_loop3A_402] {strides = array<i32>} : memref<2x120x128xf32, #tpu.memory_space<vmem>>, vector<16xf32>,
        tpu.vector_store %arg7[%parallel_loop3A_400, %parallel_loop3A_401, %parallel_loop3A_402], %parallel_loop3A_398 {strides = array<i32>} : memref<2x120x128xf32, #tpu.memory_space<vmem>>, vector<16xf32>,
        %parallel_loop3A_404 = arith.mulf %parallel_loop3A_397, %parallel_loop3A_389 : vector<16xf32>
        %parallel_loop3A_405 = arith.constant 1 : i32
        %parallel_loop3A_406 = arith.index_cast %parallel_loop3A_405 : i32 to index
        %parallel_loop3A_407 = arith.index_cast %parallel_loop3A_377 : i32 to index
        %parallel_loop3A_408 = arith.constant 16 : index
        %parallel_loop3A_409 = tpu.vector_load %arg7[%parallel_loop3A_406, %parallel_loop3A_407, %parallel_loop3A_408] {strides = array<i32>} : memref<2x120x128xf32, #tpu.memory_space<vmem>>, vector<16xf32>,
        tpu.vector_store %arg7[%parallel_loop3A_406, %parallel_loop3A_407, %parallel_loop3A_408], %parallel_loop3A_404 {strides = array<i32>} : memref<2x120x128xf32, #tpu.memory_space<vmem>>, vector<16xf32>,
        %parallel_loop3A_410 = arith.constant 1 : i32
        %parallel_loop3A_411 = arith.index_cast %parallel_loop3A_410 : i32 to index
        %parallel_loop3A_412 = arith.index_cast %parallel_loop3A_377 : i32 to index
        %parallel_loop3A_413 = arith.constant 16 : index
        %parallel_loop3A_414 = tpu.vector_load %arg6[%parallel_loop3A_411, %parallel_loop3A_412, %parallel_loop3A_413] {strides = array<i32>} : memref<2x120x64xi32, #tpu.memory_space<vmem>>, vector<16xi32>,
        %parallel_loop3A_415 = vector.bitcast %parallel_loop3A_414 : vector<16xi32> to vector<32xbf16>
        %parallel_loop3A_416 = tpu.unpack_subelements %parallel_loop3A_415, 0 {pack_format = #tpu.pack_format<interleaved>} : vector<32xbf16> -> vector<16xf32>
        %parallel_loop3A_417 = tpu.unpack_subelements %parallel_loop3A_415, 1 {pack_format = #tpu.pack_format<interleaved>} : vector<32xbf16> -> vector<16xf32>
        %parallel_loop3A_418 = arith.mulf %parallel_loop3A_416, %parallel_loop3A_389 : vector<16xf32>
        %parallel_loop3A_419 = arith.constant 1 : i32
        %parallel_loop3A_420 = arith.index_cast %parallel_loop3A_419 : i32 to index
        %parallel_loop3A_421 = arith.index_cast %parallel_loop3A_377 : i32 to index
        %parallel_loop3A_422 = arith.constant 32 : index
        %parallel_loop3A_423 = tpu.vector_load %arg7[%parallel_loop3A_420, %parallel_loop3A_421, %parallel_loop3A_422] {strides = array<i32>} : memref<2x120x128xf32, #tpu.memory_space<vmem>>, vector<16xf32>,
        tpu.vector_store %arg7[%parallel_loop3A_420, %parallel_loop3A_421, %parallel_loop3A_422], %parallel_loop3A_418 {strides = array<i32>} : memref<2x120x128xf32, #tpu.memory_space<vmem>>, vector<16xf32>,
        %parallel_loop3A_424 = arith.mulf %parallel_loop3A_417, %parallel_loop3A_389 : vector<16xf32>
        %parallel_loop3A_425 = arith.constant 1 : i32
        %parallel_loop3A_426 = arith.index_cast %parallel_loop3A_425 : i32 to index
        %parallel_loop3A_427 = arith.index_cast %parallel_loop3A_377 : i32 to index
        %parallel_loop3A_428 = arith.constant 48 : index
        %parallel_loop3A_429 = tpu.vector_load %arg7[%parallel_loop3A_426, %parallel_loop3A_427, %parallel_loop3A_428] {strides = array<i32>} : memref<2x120x128xf32, #tpu.memory_space<vmem>>, vector<16xf32>,
        tpu.vector_store %arg7[%parallel_loop3A_426, %parallel_loop3A_427, %parallel_loop3A_428], %parallel_loop3A_424 {strides = array<i32>} : memref<2x120x128xf32, #tpu.memory_space<vmem>>, vector<16xf32>,
        %parallel_loop3A_430 = arith.constant 1 : i32
        %parallel_loop3A_431 = arith.index_cast %parallel_loop3A_430 : i32 to index
        %parallel_loop3A_432 = arith.index_cast %parallel_loop3A_377 : i32 to index
        %parallel_loop3A_433 = arith.constant 32 : index
        %parallel_loop3A_434 = tpu.vector_load %arg6[%parallel_loop3A_431, %parallel_loop3A_432, %parallel_loop3A_433] {strides = array<i32>} : memref<2x120x64xi32, #tpu.memory_space<vmem>>, vector<16xi32>,
        %parallel_loop3A_435 = vector.bitcast %parallel_loop3A_434 : vector<16xi32> to vector<32xbf16>
        %parallel_loop3A_436 = tpu.unpack_subelements %parallel_loop3A_435, 0 {pack_format = #tpu.pack_format<interleaved>} : vector<32xbf16> -> vector<16xf32>
        %parallel_loop3A_437 = tpu.unpack_subelements %parallel_loop3A_435, 1 {pack_format = #tpu.pack_format<interleaved>} : vector<32xbf16> -> vector<16xf32>
        %parallel_loop3A_438 = arith.mulf %parallel_loop3A_436, %parallel_loop3A_389 : vector<16xf32>
        %parallel_loop3A_439 = arith.constant 1 : i32
        %parallel_loop3A_440 = arith.index_cast %parallel_loop3A_439 : i32 to index
        %parallel_loop3A_441 = arith.index_cast %parallel_loop3A_377 : i32 to index
        %parallel_loop3A_442 = arith.constant 64 : index
        %parallel_loop3A_443 = tpu.vector_load %arg7[%parallel_loop3A_440, %parallel_loop3A_441, %parallel_loop3A_442] {strides = array<i32>} : memref<2x120x128xf32, #tpu.memory_space<vmem>>, vector<16xf32>,
        tpu.vector_store %arg7[%parallel_loop3A_440, %parallel_loop3A_441, %parallel_loop3A_442], %parallel_loop3A_438 {strides = array<i32>} : memref<2x120x128xf32, #tpu.memory_space<vmem>>, vector<16xf32>,
        %parallel_loop3A_444 = arith.mulf %parallel_loop3A_437, %parallel_loop3A_389 : vector<16xf32>
        %parallel_loop3A_445 = arith.constant 1 : i32
        %parallel_loop3A_446 = arith.index_cast %parallel_loop3A_445 : i32 to index
        %parallel_loop3A_447 = arith.index_cast %parallel_loop3A_377 : i32 to index
        %parallel_loop3A_448 = arith.constant 80 : index
        %parallel_loop3A_449 = tpu.vector_load %arg7[%parallel_loop3A_446, %parallel_loop3A_447, %parallel_loop3A_448] {strides = array<i32>} : memref<2x120x128xf32, #tpu.memory_space<vmem>>, vector<16xf32>,
        tpu.vector_store %arg7[%parallel_loop3A_446, %parallel_loop3A_447, %parallel_loop3A_448], %parallel_loop3A_444 {strides = array<i32>} : memref<2x120x128xf32, #tpu.memory_space<vmem>>, vector<16xf32>,
        %parallel_loop3A_450 = arith.constant 1 : i32
        %parallel_loop3A_451 = arith.index_cast %parallel_loop3A_450 : i32 to index
        %parallel_loop3A_452 = arith.index_cast %parallel_loop3A_377 : i32 to index
        %parallel_loop3A_453 = arith.constant 48 : index
        %parallel_loop3A_454 = tpu.vector_load %arg6[%parallel_loop3A_451, %parallel_loop3A_452, %parallel_loop3A_453] {strides = array<i32>} : memref<2x120x64xi32, #tpu.memory_space<vmem>>, vector<16xi32>,
        %parallel_loop3A_455 = vector.bitcast %parallel_loop3A_454 : vector<16xi32> to vector<32xbf16>
        %parallel_loop3A_456 = tpu.unpack_subelements %parallel_loop3A_455, 0 {pack_format = #tpu.pack_format<interleaved>} : vector<32xbf16> -> vector<16xf32>
        %parallel_loop3A_457 = tpu.unpack_subelements %parallel_loop3A_455, 1 {pack_format = #tpu.pack_format<interleaved>} : vector<32xbf16> -> vector<16xf32>
        %parallel_loop3A_458 = arith.mulf %parallel_loop3A_456, %parallel_loop3A_389 : vector<16xf32>
        %parallel_loop3A_459 = arith.constant 1 : i32
        %parallel_loop3A_460 = arith.index_cast %parallel_loop3A_459 : i32 to index
        %parallel_loop3A_461 = arith.index_cast %parallel_loop3A_377 : i32 to index
        %parallel_loop3A_462 = arith.constant 96 : index
        %parallel_loop3A_463 = tpu.vector_load %arg7[%parallel_loop3A_460, %parallel_loop3A_461, %parallel_loop3A_462] {strides = array<i32>} : memref<2x120x128xf32, #tpu.memory_space<vmem>>, vector<16xf32>,
        tpu.vector_store %arg7[%parallel_loop3A_460, %parallel_loop3A_461, %parallel_loop3A_462], %parallel_loop3A_458 {strides = array<i32>} : memref<2x120x128xf32, #tpu.memory_space<vmem>>, vector<16xf32>,
        %parallel_loop3A_464 = arith.mulf %parallel_loop3A_457, %parallel_loop3A_389 : vector<16xf32>
        %parallel_loop3A_465 = arith.constant 1 : i32
        %parallel_loop3A_466 = arith.index_cast %parallel_loop3A_465 : i32 to index
        %parallel_loop3A_467 = arith.index_cast %parallel_loop3A_377 : i32 to index
        %parallel_loop3A_468 = arith.constant 112 : index
        %parallel_loop3A_469 = tpu.vector_load %arg7[%parallel_loop3A_466, %parallel_loop3A_467, %parallel_loop3A_468] {strides = array<i32>} : memref<2x120x128xf32, #tpu.memory_space<vmem>>, vector<16xf32>,
        tpu.vector_store %arg7[%parallel_loop3A_466, %parallel_loop3A_467, %parallel_loop3A_468], %parallel_loop3A_464 {strides = array<i32>} : memref<2x120x128xf32, #tpu.memory_space<vmem>>, vector<16xf32>,
      } {sc.loop_unroll_factor = 4 : i64, sc.parallel_access}
      %dma_start3A_244 = arith.constant 1 : i32
      %dma_start3A_245 = arith.constant 1 : i32
      %dma_start3A_246 = arith.constant 1 : i32
      %dma_start3A_247 = arith.constant 0 : i32
      %dma_start3A_248 = arith.constant 0 : i32
      %dma_start3A_249 = tpu.memref_slice %arg7[%dma_start3A_244, %dma_start3A_247, %dma_start3A_248] : memref<2x120x128xf32, #tpu.memory_space<vmem>> -> memref<1x120x128xf32, #tpu.memory_space<vmem>>
      %dma_start3A_250 = tpu.memref_squeeze %dma_start3A_249 : memref<1x120x128xf32, #tpu.memory_space<vmem>> -> memref<120x128xf32, #tpu.memory_space<vmem>>
      %dma_start3A_251 = arith.constant 0 : i32
      %dma_start3A_252 = arith.constant 0 : i32
      %dma_start3A_253 = tpu.memref_slice %arg5[%dma_start3A_245, %dma_start3A_251, %dma_start3A_252] : memref<4x3x120xi32, #tpu.memory_space<vmem>> -> memref<1x3x120xi32, #tpu.memory_space<vmem>>
      %dma_start3A_254 = tpu.memref_squeeze %dma_start3A_253 : memref<1x3x120xi32, #tpu.memory_space<vmem>> -> memref<3x120xi32, #tpu.memory_space<vmem>>
      %dma_start3A_255 = arith.constant 0 : i32
      %dma_start3A_256 = tpu.memref_slice %dma_start3A_254[%dma_start3A_246, %dma_start3A_255] : memref<3x120xi32, #tpu.memory_space<vmem>> -> memref<1x120xi32, #tpu.memory_space<vmem>>
      %dma_start3A_257 = tpu.memref_squeeze %dma_start3A_256 : memref<1x120xi32, #tpu.memory_space<vmem>> -> memref<120xi32, #tpu.memory_space<vmem>>
      %dma_start3A_258 = arith.constant 0 : i32
      %dma_start3A_259 = arith.constant 0 : i32
      %dma_start3A_260 = tpu.memref_slice %arg8[%dma_start3A_258, %dma_start3A_259] : memref<10240x128xf32, #tpu.memory_space<vmem_shared>> -> memref<10240x128xf32, #tpu.memory_space<vmem_shared>>
      tpu.enqueue_indirect_dma source(%dma_start3A_250 : memref<120x128xf32, #tpu.memory_space<vmem>>) target(%dma_start3A_260 : memref<10240x128xf32, #tpu.memory_space<vmem_shared>>) offsets(%dma_start3A_257 : memref<120xi32, #tpu.memory_space<vmem>>) semaphore(%arg12 : memref<!tpu.dma_semaphore, #tpu.memory_space<semaphore_mem>>) {add = true}
      %add3A_261 = arith.constant 2 : i32
      %add3A_262 = arith.addi %add3A_149, %add3A_261 : i32
      %ge3A_263 = arith.constant 2 : i32
      %ge3A_264 = arith.cmpi sge, %add3A_262, %ge3A_263 : i32
      %convert_element_type3A_265 = arith.extui %ge3A_264 : i1 to i32
      %cond3A_266 = arith.constant 0 : i32
      %cond3A_267 = arith.cmpi ne, %convert_element_type3A_265, %cond3A_266 : i32
      scf.if %cond3A_267 {
        %dma_wait3A_377 = arith.constant 0 : i32
        %dma_wait3A_378 = arith.constant 0 : i32
        %dma_wait3A_379 = arith.constant 1 : i32
        %dma_wait3A_380 = arith.constant 0 : i32
        %dma_wait3A_381 = arith.constant 0 : i32
        %dma_wait3A_382 = tpu.memref_slice %arg7[%dma_wait3A_377, %dma_wait3A_380, %dma_wait3A_381] : memref<2x120x128xf32, #tpu.memory_space<vmem>> -> memref<1x120x128xf32, #tpu.memory_space<vmem>>
        %dma_wait3A_383 = tpu.memref_squeeze %dma_wait3A_382 : memref<1x120x128xf32, #tpu.memory_space<vmem>> -> memref<120x128xf32, #tpu.memory_space<vmem>>
        %dma_wait3A_384 = arith.constant 0 : i32
        %dma_wait3A_385 = arith.constant 0 : i32
        %dma_wait3A_386 = tpu.memref_slice %arg5[%dma_wait3A_378, %dma_wait3A_384, %dma_wait3A_385] : memref<4x3x120xi32, #tpu.memory_space<vmem>> -> memref<1x3x120xi32, #tpu.memory_space<vmem>>
        %dma_wait3A_387 = tpu.memref_squeeze %dma_wait3A_386 : memref<1x3x120xi32, #tpu.memory_space<vmem>> -> memref<3x120xi32, #tpu.memory_space<vmem>>
        %dma_wait3A_388 = arith.constant 0 : i32
        %dma_wait3A_389 = tpu.memref_slice %dma_wait3A_387[%dma_wait3A_379, %dma_wait3A_388] : memref<3x120xi32, #tpu.memory_space<vmem>> -> memref<1x120xi32, #tpu.memory_space<vmem>>
        %dma_wait3A_390 = tpu.memref_squeeze %dma_wait3A_389 : memref<1x120xi32, #tpu.memory_space<vmem>> -> memref<120xi32, #tpu.memory_space<vmem>>
        %dma_wait3A_391 = arith.constant 0 : i32
        %dma_wait3A_392 = arith.constant 0 : i32
        %dma_wait3A_393 = tpu.memref_slice %arg8[%dma_wait3A_391, %dma_wait3A_392] : memref<10240x128xf32, #tpu.memory_space<vmem_shared>> -> memref<10240x128xf32, #tpu.memory_space<vmem_shared>>
        tpu.wait_indirect_dma semaphore(%arg11 : memref<!tpu.dma_semaphore, #tpu.memory_space<semaphore_mem>>) src(%dma_wait3A_383 : memref<120x128xf32, #tpu.memory_space<vmem>>) dst(%dma_wait3A_393 : memref<10240x128xf32, #tpu.memory_space<vmem_shared>>)
      } else {
      }
      %add3A_268 = arith.constant 2 : i32
      %add3A_269 = arith.addi %add3A_262, %add3A_268 : i32
      %lt3A_270 = arith.constant 84 : i32
      %lt3A_271 = arith.cmpi slt, %add3A_269, %lt3A_270 : i32
      %convert_element_type3A_272 = arith.extui %lt3A_271 : i1 to i32
      %cond3A_273 = arith.constant 0 : i32
      %cond3A_274 = arith.cmpi ne, %convert_element_type3A_272, %cond3A_273 : i32
      scf.if %cond3A_274 {
        %add3A_377 = arith.constant 2 : i32
        %add3A_378 = arith.addi %add3A_262, %add3A_377 : i32
        %add3A_379 = arith.addi %mul3A_32, %add3A_378 : i32
        %dma_start3A_380 = arith.constant 0 : i32
        %dma_start3A_381 = arith.constant 0 : i32
        %dma_start3A_382 = arith.constant 0 : i32
        %dma_start3A_383 = tpu.memref_slice %arg5[%dma_start3A_380, %dma_start3A_381, %dma_start3A_382] : memref<4x3x120xi32, #tpu.memory_space<vmem>> -> memref<1x3x120xi32, #tpu.memory_space<vmem>>
        %dma_start3A_384 = tpu.memref_squeeze %dma_start3A_383 : memref<1x3x120xi32, #tpu.memory_space<vmem>> -> memref<3x120xi32, #tpu.memory_space<vmem>>
        %dma_start3A_385 = arith.constant 0 : i32
        %dma_start3A_386 = arith.constant 0 : i32
        %dma_start3A_387 = tpu.memref_slice %arg3[%add3A_379, %dma_start3A_385, %dma_start3A_386] : memref<2688x3x120xi32, #tpu.memory_space<hbm>> -> memref<1x3x120xi32, #tpu.memory_space<hbm>>
        %dma_start3A_388 = tpu.memref_squeeze %dma_start3A_387 : memref<1x3x120xi32, #tpu.memory_space<hbm>> -> memref<3x120xi32, #tpu.memory_space<hbm>>
        %dma_start3A_389 = arith.constant 0 : i32
        %dma_start3A_390 = arith.constant 0 : i32
        %dma_start3A_391 = tpu.memref_slice %arg5[%dma_start3A_380, %dma_start3A_389, %dma_start3A_390] : memref<4x3x120xi32, #tpu.memory_space<vmem>> -> memref<1x3x120xi32, #tpu.memory_space<vmem>>
        %dma_start3A_392 = tpu.memref_squeeze %dma_start3A_391 : memref<1x3x120xi32, #tpu.memory_space<vmem>> -> memref<3x120xi32, #tpu.memory_space<vmem>>
        %dma_start3A_393 = arith.constant 0 : i32
        %dma_start3A_394 = arith.constant 0 : i32
        %dma_start3A_395 = tpu.memref_slice %arg3[%add3A_379, %dma_start3A_393, %dma_start3A_394] : memref<2688x3x120xi32, #tpu.memory_space<hbm>> -> memref<1x3x120xi32, #tpu.memory_space<hbm>>
        %dma_start3A_396 = tpu.memref_squeeze %dma_start3A_395 : memref<1x3x120xi32, #tpu.memory_space<hbm>> -> memref<3x120xi32, #tpu.memory_space<hbm>>
        tpu.enqueue_dma source(%dma_start3A_396 : memref<3x120xi32, #tpu.memory_space<hbm>>) target(%dma_start3A_392 : memref<3x120xi32, #tpu.memory_space<vmem>>) target_semaphore(%arg13 : memref<!tpu.dma_semaphore, #tpu.memory_space<semaphore_mem>>)
      } else {
      }
      %add3A_275 = arith.constant 1 : i32
      %add3A_276 = arith.addi %add3A_262, %add3A_275 : i32
      %lt3A_277 = arith.constant 84 : i32
      %lt3A_278 = arith.cmpi slt, %add3A_276, %lt3A_277 : i32
      %convert_element_type3A_279 = arith.extui %lt3A_278 : i1 to i32
      %cond3A_280 = arith.constant 0 : i32
      %cond3A_281 = arith.cmpi ne, %convert_element_type3A_279, %cond3A_280 : i32
      scf.if %cond3A_281 {
        %add3A_377 = arith.constant 1 : i32
        %add3A_378 = arith.addi %add3A_262, %add3A_377 : i32
        %add3A_379 = arith.addi %mul3A_32, %add3A_378 : i32
        %dma_wait3A_380 = arith.constant 3 : i32
        %dma_wait3A_381 = arith.constant 0 : i32
        %dma_wait3A_382 = arith.constant 0 : i32
        %dma_wait3A_383 = tpu.memref_slice %arg5[%dma_wait3A_380, %dma_wait3A_381, %dma_wait3A_382] : memref<4x3x120xi32, #tpu.memory_space<vmem>> -> memref<1x3x120xi32, #tpu.memory_space<vmem>>
        %dma_wait3A_384 = tpu.memref_squeeze %dma_wait3A_383 : memref<1x3x120xi32, #tpu.memory_space<vmem>> -> memref<3x120xi32, #tpu.memory_space<vmem>>
        %dma_wait3A_385 = arith.constant 0 : i32
        %dma_wait3A_386 = arith.constant 0 : i32
        %dma_wait3A_387 = tpu.memref_slice %arg3[%add3A_379, %dma_wait3A_385, %dma_wait3A_386] : memref<2688x3x120xi32, #tpu.memory_space<hbm>> -> memref<1x3x120xi32, #tpu.memory_space<hbm>>
        %dma_wait3A_388 = tpu.memref_squeeze %dma_wait3A_387 : memref<1x3x120xi32, #tpu.memory_space<hbm>> -> memref<3x120xi32, #tpu.memory_space<hbm>>
        %dma_wait3A_389 = arith.constant 0 : i32
        %dma_wait3A_390 = arith.constant 0 : i32
        %dma_wait3A_391 = tpu.memref_slice %arg5[%dma_wait3A_380, %dma_wait3A_389, %dma_wait3A_390] : memref<4x3x120xi32, #tpu.memory_space<vmem>> -> memref<1x3x120xi32, #tpu.memory_space<vmem>>
        %dma_wait3A_392 = tpu.memref_squeeze %dma_wait3A_391 : memref<1x3x120xi32, #tpu.memory_space<vmem>> -> memref<3x120xi32, #tpu.memory_space<vmem>>
        %dma_wait3A_393 = arith.constant 0 : i32
        %dma_wait3A_394 = arith.constant 0 : i32
        %dma_wait3A_395 = tpu.memref_slice %arg3[%add3A_379, %dma_wait3A_393, %dma_wait3A_394] : memref<2688x3x120xi32, #tpu.memory_space<hbm>> -> memref<1x3x120xi32, #tpu.memory_space<hbm>>
        %dma_wait3A_396 = tpu.memref_squeeze %dma_wait3A_395 : memref<1x3x120xi32, #tpu.memory_space<hbm>> -> memref<3x120xi32, #tpu.memory_space<hbm>>
        tpu.wait_dma2 semaphore(%arg16 : memref<!tpu.dma_semaphore, #tpu.memory_space<semaphore_mem>>) src(%dma_wait3A_396 : memref<3x120xi32, #tpu.memory_space<hbm>>) dst(%dma_wait3A_392 : memref<3x120xi32, #tpu.memory_space<vmem>>)
        %dma_start3A_397 = arith.constant 3 : i32
        %dma_start3A_398 = arith.constant 0 : i32
        %dma_start3A_399 = arith.constant 1 : i32
        %dma_start3A_400 = arith.constant 0 : i32
        %dma_start3A_401 = arith.constant 0 : i32
        %dma_start3A_402 = tpu.memref_slice %arg6[%dma_start3A_399, %dma_start3A_400, %dma_start3A_401] : memref<2x120x64xi32, #tpu.memory_space<vmem>> -> memref<1x120x64xi32, #tpu.memory_space<vmem>>
        %dma_start3A_403 = tpu.memref_squeeze %dma_start3A_402 : memref<1x120x64xi32, #tpu.memory_space<vmem>> -> memref<120x64xi32, #tpu.memory_space<vmem>>
        %dma_start3A_404 = arith.constant 0 : i32
        %dma_start3A_405 = arith.constant 0 : i32
        %dma_start3A_406 = tpu.memref_slice %arg5[%dma_start3A_397, %dma_start3A_404, %dma_start3A_405] : memref<4x3x120xi32, #tpu.memory_space<vmem>> -> memref<1x3x120xi32, #tpu.memory_space<vmem>>
        %dma_start3A_407 = tpu.memref_squeeze %dma_start3A_406 : memref<1x3x120xi32, #tpu.memory_space<vmem>> -> memref<3x120xi32, #tpu.memory_space<vmem>>
        %dma_start3A_408 = arith.constant 0 : i32
        %dma_start3A_409 = tpu.memref_slice %dma_start3A_407[%dma_start3A_398, %dma_start3A_408] : memref<3x120xi32, #tpu.memory_space<vmem>> -> memref<1x120xi32, #tpu.memory_space<vmem>>
        %dma_start3A_410 = tpu.memref_squeeze %dma_start3A_409 : memref<1x120xi32, #tpu.memory_space<vmem>> -> memref<120xi32, #tpu.memory_space<vmem>>
        %dma_start3A_411 = arith.constant 0 : i32
        %dma_start3A_412 = arith.constant 0 : i32
        %dma_start3A_413 = tpu.memref_slice %arg2[%dma_start3A_411, %dma_start3A_412] : memref<10240x64xi32, #tpu.memory_space<hbm>> -> memref<10240x64xi32, #tpu.memory_space<hbm>>
        tpu.enqueue_indirect_dma source(%dma_start3A_413 : memref<10240x64xi32, #tpu.memory_space<hbm>>) target(%dma_start3A_403 : memref<120x64xi32, #tpu.memory_space<vmem>>) offsets(%dma_start3A_410 : memref<120xi32, #tpu.memory_space<vmem>>) semaphore(%arg10 : memref<!tpu.dma_semaphore, #tpu.memory_space<semaphore_mem>>)
      } else {
      }
      %dma_wait3A_282 = arith.constant 2 : i32
      %dma_wait3A_283 = arith.constant 0 : i32
      %dma_wait3A_284 = arith.constant 0 : i32
      %dma_wait3A_285 = arith.constant 0 : i32
      %dma_wait3A_286 = arith.constant 0 : i32
      %dma_wait3A_287 = tpu.memref_slice %arg6[%dma_wait3A_284, %dma_wait3A_285, %dma_wait3A_286] : memref<2x120x64xi32, #tpu.memory_space<vmem>> -> memref<1x120x64xi32, #tpu.memory_space<vmem>>
      %dma_wait3A_288 = tpu.memref_squeeze %dma_wait3A_287 : memref<1x120x64xi32, #tpu.memory_space<vmem>> -> memref<120x64xi32, #tpu.memory_space<vmem>>
      %dma_wait3A_289 = arith.constant 0 : i32
      %dma_wait3A_290 = arith.constant 0 : i32
      %dma_wait3A_291 = tpu.memref_slice %arg5[%dma_wait3A_282, %dma_wait3A_289, %dma_wait3A_290] : memref<4x3x120xi32, #tpu.memory_space<vmem>> -> memref<1x3x120xi32, #tpu.memory_space<vmem>>
      %dma_wait3A_292 = tpu.memref_squeeze %dma_wait3A_291 : memref<1x3x120xi32, #tpu.memory_space<vmem>> -> memref<3x120xi32, #tpu.memory_space<vmem>>
      %dma_wait3A_293 = arith.constant 0 : i32
      %dma_wait3A_294 = tpu.memref_slice %dma_wait3A_292[%dma_wait3A_283, %dma_wait3A_293] : memref<3x120xi32, #tpu.memory_space<vmem>> -> memref<1x120xi32, #tpu.memory_space<vmem>>
      %dma_wait3A_295 = tpu.memref_squeeze %dma_wait3A_294 : memref<1x120xi32, #tpu.memory_space<vmem>> -> memref<120xi32, #tpu.memory_space<vmem>>
      %dma_wait3A_296 = arith.constant 0 : i32
      %dma_wait3A_297 = arith.constant 0 : i32
      %dma_wait3A_298 = tpu.memref_slice %arg2[%dma_wait3A_296, %dma_wait3A_297] : memref<10240x64xi32, #tpu.memory_space<hbm>> -> memref<10240x64xi32, #tpu.memory_space<hbm>>
      tpu.wait_indirect_dma semaphore(%arg9 : memref<!tpu.dma_semaphore, #tpu.memory_space<semaphore_mem>>) src(%dma_wait3A_298 : memref<10240x64xi32, #tpu.memory_space<hbm>>) dst(%dma_wait3A_288 : memref<120x64xi32, #tpu.memory_space<vmem>>)
      %parallel_loop3A_299 = arith.constant 0 : i32
      %parallel_loop3A_300 = arith.constant 120 : i32
      %parallel_loop3A_301 = arith.constant 1 : i32
      scf.for %parallel_loop3A_377 = %parallel_loop3A_299 to %parallel_loop3A_300 step %parallel_loop3A_301  : i32 {
        %parallel_loop3A_378 = vector.broadcast %parallel_loop3A_377 : i32 to vector<16xi32>
        %parallel_loop3A_379 = arith.constant 2 : i32
        %parallel_loop3A_380 = arith.constant 2 : i32
        %parallel_loop3A_381 = arith.constant 0 : i32
        %parallel_loop3A_382 = arith.constant 0 : i32
        %parallel_loop3A_383 = tpu.memref_slice %arg5[%parallel_loop3A_379, %parallel_loop3A_381, %parallel_loop3A_382] : memref<4x3x120xi32, #tpu.memory_space<vmem>> -> memref<1x3x120xi32, #tpu.memory_space<vmem>>
        %parallel_loop3A_384 = tpu.memref_squeeze %parallel_loop3A_383 : memref<1x3x120xi32, #tpu.memory_space<vmem>> -> memref<3x120xi32, #tpu.memory_space<vmem>>
        %parallel_loop3A_385 = arith.constant 0 : i32
        %parallel_loop3A_386 = tpu.memref_slice %parallel_loop3A_384[%parallel_loop3A_380, %parallel_loop3A_385] : memref<3x120xi32, #tpu.memory_space<vmem>> -> memref<1x120xi32, #tpu.memory_space<vmem>>
        %parallel_loop3A_387 = tpu.memref_squeeze %parallel_loop3A_386 : memref<1x120xi32, #tpu.memory_space<vmem>> -> memref<120xi32, #tpu.memory_space<vmem>>
        %parallel_loop3A_388 = tpu.vector_load_idx %parallel_loop3A_387[%parallel_loop3A_378] : memref<120xi32, #tpu.memory_space<vmem>>[vector<16xi32>], vector<16xi32>,
        %parallel_loop3A_389 = vector.bitcast %parallel_loop3A_388 : vector<16xi32> to vector<16xf32>
        %parallel_loop3A_390 = arith.constant 0 : i32
        %parallel_loop3A_391 = arith.index_cast %parallel_loop3A_390 : i32 to index
        %parallel_loop3A_392 = arith.index_cast %parallel_loop3A_377 : i32 to index
        %parallel_loop3A_393 = arith.constant 0 : index
        %parallel_loop3A_394 = tpu.vector_load %arg6[%parallel_loop3A_391, %parallel_loop3A_392, %parallel_loop3A_393] {strides = array<i32>} : memref<2x120x64xi32, #tpu.memory_space<vmem>>, vector<16xi32>,
        %parallel_loop3A_395 = vector.bitcast %parallel_loop3A_394 : vector<16xi32> to vector<32xbf16>
        %parallel_loop3A_396 = tpu.unpack_subelements %parallel_loop3A_395, 0 {pack_format = #tpu.pack_format<interleaved>} : vector<32xbf16> -> vector<16xf32>
        %parallel_loop3A_397 = tpu.unpack_subelements %parallel_loop3A_395, 1 {pack_format = #tpu.pack_format<interleaved>} : vector<32xbf16> -> vector<16xf32>
        %parallel_loop3A_398 = arith.mulf %parallel_loop3A_396, %parallel_loop3A_389 : vector<16xf32>
        %parallel_loop3A_399 = arith.constant 0 : i32
        %parallel_loop3A_400 = arith.index_cast %parallel_loop3A_399 : i32 to index
        %parallel_loop3A_401 = arith.index_cast %parallel_loop3A_377 : i32 to index
        %parallel_loop3A_402 = arith.constant 0 : index
        %parallel_loop3A_403 = tpu.vector_load %arg7[%parallel_loop3A_400, %parallel_loop3A_401, %parallel_loop3A_402] {strides = array<i32>} : memref<2x120x128xf32, #tpu.memory_space<vmem>>, vector<16xf32>,
        tpu.vector_store %arg7[%parallel_loop3A_400, %parallel_loop3A_401, %parallel_loop3A_402], %parallel_loop3A_398 {strides = array<i32>} : memref<2x120x128xf32, #tpu.memory_space<vmem>>, vector<16xf32>,
        %parallel_loop3A_404 = arith.mulf %parallel_loop3A_397, %parallel_loop3A_389 : vector<16xf32>
        %parallel_loop3A_405 = arith.constant 0 : i32
        %parallel_loop3A_406 = arith.index_cast %parallel_loop3A_405 : i32 to index
        %parallel_loop3A_407 = arith.index_cast %parallel_loop3A_377 : i32 to index
        %parallel_loop3A_408 = arith.constant 16 : index
        %parallel_loop3A_409 = tpu.vector_load %arg7[%parallel_loop3A_406, %parallel_loop3A_407, %parallel_loop3A_408] {strides = array<i32>} : memref<2x120x128xf32, #tpu.memory_space<vmem>>, vector<16xf32>,
        tpu.vector_store %arg7[%parallel_loop3A_406, %parallel_loop3A_407, %parallel_loop3A_408], %parallel_loop3A_404 {strides = array<i32>} : memref<2x120x128xf32, #tpu.memory_space<vmem>>, vector<16xf32>,
        %parallel_loop3A_410 = arith.constant 0 : i32
        %parallel_loop3A_411 = arith.index_cast %parallel_loop3A_410 : i32 to index
        %parallel_loop3A_412 = arith.index_cast %parallel_loop3A_377 : i32 to index
        %parallel_loop3A_413 = arith.constant 16 : index
        %parallel_loop3A_414 = tpu.vector_load %arg6[%parallel_loop3A_411, %parallel_loop3A_412, %parallel_loop3A_413] {strides = array<i32>} : memref<2x120x64xi32, #tpu.memory_space<vmem>>, vector<16xi32>,
        %parallel_loop3A_415 = vector.bitcast %parallel_loop3A_414 : vector<16xi32> to vector<32xbf16>
        %parallel_loop3A_416 = tpu.unpack_subelements %parallel_loop3A_415, 0 {pack_format = #tpu.pack_format<interleaved>} : vector<32xbf16> -> vector<16xf32>
        %parallel_loop3A_417 = tpu.unpack_subelements %parallel_loop3A_415, 1 {pack_format = #tpu.pack_format<interleaved>} : vector<32xbf16> -> vector<16xf32>
        %parallel_loop3A_418 = arith.mulf %parallel_loop3A_416, %parallel_loop3A_389 : vector<16xf32>
        %parallel_loop3A_419 = arith.constant 0 : i32
        %parallel_loop3A_420 = arith.index_cast %parallel_loop3A_419 : i32 to index
        %parallel_loop3A_421 = arith.index_cast %parallel_loop3A_377 : i32 to index
        %parallel_loop3A_422 = arith.constant 32 : index
        %parallel_loop3A_423 = tpu.vector_load %arg7[%parallel_loop3A_420, %parallel_loop3A_421, %parallel_loop3A_422] {strides = array<i32>} : memref<2x120x128xf32, #tpu.memory_space<vmem>>, vector<16xf32>,
        tpu.vector_store %arg7[%parallel_loop3A_420, %parallel_loop3A_421, %parallel_loop3A_422], %parallel_loop3A_418 {strides = array<i32>} : memref<2x120x128xf32, #tpu.memory_space<vmem>>, vector<16xf32>,
        %parallel_loop3A_424 = arith.mulf %parallel_loop3A_417, %parallel_loop3A_389 : vector<16xf32>
        %parallel_loop3A_425 = arith.constant 0 : i32
        %parallel_loop3A_426 = arith.index_cast %parallel_loop3A_425 : i32 to index
        %parallel_loop3A_427 = arith.index_cast %parallel_loop3A_377 : i32 to index
        %parallel_loop3A_428 = arith.constant 48 : index
        %parallel_loop3A_429 = tpu.vector_load %arg7[%parallel_loop3A_426, %parallel_loop3A_427, %parallel_loop3A_428] {strides = array<i32>} : memref<2x120x128xf32, #tpu.memory_space<vmem>>, vector<16xf32>,
        tpu.vector_store %arg7[%parallel_loop3A_426, %parallel_loop3A_427, %parallel_loop3A_428], %parallel_loop3A_424 {strides = array<i32>} : memref<2x120x128xf32, #tpu.memory_space<vmem>>, vector<16xf32>,
        %parallel_loop3A_430 = arith.constant 0 : i32
        %parallel_loop3A_431 = arith.index_cast %parallel_loop3A_430 : i32 to index
        %parallel_loop3A_432 = arith.index_cast %parallel_loop3A_377 : i32 to index
        %parallel_loop3A_433 = arith.constant 32 : index
        %parallel_loop3A_434 = tpu.vector_load %arg6[%parallel_loop3A_431, %parallel_loop3A_432, %parallel_loop3A_433] {strides = array<i32>} : memref<2x120x64xi32, #tpu.memory_space<vmem>>, vector<16xi32>,
        %parallel_loop3A_435 = vector.bitcast %parallel_loop3A_434 : vector<16xi32> to vector<32xbf16>
        %parallel_loop3A_436 = tpu.unpack_subelements %parallel_loop3A_435, 0 {pack_format = #tpu.pack_format<interleaved>} : vector<32xbf16> -> vector<16xf32>
        %parallel_loop3A_437 = tpu.unpack_subelements %parallel_loop3A_435, 1 {pack_format = #tpu.pack_format<interleaved>} : vector<32xbf16> -> vector<16xf32>
        %parallel_loop3A_438 = arith.mulf %parallel_loop3A_436, %parallel_loop3A_389 : vector<16xf32>
        %parallel_loop3A_439 = arith.constant 0 : i32
        %parallel_loop3A_440 = arith.index_cast %parallel_loop3A_439 : i32 to index
        %parallel_loop3A_441 = arith.index_cast %parallel_loop3A_377 : i32 to index
        %parallel_loop3A_442 = arith.constant 64 : index
        %parallel_loop3A_443 = tpu.vector_load %arg7[%parallel_loop3A_440, %parallel_loop3A_441, %parallel_loop3A_442] {strides = array<i32>} : memref<2x120x128xf32, #tpu.memory_space<vmem>>, vector<16xf32>,
        tpu.vector_store %arg7[%parallel_loop3A_440, %parallel_loop3A_441, %parallel_loop3A_442], %parallel_loop3A_438 {strides = array<i32>} : memref<2x120x128xf32, #tpu.memory_space<vmem>>, vector<16xf32>,
        %parallel_loop3A_444 = arith.mulf %parallel_loop3A_437, %parallel_loop3A_389 : vector<16xf32>
        %parallel_loop3A_445 = arith.constant 0 : i32
        %parallel_loop3A_446 = arith.index_cast %parallel_loop3A_445 : i32 to index
        %parallel_loop3A_447 = arith.index_cast %parallel_loop3A_377 : i32 to index
        %parallel_loop3A_448 = arith.constant 80 : index
        %parallel_loop3A_449 = tpu.vector_load %arg7[%parallel_loop3A_446, %parallel_loop3A_447, %parallel_loop3A_448] {strides = array<i32>} : memref<2x120x128xf32, #tpu.memory_space<vmem>>, vector<16xf32>,
        tpu.vector_store %arg7[%parallel_loop3A_446, %parallel_loop3A_447, %parallel_loop3A_448], %parallel_loop3A_444 {strides = array<i32>} : memref<2x120x128xf32, #tpu.memory_space<vmem>>, vector<16xf32>,
        %parallel_loop3A_450 = arith.constant 0 : i32
        %parallel_loop3A_451 = arith.index_cast %parallel_loop3A_450 : i32 to index
        %parallel_loop3A_452 = arith.index_cast %parallel_loop3A_377 : i32 to index
        %parallel_loop3A_453 = arith.constant 48 : index
        %parallel_loop3A_454 = tpu.vector_load %arg6[%parallel_loop3A_451, %parallel_loop3A_452, %parallel_loop3A_453] {strides = array<i32>} : memref<2x120x64xi32, #tpu.memory_space<vmem>>, vector<16xi32>,
        %parallel_loop3A_455 = vector.bitcast %parallel_loop3A_454 : vector<16xi32> to vector<32xbf16>
        %parallel_loop3A_456 = tpu.unpack_subelements %parallel_loop3A_455, 0 {pack_format = #tpu.pack_format<interleaved>} : vector<32xbf16> -> vector<16xf32>
        %parallel_loop3A_457 = tpu.unpack_subelements %parallel_loop3A_455, 1 {pack_format = #tpu.pack_format<interleaved>} : vector<32xbf16> -> vector<16xf32>
        %parallel_loop3A_458 = arith.mulf %parallel_loop3A_456, %parallel_loop3A_389 : vector<16xf32>
        %parallel_loop3A_459 = arith.constant 0 : i32
        %parallel_loop3A_460 = arith.index_cast %parallel_loop3A_459 : i32 to index
        %parallel_loop3A_461 = arith.index_cast %parallel_loop3A_377 : i32 to index
        %parallel_loop3A_462 = arith.constant 96 : index
        %parallel_loop3A_463 = tpu.vector_load %arg7[%parallel_loop3A_460, %parallel_loop3A_461, %parallel_loop3A_462] {strides = array<i32>} : memref<2x120x128xf32, #tpu.memory_space<vmem>>, vector<16xf32>,
        tpu.vector_store %arg7[%parallel_loop3A_460, %parallel_loop3A_461, %parallel_loop3A_462], %parallel_loop3A_458 {strides = array<i32>} : memref<2x120x128xf32, #tpu.memory_space<vmem>>, vector<16xf32>,
        %parallel_loop3A_464 = arith.mulf %parallel_loop3A_457, %parallel_loop3A_389 : vector<16xf32>
        %parallel_loop3A_465 = arith.constant 0 : i32
        %parallel_loop3A_466 = arith.index_cast %parallel_loop3A_465 : i32 to index
        %parallel_loop3A_467 = arith.index_cast %parallel_loop3A_377 : i32 to index
        %parallel_loop3A_468 = arith.constant 112 : index
        %parallel_loop3A_469 = tpu.vector_load %arg7[%parallel_loop3A_466, %parallel_loop3A_467, %parallel_loop3A_468] {strides = array<i32>} : memref<2x120x128xf32, #tpu.memory_space<vmem>>, vector<16xf32>,
        tpu.vector_store %arg7[%parallel_loop3A_466, %parallel_loop3A_467, %parallel_loop3A_468], %parallel_loop3A_464 {strides = array<i32>} : memref<2x120x128xf32, #tpu.memory_space<vmem>>, vector<16xf32>,
      } {sc.loop_unroll_factor = 4 : i64, sc.parallel_access}
      %dma_start3A_302 = arith.constant 0 : i32
      %dma_start3A_303 = arith.constant 2 : i32
      %dma_start3A_304 = arith.constant 1 : i32
      %dma_start3A_305 = arith.constant 0 : i32
      %dma_start3A_306 = arith.constant 0 : i32
      %dma_start3A_307 = tpu.memref_slice %arg7[%dma_start3A_302, %dma_start3A_305, %dma_start3A_306] : memref<2x120x128xf32, #tpu.memory_space<vmem>> -> memref<1x120x128xf32, #tpu.memory_space<vmem>>
      %dma_start3A_308 = tpu.memref_squeeze %dma_start3A_307 : memref<1x120x128xf32, #tpu.memory_space<vmem>> -> memref<120x128xf32, #tpu.memory_space<vmem>>
      %dma_start3A_309 = arith.constant 0 : i32
      %dma_start3A_310 = arith.constant 0 : i32
      %dma_start3A_311 = tpu.memref_slice %arg5[%dma_start3A_303, %dma_start3A_309, %dma_start3A_310] : memref<4x3x120xi32, #tpu.memory_space<vmem>> -> memref<1x3x120xi32, #tpu.memory_space<vmem>>
      %dma_start3A_312 = tpu.memref_squeeze %dma_start3A_311 : memref<1x3x120xi32, #tpu.memory_space<vmem>> -> memref<3x120xi32, #tpu.memory_space<vmem>>
      %dma_start3A_313 = arith.constant 0 : i32
      %dma_start3A_314 = tpu.memref_slice %dma_start3A_312[%dma_start3A_304, %dma_start3A_313] : memref<3x120xi32, #tpu.memory_space<vmem>> -> memref<1x120xi32, #tpu.memory_space<vmem>>
      %dma_start3A_315 = tpu.memref_squeeze %dma_start3A_314 : memref<1x120xi32, #tpu.memory_space<vmem>> -> memref<120xi32, #tpu.memory_space<vmem>>
      %dma_start3A_316 = arith.constant 0 : i32
      %dma_start3A_317 = arith.constant 0 : i32
      %dma_start3A_318 = tpu.memref_slice %arg8[%dma_start3A_316, %dma_start3A_317] : memref<10240x128xf32, #tpu.memory_space<vmem_shared>> -> memref<10240x128xf32, #tpu.memory_space<vmem_shared>>
      tpu.enqueue_indirect_dma source(%dma_start3A_308 : memref<120x128xf32, #tpu.memory_space<vmem>>) target(%dma_start3A_318 : memref<10240x128xf32, #tpu.memory_space<vmem_shared>>) offsets(%dma_start3A_315 : memref<120xi32, #tpu.memory_space<vmem>>) semaphore(%arg11 : memref<!tpu.dma_semaphore, #tpu.memory_space<semaphore_mem>>) {add = true}
      %add3A_319 = arith.constant 3 : i32
      %add3A_320 = arith.addi %add3A_149, %add3A_319 : i32
      %ge3A_321 = arith.constant 2 : i32
      %ge3A_322 = arith.cmpi sge, %add3A_320, %ge3A_321 : i32
      %convert_element_type3A_323 = arith.extui %ge3A_322 : i1 to i32
      %cond3A_324 = arith.constant 0 : i32
      %cond3A_325 = arith.cmpi ne, %convert_element_type3A_323, %cond3A_324 : i32
      scf.if %cond3A_325 {
        %dma_wait3A_377 = arith.constant 1 : i32
        %dma_wait3A_378 = arith.constant 1 : i32
        %dma_wait3A_379 = arith.constant 1 : i32
        %dma_wait3A_380 = arith.constant 0 : i32
        %dma_wait3A_381 = arith.constant 0 : i32
        %dma_wait3A_382 = tpu.memref_slice %arg7[%dma_wait3A_377, %dma_wait3A_380, %dma_wait3A_381] : memref<2x120x128xf32, #tpu.memory_space<vmem>> -> memref<1x120x128xf32, #tpu.memory_space<vmem>>
        %dma_wait3A_383 = tpu.memref_squeeze %dma_wait3A_382 : memref<1x120x128xf32, #tpu.memory_space<vmem>> -> memref<120x128xf32, #tpu.memory_space<vmem>>
        %dma_wait3A_384 = arith.constant 0 : i32
        %dma_wait3A_385 = arith.constant 0 : i32
        %dma_wait3A_386 = tpu.memref_slice %arg5[%dma_wait3A_378, %dma_wait3A_384, %dma_wait3A_385] : memref<4x3x120xi32, #tpu.memory_space<vmem>> -> memref<1x3x120xi32, #tpu.memory_space<vmem>>
        %dma_wait3A_387 = tpu.memref_squeeze %dma_wait3A_386 : memref<1x3x120xi32, #tpu.memory_space<vmem>> -> memref<3x120xi32, #tpu.memory_space<vmem>>
        %dma_wait3A_388 = arith.constant 0 : i32
        %dma_wait3A_389 = tpu.memref_slice %dma_wait3A_387[%dma_wait3A_379, %dma_wait3A_388] : memref<3x120xi32, #tpu.memory_space<vmem>> -> memref<1x120xi32, #tpu.memory_space<vmem>>
        %dma_wait3A_390 = tpu.memref_squeeze %dma_wait3A_389 : memref<1x120xi32, #tpu.memory_space<vmem>> -> memref<120xi32, #tpu.memory_space<vmem>>
        %dma_wait3A_391 = arith.constant 0 : i32
        %dma_wait3A_392 = arith.constant 0 : i32
        %dma_wait3A_393 = tpu.memref_slice %arg8[%dma_wait3A_391, %dma_wait3A_392] : memref<10240x128xf32, #tpu.memory_space<vmem_shared>> -> memref<10240x128xf32, #tpu.memory_space<vmem_shared>>
        tpu.wait_indirect_dma semaphore(%arg12 : memref<!tpu.dma_semaphore, #tpu.memory_space<semaphore_mem>>) src(%dma_wait3A_383 : memref<120x128xf32, #tpu.memory_space<vmem>>) dst(%dma_wait3A_393 : memref<10240x128xf32, #tpu.memory_space<vmem_shared>>)
      } else {
      }
      %add3A_326 = arith.constant 2 : i32
      %add3A_327 = arith.addi %add3A_320, %add3A_326 : i32
      %lt3A_328 = arith.constant 84 : i32
      %lt3A_329 = arith.cmpi slt, %add3A_327, %lt3A_328 : i32
      %convert_element_type3A_330 = arith.extui %lt3A_329 : i1 to i32
      %cond3A_331 = arith.constant 0 : i32
      %cond3A_332 = arith.cmpi ne, %convert_element_type3A_330, %cond3A_331 : i32
      scf.if %cond3A_332 {
        %add3A_377 = arith.constant 2 : i32
        %add3A_378 = arith.addi %add3A_320, %add3A_377 : i32
        %add3A_379 = arith.addi %mul3A_32, %add3A_378 : i32
        %dma_start3A_380 = arith.constant 1 : i32
        %dma_start3A_381 = arith.constant 0 : i32
        %dma_start3A_382 = arith.constant 0 : i32
        %dma_start3A_383 = tpu.memref_slice %arg5[%dma_start3A_380, %dma_start3A_381, %dma_start3A_382] : memref<4x3x120xi32, #tpu.memory_space<vmem>> -> memref<1x3x120xi32, #tpu.memory_space<vmem>>
        %dma_start3A_384 = tpu.memref_squeeze %dma_start3A_383 : memref<1x3x120xi32, #tpu.memory_space<vmem>> -> memref<3x120xi32, #tpu.memory_space<vmem>>
        %dma_start3A_385 = arith.constant 0 : i32
        %dma_start3A_386 = arith.constant 0 : i32
        %dma_start3A_387 = tpu.memref_slice %arg3[%add3A_379, %dma_start3A_385, %dma_start3A_386] : memref<2688x3x120xi32, #tpu.memory_space<hbm>> -> memref<1x3x120xi32, #tpu.memory_space<hbm>>
        %dma_start3A_388 = tpu.memref_squeeze %dma_start3A_387 : memref<1x3x120xi32, #tpu.memory_space<hbm>> -> memref<3x120xi32, #tpu.memory_space<hbm>>
        %dma_start3A_389 = arith.constant 0 : i32
        %dma_start3A_390 = arith.constant 0 : i32
        %dma_start3A_391 = tpu.memref_slice %arg5[%dma_start3A_380, %dma_start3A_389, %dma_start3A_390] : memref<4x3x120xi32, #tpu.memory_space<vmem>> -> memref<1x3x120xi32, #tpu.memory_space<vmem>>
        %dma_start3A_392 = tpu.memref_squeeze %dma_start3A_391 : memref<1x3x120xi32, #tpu.memory_space<vmem>> -> memref<3x120xi32, #tpu.memory_space<vmem>>
        %dma_start3A_393 = arith.constant 0 : i32
        %dma_start3A_394 = arith.constant 0 : i32
        %dma_start3A_395 = tpu.memref_slice %arg3[%add3A_379, %dma_start3A_393, %dma_start3A_394] : memref<2688x3x120xi32, #tpu.memory_space<hbm>> -> memref<1x3x120xi32, #tpu.memory_space<hbm>>
        %dma_start3A_396 = tpu.memref_squeeze %dma_start3A_395 : memref<1x3x120xi32, #tpu.memory_space<hbm>> -> memref<3x120xi32, #tpu.memory_space<hbm>>
        tpu.enqueue_dma source(%dma_start3A_396 : memref<3x120xi32, #tpu.memory_space<hbm>>) target(%dma_start3A_392 : memref<3x120xi32, #tpu.memory_space<vmem>>) target_semaphore(%arg14 : memref<!tpu.dma_semaphore, #tpu.memory_space<semaphore_mem>>)
      } else {
      }
      %add3A_333 = arith.constant 1 : i32
      %add3A_334 = arith.addi %add3A_320, %add3A_333 : i32
      %lt3A_335 = arith.constant 84 : i32
      %lt3A_336 = arith.cmpi slt, %add3A_334, %lt3A_335 : i32
      %convert_element_type3A_337 = arith.extui %lt3A_336 : i1 to i32
      %cond3A_338 = arith.constant 0 : i32
      %cond3A_339 = arith.cmpi ne, %convert_element_type3A_337, %cond3A_338 : i32
      scf.if %cond3A_339 {
        %add3A_377 = arith.constant 1 : i32
        %add3A_378 = arith.addi %add3A_320, %add3A_377 : i32
        %add3A_379 = arith.addi %mul3A_32, %add3A_378 : i32
        %dma_wait3A_380 = arith.constant 0 : i32
        %dma_wait3A_381 = arith.constant 0 : i32
        %dma_wait3A_382 = arith.constant 0 : i32
        %dma_wait3A_383 = tpu.memref_slice %arg5[%dma_wait3A_380, %dma_wait3A_381, %dma_wait3A_382] : memref<4x3x120xi32, #tpu.memory_space<vmem>> -> memref<1x3x120xi32, #tpu.memory_space<vmem>>
        %dma_wait3A_384 = tpu.memref_squeeze %dma_wait3A_383 : memref<1x3x120xi32, #tpu.memory_space<vmem>> -> memref<3x120xi32, #tpu.memory_space<vmem>>
        %dma_wait3A_385 = arith.constant 0 : i32
        %dma_wait3A_386 = arith.constant 0 : i32
        %dma_wait3A_387 = tpu.memref_slice %arg3[%add3A_379, %dma_wait3A_385, %dma_wait3A_386] : memref<2688x3x120xi32, #tpu.memory_space<hbm>> -> memref<1x3x120xi32, #tpu.memory_space<hbm>>
        %dma_wait3A_388 = tpu.memref_squeeze %dma_wait3A_387 : memref<1x3x120xi32, #tpu.memory_space<hbm>> -> memref<3x120xi32, #tpu.memory_space<hbm>>
        %dma_wait3A_389 = arith.constant 0 : i32
        %dma_wait3A_390 = arith.constant 0 : i32
        %dma_wait3A_391 = tpu.memref_slice %arg5[%dma_wait3A_380, %dma_wait3A_389, %dma_wait3A_390] : memref<4x3x120xi32, #tpu.memory_space<vmem>> -> memref<1x3x120xi32, #tpu.memory_space<vmem>>
        %dma_wait3A_392 = tpu.memref_squeeze %dma_wait3A_391 : memref<1x3x120xi32, #tpu.memory_space<vmem>> -> memref<3x120xi32, #tpu.memory_space<vmem>>
        %dma_wait3A_393 = arith.constant 0 : i32
        %dma_wait3A_394 = arith.constant 0 : i32
        %dma_wait3A_395 = tpu.memref_slice %arg3[%add3A_379, %dma_wait3A_393, %dma_wait3A_394] : memref<2688x3x120xi32, #tpu.memory_space<hbm>> -> memref<1x3x120xi32, #tpu.memory_space<hbm>>
        %dma_wait3A_396 = tpu.memref_squeeze %dma_wait3A_395 : memref<1x3x120xi32, #tpu.memory_space<hbm>> -> memref<3x120xi32, #tpu.memory_space<hbm>>
        tpu.wait_dma2 semaphore(%arg13 : memref<!tpu.dma_semaphore, #tpu.memory_space<semaphore_mem>>) src(%dma_wait3A_396 : memref<3x120xi32, #tpu.memory_space<hbm>>) dst(%dma_wait3A_392 : memref<3x120xi32, #tpu.memory_space<vmem>>)
        %dma_start3A_397 = arith.constant 0 : i32
        %dma_start3A_398 = arith.constant 0 : i32
        %dma_start3A_399 = arith.constant 0 : i32
        %dma_start3A_400 = arith.constant 0 : i32
        %dma_start3A_401 = arith.constant 0 : i32
        %dma_start3A_402 = tpu.memref_slice %arg6[%dma_start3A_399, %dma_start3A_400, %dma_start3A_401] : memref<2x120x64xi32, #tpu.memory_space<vmem>> -> memref<1x120x64xi32, #tpu.memory_space<vmem>>
        %dma_start3A_403 = tpu.memref_squeeze %dma_start3A_402 : memref<1x120x64xi32, #tpu.memory_space<vmem>> -> memref<120x64xi32, #tpu.memory_space<vmem>>
        %dma_start3A_404 = arith.constant 0 : i32
        %dma_start3A_405 = arith.constant 0 : i32
        %dma_start3A_406 = tpu.memref_slice %arg5[%dma_start3A_397, %dma_start3A_404, %dma_start3A_405] : memref<4x3x120xi32, #tpu.memory_space<vmem>> -> memref<1x3x120xi32, #tpu.memory_space<vmem>>
        %dma_start3A_407 = tpu.memref_squeeze %dma_start3A_406 : memref<1x3x120xi32, #tpu.memory_space<vmem>> -> memref<3x120xi32, #tpu.memory_space<vmem>>
        %dma_start3A_408 = arith.constant 0 : i32
        %dma_start3A_409 = tpu.memref_slice %dma_start3A_407[%dma_start3A_398, %dma_start3A_408] : memref<3x120xi32, #tpu.memory_space<vmem>> -> memref<1x120xi32, #tpu.memory_space<vmem>>
        %dma_start3A_410 = tpu.memref_squeeze %dma_start3A_409 : memref<1x120xi32, #tpu.memory_space<vmem>> -> memref<120xi32, #tpu.memory_space<vmem>>
        %dma_start3A_411 = arith.constant 0 : i32
        %dma_start3A_412 = arith.constant 0 : i32
        %dma_start3A_413 = tpu.memref_slice %arg2[%dma_start3A_411, %dma_start3A_412] : memref<10240x64xi32, #tpu.memory_space<hbm>> -> memref<10240x64xi32, #tpu.memory_space<hbm>>
        tpu.enqueue_indirect_dma source(%dma_start3A_413 : memref<10240x64xi32, #tpu.memory_space<hbm>>) target(%dma_start3A_403 : memref<120x64xi32, #tpu.memory_space<vmem>>) offsets(%dma_start3A_410 : memref<120xi32, #tpu.memory_space<vmem>>) semaphore(%arg9 : memref<!tpu.dma_semaphore, #tpu.memory_space<semaphore_mem>>)
      } else {
      }
      %dma_wait3A_340 = arith.constant 3 : i32
      %dma_wait3A_341 = arith.constant 0 : i32
      %dma_wait3A_342 = arith.constant 1 : i32
      %dma_wait3A_343 = arith.constant 0 : i32
      %dma_wait3A_344 = arith.constant 0 : i32
      %dma_wait3A_345 = tpu.memref_slice %arg6[%dma_wait3A_342, %dma_wait3A_343, %dma_wait3A_344] : memref<2x120x64xi32, #tpu.memory_space<vmem>> -> memref<1x120x64xi32, #tpu.memory_space<vmem>>
      %dma_wait3A_346 = tpu.memref_squeeze %dma_wait3A_345 : memref<1x120x64xi32, #tpu.memory_space<vmem>> -> memref<120x64xi32, #tpu.memory_space<vmem>>
      %dma_wait3A_347 = arith.constant 0 : i32
      %dma_wait3A_348 = arith.constant 0 : i32
      %dma_wait3A_349 = tpu.memref_slice %arg5[%dma_wait3A_340, %dma_wait3A_347, %dma_wait3A_348] : memref<4x3x120xi32, #tpu.memory_space<vmem>> -> memref<1x3x120xi32, #tpu.memory_space<vmem>>
      %dma_wait3A_350 = tpu.memref_squeeze %dma_wait3A_349 : memref<1x3x120xi32, #tpu.memory_space<vmem>> -> memref<3x120xi32, #tpu.memory_space<vmem>>
      %dma_wait3A_351 = arith.constant 0 : i32
      %dma_wait3A_352 = tpu.memref_slice %dma_wait3A_350[%dma_wait3A_341, %dma_wait3A_351] : memref<3x120xi32, #tpu.memory_space<vmem>> -> memref<1x120xi32, #tpu.memory_space<vmem>>
      %dma_wait3A_353 = tpu.memref_squeeze %dma_wait3A_352 : memref<1x120xi32, #tpu.memory_space<vmem>> -> memref<120xi32, #tpu.memory_space<vmem>>
      %dma_wait3A_354 = arith.constant 0 : i32
      %dma_wait3A_355 = arith.constant 0 : i32
      %dma_wait3A_356 = tpu.memref_slice %arg2[%dma_wait3A_354, %dma_wait3A_355] : memref<10240x64xi32, #tpu.memory_space<hbm>> -> memref<10240x64xi32, #tpu.memory_space<hbm>>
      tpu.wait_indirect_dma semaphore(%arg10 : memref<!tpu.dma_semaphore, #tpu.memory_space<semaphore_mem>>) src(%dma_wait3A_356 : memref<10240x64xi32, #tpu.memory_space<hbm>>) dst(%dma_wait3A_346 : memref<120x64xi32, #tpu.memory_space<vmem>>)
      %parallel_loop3A_357 = arith.constant 0 : i32
      %parallel_loop3A_358 = arith.constant 120 : i32
      %parallel_loop3A_359 = arith.constant 1 : i32
      scf.for %parallel_loop3A_377 = %parallel_loop3A_357 to %parallel_loop3A_358 step %parallel_loop3A_359  : i32 {
        %parallel_loop3A_378 = vector.broadcast %parallel_loop3A_377 : i32 to vector<16xi32>
        %parallel_loop3A_379 = arith.constant 3 : i32
        %parallel_loop3A_380 = arith.constant 2 : i32
        %parallel_loop3A_381 = arith.constant 0 : i32
        %parallel_loop3A_382 = arith.constant 0 : i32
        %parallel_loop3A_383 = tpu.memref_slice %arg5[%parallel_loop3A_379, %parallel_loop3A_381, %parallel_loop3A_382] : memref<4x3x120xi32, #tpu.memory_space<vmem>> -> memref<1x3x120xi32, #tpu.memory_space<vmem>>
        %parallel_loop3A_384 = tpu.memref_squeeze %parallel_loop3A_383 : memref<1x3x120xi32, #tpu.memory_space<vmem>> -> memref<3x120xi32, #tpu.memory_space<vmem>>
        %parallel_loop3A_385 = arith.constant 0 : i32
        %parallel_loop3A_386 = tpu.memref_slice %parallel_loop3A_384[%parallel_loop3A_380, %parallel_loop3A_385] : memref<3x120xi32, #tpu.memory_space<vmem>> -> memref<1x120xi32, #tpu.memory_space<vmem>>
        %parallel_loop3A_387 = tpu.memref_squeeze %parallel_loop3A_386 : memref<1x120xi32, #tpu.memory_space<vmem>> -> memref<120xi32, #tpu.memory_space<vmem>>
        %parallel_loop3A_388 = tpu.vector_load_idx %parallel_loop3A_387[%parallel_loop3A_378] : memref<120xi32, #tpu.memory_space<vmem>>[vector<16xi32>], vector<16xi32>,
        %parallel_loop3A_389 = vector.bitcast %parallel_loop3A_388 : vector<16xi32> to vector<16xf32>
        %parallel_loop3A_390 = arith.constant 1 : i32
        %parallel_loop3A_391 = arith.index_cast %parallel_loop3A_390 : i32 to index
        %parallel_loop3A_392 = arith.index_cast %parallel_loop3A_377 : i32 to index
        %parallel_loop3A_393 = arith.constant 0 : index
        %parallel_loop3A_394 = tpu.vector_load %arg6[%parallel_loop3A_391, %parallel_loop3A_392, %parallel_loop3A_393] {strides = array<i32>} : memref<2x120x64xi32, #tpu.memory_space<vmem>>, vector<16xi32>,
        %parallel_loop3A_395 = vector.bitcast %parallel_loop3A_394 : vector<16xi32> to vector<32xbf16>
        %parallel_loop3A_396 = tpu.unpack_subelements %parallel_loop3A_395, 0 {pack_format = #tpu.pack_format<interleaved>} : vector<32xbf16> -> vector<16xf32>
        %parallel_loop3A_397 = tpu.unpack_subelements %parallel_loop3A_395, 1 {pack_format = #tpu.pack_format<interleaved>} : vector<32xbf16> -> vector<16xf32>
        %parallel_loop3A_398 = arith.mulf %parallel_loop3A_396, %parallel_loop3A_389 : vector<16xf32>
        %parallel_loop3A_399 = arith.constant 1 : i32
        %parallel_loop3A_400 = arith.index_cast %parallel_loop3A_399 : i32 to index
        %parallel_loop3A_401 = arith.index_cast %parallel_loop3A_377 : i32 to index
        %parallel_loop3A_402 = arith.constant 0 : index
        %parallel_loop3A_403 = tpu.vector_load %arg7[%parallel_loop3A_400, %parallel_loop3A_401, %parallel_loop3A_402] {strides = array<i32>} : memref<2x120x128xf32, #tpu.memory_space<vmem>>, vector<16xf32>,
        tpu.vector_store %arg7[%parallel_loop3A_400, %parallel_loop3A_401, %parallel_loop3A_402], %parallel_loop3A_398 {strides = array<i32>} : memref<2x120x128xf32, #tpu.memory_space<vmem>>, vector<16xf32>,
        %parallel_loop3A_404 = arith.mulf %parallel_loop3A_397, %parallel_loop3A_389 : vector<16xf32>
        %parallel_loop3A_405 = arith.constant 1 : i32
        %parallel_loop3A_406 = arith.index_cast %parallel_loop3A_405 : i32 to index
        %parallel_loop3A_407 = arith.index_cast %parallel_loop3A_377 : i32 to index
        %parallel_loop3A_408 = arith.constant 16 : index
        %parallel_loop3A_409 = tpu.vector_load %arg7[%parallel_loop3A_406, %parallel_loop3A_407, %parallel_loop3A_408] {strides = array<i32>} : memref<2x120x128xf32, #tpu.memory_space<vmem>>, vector<16xf32>,
        tpu.vector_store %arg7[%parallel_loop3A_406, %parallel_loop3A_407, %parallel_loop3A_408], %parallel_loop3A_404 {strides = array<i32>} : memref<2x120x128xf32, #tpu.memory_space<vmem>>, vector<16xf32>,
        %parallel_loop3A_410 = arith.constant 1 : i32
        %parallel_loop3A_411 = arith.index_cast %parallel_loop3A_410 : i32 to index
        %parallel_loop3A_412 = arith.index_cast %parallel_loop3A_377 : i32 to index
        %parallel_loop3A_413 = arith.constant 16 : index
        %parallel_loop3A_414 = tpu.vector_load %arg6[%parallel_loop3A_411, %parallel_loop3A_412, %parallel_loop3A_413] {strides = array<i32>} : memref<2x120x64xi32, #tpu.memory_space<vmem>>, vector<16xi32>,
        %parallel_loop3A_415 = vector.bitcast %parallel_loop3A_414 : vector<16xi32> to vector<32xbf16>
        %parallel_loop3A_416 = tpu.unpack_subelements %parallel_loop3A_415, 0 {pack_format = #tpu.pack_format<interleaved>} : vector<32xbf16> -> vector<16xf32>
        %parallel_loop3A_417 = tpu.unpack_subelements %parallel_loop3A_415, 1 {pack_format = #tpu.pack_format<interleaved>} : vector<32xbf16> -> vector<16xf32>
        %parallel_loop3A_418 = arith.mulf %parallel_loop3A_416, %parallel_loop3A_389 : vector<16xf32>
        %parallel_loop3A_419 = arith.constant 1 : i32
        %parallel_loop3A_420 = arith.index_cast %parallel_loop3A_419 : i32 to index
        %parallel_loop3A_421 = arith.index_cast %parallel_loop3A_377 : i32 to index
        %parallel_loop3A_422 = arith.constant 32 : index
        %parallel_loop3A_423 = tpu.vector_load %arg7[%parallel_loop3A_420, %parallel_loop3A_421, %parallel_loop3A_422] {strides = array<i32>} : memref<2x120x128xf32, #tpu.memory_space<vmem>>, vector<16xf32>,
        tpu.vector_store %arg7[%parallel_loop3A_420, %parallel_loop3A_421, %parallel_loop3A_422], %parallel_loop3A_418 {strides = array<i32>} : memref<2x120x128xf32, #tpu.memory_space<vmem>>, vector<16xf32>,
        %parallel_loop3A_424 = arith.mulf %parallel_loop3A_417, %parallel_loop3A_389 : vector<16xf32>
        %parallel_loop3A_425 = arith.constant 1 : i32
        %parallel_loop3A_426 = arith.index_cast %parallel_loop3A_425 : i32 to index
        %parallel_loop3A_427 = arith.index_cast %parallel_loop3A_377 : i32 to index
        %parallel_loop3A_428 = arith.constant 48 : index
        %parallel_loop3A_429 = tpu.vector_load %arg7[%parallel_loop3A_426, %parallel_loop3A_427, %parallel_loop3A_428] {strides = array<i32>} : memref<2x120x128xf32, #tpu.memory_space<vmem>>, vector<16xf32>,
        tpu.vector_store %arg7[%parallel_loop3A_426, %parallel_loop3A_427, %parallel_loop3A_428], %parallel_loop3A_424 {strides = array<i32>} : memref<2x120x128xf32, #tpu.memory_space<vmem>>, vector<16xf32>,
        %parallel_loop3A_430 = arith.constant 1 : i32
        %parallel_loop3A_431 = arith.index_cast %parallel_loop3A_430 : i32 to index
        %parallel_loop3A_432 = arith.index_cast %parallel_loop3A_377 : i32 to index
        %parallel_loop3A_433 = arith.constant 32 : index
        %parallel_loop3A_434 = tpu.vector_load %arg6[%parallel_loop3A_431, %parallel_loop3A_432, %parallel_loop3A_433] {strides = array<i32>} : memref<2x120x64xi32, #tpu.memory_space<vmem>>, vector<16xi32>,
        %parallel_loop3A_435 = vector.bitcast %parallel_loop3A_434 : vector<16xi32> to vector<32xbf16>
        %parallel_loop3A_436 = tpu.unpack_subelements %parallel_loop3A_435, 0 {pack_format = #tpu.pack_format<interleaved>} : vector<32xbf16> -> vector<16xf32>
        %parallel_loop3A_437 = tpu.unpack_subelements %parallel_loop3A_435, 1 {pack_format = #tpu.pack_format<interleaved>} : vector<32xbf16> -> vector<16xf32>
        %parallel_loop3A_438 = arith.mulf %parallel_loop3A_436, %parallel_loop3A_389 : vector<16xf32>
        %parallel_loop3A_439 = arith.constant 1 : i32
        %parallel_loop3A_440 = arith.index_cast %parallel_loop3A_439 : i32 to index
        %parallel_loop3A_441 = arith.index_cast %parallel_loop3A_377 : i32 to index
        %parallel_loop3A_442 = arith.constant 64 : index
        %parallel_loop3A_443 = tpu.vector_load %arg7[%parallel_loop3A_440, %parallel_loop3A_441, %parallel_loop3A_442] {strides = array<i32>} : memref<2x120x128xf32, #tpu.memory_space<vmem>>, vector<16xf32>,
        tpu.vector_store %arg7[%parallel_loop3A_440, %parallel_loop3A_441, %parallel_loop3A_442], %parallel_loop3A_438 {strides = array<i32>} : memref<2x120x128xf32, #tpu.memory_space<vmem>>, vector<16xf32>,
        %parallel_loop3A_444 = arith.mulf %parallel_loop3A_437, %parallel_loop3A_389 : vector<16xf32>
        %parallel_loop3A_445 = arith.constant 1 : i32
        %parallel_loop3A_446 = arith.index_cast %parallel_loop3A_445 : i32 to index
        %parallel_loop3A_447 = arith.index_cast %parallel_loop3A_377 : i32 to index
        %parallel_loop3A_448 = arith.constant 80 : index
        %parallel_loop3A_449 = tpu.vector_load %arg7[%parallel_loop3A_446, %parallel_loop3A_447, %parallel_loop3A_448] {strides = array<i32>} : memref<2x120x128xf32, #tpu.memory_space<vmem>>, vector<16xf32>,
        tpu.vector_store %arg7[%parallel_loop3A_446, %parallel_loop3A_447, %parallel_loop3A_448], %parallel_loop3A_444 {strides = array<i32>} : memref<2x120x128xf32, #tpu.memory_space<vmem>>, vector<16xf32>,
        %parallel_loop3A_450 = arith.constant 1 : i32
        %parallel_loop3A_451 = arith.index_cast %parallel_loop3A_450 : i32 to index
        %parallel_loop3A_452 = arith.index_cast %parallel_loop3A_377 : i32 to index
        %parallel_loop3A_453 = arith.constant 48 : index
        %parallel_loop3A_454 = tpu.vector_load %arg6[%parallel_loop3A_451, %parallel_loop3A_452, %parallel_loop3A_453] {strides = array<i32>} : memref<2x120x64xi32, #tpu.memory_space<vmem>>, vector<16xi32>,
        %parallel_loop3A_455 = vector.bitcast %parallel_loop3A_454 : vector<16xi32> to vector<32xbf16>
        %parallel_loop3A_456 = tpu.unpack_subelements %parallel_loop3A_455, 0 {pack_format = #tpu.pack_format<interleaved>} : vector<32xbf16> -> vector<16xf32>
        %parallel_loop3A_457 = tpu.unpack_subelements %parallel_loop3A_455, 1 {pack_format = #tpu.pack_format<interleaved>} : vector<32xbf16> -> vector<16xf32>
        %parallel_loop3A_458 = arith.mulf %parallel_loop3A_456, %parallel_loop3A_389 : vector<16xf32>
        %parallel_loop3A_459 = arith.constant 1 : i32
        %parallel_loop3A_460 = arith.index_cast %parallel_loop3A_459 : i32 to index
        %parallel_loop3A_461 = arith.index_cast %parallel_loop3A_377 : i32 to index
        %parallel_loop3A_462 = arith.constant 96 : index
        %parallel_loop3A_463 = tpu.vector_load %arg7[%parallel_loop3A_460, %parallel_loop3A_461, %parallel_loop3A_462] {strides = array<i32>} : memref<2x120x128xf32, #tpu.memory_space<vmem>>, vector<16xf32>,
        tpu.vector_store %arg7[%parallel_loop3A_460, %parallel_loop3A_461, %parallel_loop3A_462], %parallel_loop3A_458 {strides = array<i32>} : memref<2x120x128xf32, #tpu.memory_space<vmem>>, vector<16xf32>,
        %parallel_loop3A_464 = arith.mulf %parallel_loop3A_457, %parallel_loop3A_389 : vector<16xf32>
        %parallel_loop3A_465 = arith.constant 1 : i32
        %parallel_loop3A_466 = arith.index_cast %parallel_loop3A_465 : i32 to index
        %parallel_loop3A_467 = arith.index_cast %parallel_loop3A_377 : i32 to index
        %parallel_loop3A_468 = arith.constant 112 : index
        %parallel_loop3A_469 = tpu.vector_load %arg7[%parallel_loop3A_466, %parallel_loop3A_467, %parallel_loop3A_468] {strides = array<i32>} : memref<2x120x128xf32, #tpu.memory_space<vmem>>, vector<16xf32>,
        tpu.vector_store %arg7[%parallel_loop3A_466, %parallel_loop3A_467, %parallel_loop3A_468], %parallel_loop3A_464 {strides = array<i32>} : memref<2x120x128xf32, #tpu.memory_space<vmem>>, vector<16xf32>,
      } {sc.loop_unroll_factor = 4 : i64, sc.parallel_access}
      %dma_start3A_360 = arith.constant 1 : i32
      %dma_start3A_361 = arith.constant 3 : i32
      %dma_start3A_362 = arith.constant 1 : i32
      %dma_start3A_363 = arith.constant 0 : i32
      %dma_start3A_364 = arith.constant 0 : i32
      %dma_start3A_365 = tpu.memref_slice %arg7[%dma_start3A_360, %dma_start3A_363, %dma_start3A_364] : memref<2x120x128xf32, #tpu.memory_space<vmem>> -> memref<1x120x128xf32, #tpu.memory_space<vmem>>
      %dma_start3A_366 = tpu.memref_squeeze %dma_start3A_365 : memref<1x120x128xf32, #tpu.memory_space<vmem>> -> memref<120x128xf32, #tpu.memory_space<vmem>>
      %dma_start3A_367 = arith.constant 0 : i32
      %dma_start3A_368 = arith.constant 0 : i32
      %dma_start3A_369 = tpu.memref_slice %arg5[%dma_start3A_361, %dma_start3A_367, %dma_start3A_368] : memref<4x3x120xi32, #tpu.memory_space<vmem>> -> memref<1x3x120xi32, #tpu.memory_space<vmem>>
      %dma_start3A_370 = tpu.memref_squeeze %dma_start3A_369 : memref<1x3x120xi32, #tpu.memory_space<vmem>> -> memref<3x120xi32, #tpu.memory_space<vmem>>
      %dma_start3A_371 = arith.constant 0 : i32
      %dma_start3A_372 = tpu.memref_slice %dma_start3A_370[%dma_start3A_362, %dma_start3A_371] : memref<3x120xi32, #tpu.memory_space<vmem>> -> memref<1x120xi32, #tpu.memory_space<vmem>>
      %dma_start3A_373 = tpu.memref_squeeze %dma_start3A_372 : memref<1x120xi32, #tpu.memory_space<vmem>> -> memref<120xi32, #tpu.memory_space<vmem>>
      %dma_start3A_374 = arith.constant 0 : i32
      %dma_start3A_375 = arith.constant 0 : i32
      %dma_start3A_376 = tpu.memref_slice %arg8[%dma_start3A_374, %dma_start3A_375] : memref<10240x128xf32, #tpu.memory_space<vmem_shared>> -> memref<10240x128xf32, #tpu.memory_space<vmem_shared>>
      tpu.enqueue_indirect_dma source(%dma_start3A_366 : memref<120x128xf32, #tpu.memory_space<vmem>>) target(%dma_start3A_376 : memref<10240x128xf32, #tpu.memory_space<vmem_shared>>) offsets(%dma_start3A_373 : memref<120xi32, #tpu.memory_space<vmem>>) semaphore(%arg12 : memref<!tpu.dma_semaphore, #tpu.memory_space<semaphore_mem>>) {add = true}
    }
    %scan3A_109 = arith.constant 21 : i32
    %dma_wait3A_110 = arith.constant 0 : i32
    %dma_wait3A_111 = arith.constant 2 : i32
    %dma_wait3A_112 = arith.constant 1 : i32
    %dma_wait3A_113 = arith.constant 0 : i32
    %dma_wait3A_114 = arith.constant 0 : i32
    %dma_wait3A_115 = tpu.memref_slice %arg7[%dma_wait3A_110, %dma_wait3A_113, %dma_wait3A_114] : memref<2x120x128xf32, #tpu.memory_space<vmem>> -> memref<1x120x128xf32, #tpu.memory_space<vmem>>
    %dma_wait3A_116 = tpu.memref_squeeze %dma_wait3A_115 : memref<1x120x128xf32, #tpu.memory_space<vmem>> -> memref<120x128xf32, #tpu.memory_space<vmem>>
    %dma_wait3A_117 = arith.constant 0 : i32
    %dma_wait3A_118 = arith.constant 0 : i32
    %dma_wait3A_119 = tpu.memref_slice %arg5[%dma_wait3A_111, %dma_wait3A_117, %dma_wait3A_118] : memref<4x3x120xi32, #tpu.memory_space<vmem>> -> memref<1x3x120xi32, #tpu.memory_space<vmem>>
    %dma_wait3A_120 = tpu.memref_squeeze %dma_wait3A_119 : memref<1x3x120xi32, #tpu.memory_space<vmem>> -> memref<3x120xi32, #tpu.memory_space<vmem>>
    %dma_wait3A_121 = arith.constant 0 : i32
    %dma_wait3A_122 = tpu.memref_slice %dma_wait3A_120[%dma_wait3A_112, %dma_wait3A_121] : memref<3x120xi32, #tpu.memory_space<vmem>> -> memref<1x120xi32, #tpu.memory_space<vmem>>
    %dma_wait3A_123 = tpu.memref_squeeze %dma_wait3A_122 : memref<1x120xi32, #tpu.memory_space<vmem>> -> memref<120xi32, #tpu.memory_space<vmem>>
    %dma_wait3A_124 = arith.constant 0 : i32
    %dma_wait3A_125 = arith.constant 0 : i32
    %dma_wait3A_126 = tpu.memref_slice %arg8[%dma_wait3A_124, %dma_wait3A_125] : memref<10240x128xf32, #tpu.memory_space<vmem_shared>> -> memref<10240x128xf32, #tpu.memory_space<vmem_shared>>
    tpu.wait_indirect_dma semaphore(%arg11 : memref<!tpu.dma_semaphore, #tpu.memory_space<semaphore_mem>>) src(%dma_wait3A_116 : memref<120x128xf32, #tpu.memory_space<vmem>>) dst(%dma_wait3A_126 : memref<10240x128xf32, #tpu.memory_space<vmem_shared>>)
    %dma_wait3A_127 = arith.constant 1 : i32
    %dma_wait3A_128 = arith.constant 3 : i32
    %dma_wait3A_129 = arith.constant 1 : i32
    %dma_wait3A_130 = arith.constant 0 : i32
    %dma_wait3A_131 = arith.constant 0 : i32
    %dma_wait3A_132 = tpu.memref_slice %arg7[%dma_wait3A_127, %dma_wait3A_130, %dma_wait3A_131] : memref<2x120x128xf32, #tpu.memory_space<vmem>> -> memref<1x120x128xf32, #tpu.memory_space<vmem>>
    %dma_wait3A_133 = tpu.memref_squeeze %dma_wait3A_132 : memref<1x120x128xf32, #tpu.memory_space<vmem>> -> memref<120x128xf32, #tpu.memory_space<vmem>>
    %dma_wait3A_134 = arith.constant 0 : i32
    %dma_wait3A_135 = arith.constant 0 : i32
    %dma_wait3A_136 = tpu.memref_slice %arg5[%dma_wait3A_128, %dma_wait3A_134, %dma_wait3A_135] : memref<4x3x120xi32, #tpu.memory_space<vmem>> -> memref<1x3x120xi32, #tpu.memory_space<vmem>>
    %dma_wait3A_137 = tpu.memref_squeeze %dma_wait3A_136 : memref<1x3x120xi32, #tpu.memory_space<vmem>> -> memref<3x120xi32, #tpu.memory_space<vmem>>
    %dma_wait3A_138 = arith.constant 0 : i32
    %dma_wait3A_139 = tpu.memref_slice %dma_wait3A_137[%dma_wait3A_129, %dma_wait3A_138] : memref<3x120xi32, #tpu.memory_space<vmem>> -> memref<1x120xi32, #tpu.memory_space<vmem>>
    %dma_wait3A_140 = tpu.memref_squeeze %dma_wait3A_139 : memref<1x120xi32, #tpu.memory_space<vmem>> -> memref<120xi32, #tpu.memory_space<vmem>>
    %dma_wait3A_141 = arith.constant 0 : i32
    %dma_wait3A_142 = arith.constant 0 : i32
    %dma_wait3A_143 = tpu.memref_slice %arg8[%dma_wait3A_141, %dma_wait3A_142] : memref<10240x128xf32, #tpu.memory_space<vmem_shared>> -> memref<10240x128xf32, #tpu.memory_space<vmem_shared>>
    tpu.wait_indirect_dma semaphore(%arg12 : memref<!tpu.dma_semaphore, #tpu.memory_space<semaphore_mem>>) src(%dma_wait3A_133 : memref<120x128xf32, #tpu.memory_space<vmem>>) dst(%dma_wait3A_143 : memref<10240x128xf32, #tpu.memory_space<vmem_shared>>)
    %barrier3A_144 = arith.constant 0 : index
    tpu.barrier barrier_id(%barrier3A_144)
    "tpu.region"() ({
      %run_scoped3A_145 = tpu.sem_alloc : memref<!tpu.dma_semaphore, #tpu.memory_space<semaphore_mem>>
      %dma_start3A_146 = arith.constant 0 : i32
      %dma_start3A_147 = arith.constant 0 : i32
      %dma_start3A_148 = tpu.memref_slice %arg4[%arg0, %dma_start3A_146, %dma_start3A_147] : memref<2x10240x128xf32, #tpu.memory_space<hbm>> -> memref<1x10240x128xf32, #tpu.memory_space<hbm>>
      %dma_start3A_149 = tpu.memref_squeeze %dma_start3A_148 : memref<1x10240x128xf32, #tpu.memory_space<hbm>> -> memref<10240x128xf32, #tpu.memory_space<hbm>>
      %dma_start3A_150 = arith.constant 0 : i32
      %dma_start3A_151 = tpu.memref_slice %dma_start3A_149[%mul3A_0, %dma_start3A_150] : memref<10240x128xf32, #tpu.memory_space<hbm>> -> memref<640x128xf32, #tpu.memory_space<hbm>>
      %dma_start3A_152 = arith.constant 0 : i32
      %dma_start3A_153 = tpu.memref_slice %arg8[%mul3A_0, %dma_start3A_152] : memref<10240x128xf32, #tpu.memory_space<vmem_shared>> -> memref<640x128xf32, #tpu.memory_space<vmem_shared>>
      tpu.enqueue_dma source(%dma_start3A_153 : memref<640x128xf32, #tpu.memory_space<vmem_shared>>) target(%dma_start3A_151 : memref<640x128xf32, #tpu.memory_space<hbm>>) target_semaphore(%run_scoped3A_145 : memref<!tpu.dma_semaphore, #tpu.memory_space<semaphore_mem>>)
      %dma_wait3A_154 = arith.constant 0 : i32
      %dma_wait3A_155 = arith.constant 0 : i32
      %dma_wait3A_156 = tpu.memref_slice %arg4[%arg0, %dma_wait3A_154, %dma_wait3A_155] : memref<2x10240x128xf32, #tpu.memory_space<hbm>> -> memref<1x10240x128xf32, #tpu.memory_space<hbm>>
      %dma_wait3A_157 = tpu.memref_squeeze %dma_wait3A_156 : memref<1x10240x128xf32, #tpu.memory_space<hbm>> -> memref<10240x128xf32, #tpu.memory_space<hbm>>
      %dma_wait3A_158 = arith.constant 0 : i32
      %dma_wait3A_159 = tpu.memref_slice %dma_wait3A_157[%mul3A_0, %dma_wait3A_158] : memref<10240x128xf32, #tpu.memory_space<hbm>> -> memref<640x128xf32, #tpu.memory_space<hbm>>
      %dma_wait3A_160 = arith.constant 0 : i32
      %dma_wait3A_161 = tpu.memref_slice %arg8[%mul3A_0, %dma_wait3A_160] : memref<10240x128xf32, #tpu.memory_space<vmem_shared>> -> memref<640x128xf32, #tpu.memory_space<vmem_shared>>
      tpu.wait_dma2 semaphore(%run_scoped3A_145 : memref<!tpu.dma_semaphore, #tpu.memory_space<semaphore_mem>>) src(%dma_wait3A_161 : memref<640x128xf32, #tpu.memory_space<vmem_shared>>) dst(%dma_wait3A_159 : memref<640x128xf32, #tpu.memory_space<hbm>>)
      tpu.yield
    }) : () -> ()
    return
  }
}

module attributes {stable_mosaic.version = 14 : i64} {
  func.func @_tc_body(%arg0: i32, %arg1: memref<2000x128xf32, #tpu.memory_space<vmem>>, %arg2: memref<2000x128xf32, #tpu.memory_space<vmem>>, %arg3: memref<128x128xf32, #tpu.memory_space<vmem>>, %arg4: memref<1x128xf32, #tpu.memory_space<vmem>>, %arg5: memref<2000x128xf32, #tpu.memory_space<vmem>>) attributes {dimension_semantics = [#tpu.dimension_semantics<arbitrary>], iteration_bounds = array<i64: 5>, scalar_prefetch = 0 : i64, scratch_operands = 0 : i64, tpu.core_type = #tpu.core_type<tc>, window_params = [{transform_indices = @transform_0, window_bounds = array<i64: 2000, 128>}, {transform_indices = @transform_1, window_bounds = array<i64: 2000, 128>}, {pipeline_mode = #tpu.pipeline_mode<synchronous>, transform_indices = @transform_2, window_bounds = array<i64: 128, 128>}, {pipeline_mode = #tpu.pipeline_mode<synchronous>, transform_indices = @transform_3, window_bounds = array<i64: 1, 128>}, {transform_indices = @transform_4, window_bounds = array<i64: 2000, 128>}]} {
    %get3A = arith.constant 0 : index
    %get3A_0 = arith.constant 0 : index
    %get3A_1 = vector.load %arg1[%get3A, %get3A_0] : memref<2000x128xf32, #tpu.memory_space<vmem>>, vector<2000x128xf32>
    %get3A_2 = arith.constant 0 : index
    %get3A_3 = arith.constant 0 : index
    %get3A_4 = vector.load %arg2[%get3A_2, %get3A_3] : memref<2000x128xf32, #tpu.memory_space<vmem>>, vector<2000x128xf32>
    %add3A = arith.addf %get3A_1, %get3A_4 : vector<2000x128xf32>
    %get3A_5 = arith.constant 0 : index
    %get3A_6 = arith.constant 0 : index
    %get3A_7 = vector.load %arg3[%get3A_5, %get3A_6] : memref<128x128xf32, #tpu.memory_space<vmem>>, vector<128x128xf32>
    %dot_general3A = arith.constant dense<0.000000e+00> : vector<2000x128xf32>
    %dot_general3A_8 = tpu.matmul %add3A, %get3A_7, %dot_general3A {dimension_numbers = #tpu.dot_dimension_numbers<[1], [0], [0], [1], [0, 0, 1, 1], [], []>, transpose_lhs_hint = false} : vector<2000x128xf32>, vector<128x128xf32>, vector<2000x128xf32> -> vector<2000x128xf32>
    %get3A_9 = arith.constant 0 : index
    %get3A_10 = arith.constant 0 : index
    %get3A_11 = vector.load %arg4[%get3A_9, %get3A_10] : memref<1x128xf32, #tpu.memory_space<vmem>>, vector<1x128xf32>
    %add3A_12 = vector.broadcast %get3A_11 : vector<1x128xf32> to vector<2000x128xf32>
    %add3A_13 = arith.addf %dot_general3A_8, %add3A_12 : vector<2000x128xf32>
    %max3A = arith.constant 0.000000e+00 : f32
    %max3A_14 = vector.broadcast %max3A : f32 to vector<2000x128xf32>
    %max3A_15 = arith.maximumf %add3A_13, %max3A_14 : vector<2000x128xf32>
    %swap3A = arith.constant 0 : index
    %swap3A_16 = arith.constant 0 : index
    %swap3A_17 = vector.load %arg5[%swap3A, %swap3A_16] : memref<2000x128xf32, #tpu.memory_space<vmem>>, vector<2000x128xf32>
    tpu.vector_store %arg5[%swap3A, %swap3A_16], %max3A_15 {strides = array<i32>} : memref<2000x128xf32, #tpu.memory_space<vmem>>, vector<2000x128xf32>,
    return
  }
  func.func @transform_0(%arg0: i32) -> (i32, i32) {
    %c0_i32 = arith.constant 0 : i32
    %c0_i32_0 = arith.constant 0 : i32
    return %arg0, %c0_i32 : i32, i32
  }
  func.func @transform_1(%arg0: i32) -> (i32, i32) {
    %c0_i32 = arith.constant 0 : i32
    %c0_i32_0 = arith.constant 0 : i32
    return %arg0, %c0_i32 : i32, i32
  }
  func.func @transform_2(%arg0: i32) -> (i32, i32) {
    %c0_i32 = arith.constant 0 : i32
    %c0_i32_0 = arith.constant 0 : i32
    %c0_i32_1 = arith.constant 0 : i32
    return %c0_i32, %c0_i32_0 : i32, i32
  }
  func.func @transform_3(%arg0: i32) -> (i32, i32) {
    %c0_i32 = arith.constant 0 : i32
    %c0_i32_0 = arith.constant 0 : i32
    %c0_i32_1 = arith.constant 0 : i32
    return %c0_i32, %c0_i32_0 : i32, i32
  }
  func.func @transform_4(%arg0: i32) -> (i32, i32) {
    %c0_i32 = arith.constant 0 : i32
    %c0_i32_0 = arith.constant 0 : i32
    return %arg0, %c0_i32 : i32, i32
  }
}

</mosaic_0001>

<sc_bundles>
// kernel: kernel.5.cloned.1.call-start
scs
__scs_entry_jumppad:
0x0: {  	(pc) =	sbr.rel $0x88, $3  }
0x1: {  	(tag) =	ssettag $0x0;
	lr =	simm.s32 $0x1  }
0x2: {  	[smem:$0x3F9C] =	sst lr;
	_ =	strace $0xD0000000  }
0x3: {  	_ = 	snop  }
0x4: {  	_ = 	snop  }
0x5: {  	_ = 	snop  }
0x6: {  	_ = 	snop  }
0x7: {  	_ = 	snop  }
__scs_overlays_trampoline_lowered:
0x8: {  	[smem:$0x3FAB] =	sst s0  }
0x9: {  	[smem:$0x3FAC] =	sst s1  }
0xa: {  	[smem:$0x3FAD] =	sst s2  }
0xb: {  	[smem:$0x3FAE] =	sst s3  }
0xc: {  	[smem:$0x3FAF] =	sst s4  }
0xd: {  	[smem:$0x3FB0] =	sst s5  }
0xe: {  	[smem:$0x3FB1] =	sst s6  }
0xf: {  	[smem:$0x3FB2] =	sst s7  }
0x10: {  	[smem:$0x3FB3] =	sst s8  }
0x11: {  	[smem:$0x3FB4] =	sst s9;
	s0 =	simm.s32 @!p0 $0x0  }
0x12: {  	s1 =	sld [smem:$0x3F9A];
	s0 =	simm.s32 @p0 $0x1  }
0x13: {  	[smem:$0x3FB5] =	sst s0;
	s0 =	simm.s32 @!p1 $0x0  }
0x14: {  	s2 =	sld [smem:$0x3F99];
	s0 =	simm.s32 @p1 $0x1  }
0x15: {  	[smem:$0x3FB6] =	sst s0;
	s0 =	simm.s32 @!p2 $0x0  }
0x16: {  	s3 =	sld [smem:$0x3FDB];
	s0 =	simm.s32 @p2 $0x1  }
0x17: {  	s4 =	simm.s32 $0x1BF5;
	[smem:$0x3FB8] =	sst s0  }
0x18: {  	s0 =	sld [smem:$0x3F9B];
	_ =	swait.ge [sflag:s4], $0x0  }
0x19: {  	s7 =	sld [smem:$0x3F9C]  }
0x1a: {  	s8 =	sadd.s32 $0xFFFFE003, lr  }
0x1b: {  	s9 =	sadd.s32 $0xFFFFFEF7, lr;
	s5 =	simm.s32 $0xFFFFFFFF;
	p2 =	slt.u32 s8, $0xFFFFF086  }
0x1c: {  	p1 =	slt.u32 s9, $0xF7A;
	s5 =	simm.s32 @!p2 $0x0  }
0x1d: {  	s5 =	simm.s32 @p1 $0x1;
	p0 =	seq.s32 s7, s2  }
0x1e: {  	s7 =	smul.u32 @!p0 $0xF7A, s2;
	p2 =	seq.s32 @!p0 s5, $0x0  }
0x1f: {  	s9 =	smul.u32 $0xF7A, s1;
	s8 =	simm.s32 @!p0 $0x1BF5;
	p2 =	por !p2, p0  }
0x20: {  	[sflag:s8] =	ssyncset.s32 @!p0 $0xFFFFF086;
	s6 =	sadd.s32 @!p0 s3, s7;
	s7 =	simm.s32 @!p0 $0x108  }
0x21: {  	s3 =	sadd.s32 s3, s9;
	s6 =	sadd.s32 @!p0 $0x88, s6;
	s7 =	simm.s32 @p2 $0x1082  }
0x22: {  	[simem:s7], [sflag:s8] =	dma.local @!p0 [hbm:s6], $0xF7A  }
0x23: {  	s9 =	sor.u32 $0xD0000000, s2;
	s6 =	simm.s32 $0x108;
	_ =	swait.ge @!p0 [sflag:s8], $0x0  }
0x24: {  	s3 =	sadd.s32 $0x88, s3;
	s6 =	simm.s32 @!p1 $0x1082;
	[sflag:s4] =	ssyncset.s32 $0xFFFFF086  }
0x25: {  	[simem:s6], [sflag:s4] =	dma.local [hbm:s3], $0xF7A  }
0x26: {  	[smem:$0x3F9C] =	sst s1;
	(tag) =	ssettag s2;
	_ =	strace s9  }
0x27: {  	s1 =	sld [smem:$0x3FAC]  }
0x28: {  	s2 =	sld [smem:$0x3FAD]  }
0x29: {  	s4 =	sld [smem:$0x3FAF]  }
0x2a: {  	p0 =	seq.s32 s5, $0x0;
	s5 =	sld [smem:$0x3FB0]  }
0x2b: {  	s6 =	sld [smem:$0x3FB1]  }
0x2c: {  	s7 =	sld [smem:$0x3FB2]  }
0x2d: {  	s3 =	simm.s32 $0x108;
	s8 =	sld [smem:$0x3FB3]  }
0x2e: {  	s3 =	simm.s32 @!p0 $0x1082;
	s9 =	sld [smem:$0x3FB4]  }
0x2f: {  	lr =	sadd.s32 s0, s3;
	s0 =	sld [smem:$0x3FAB]  }
0x30: {  	s3 =	sld [smem:$0x3FAE]  }
0x31: {  	[smem:$0x3FB7] =	sst s10  }
0x32: {  	s10 =	sld [smem:$0x3FB5];
	_ =	sdelay $0x3  }
0x33: {  	p0 =	seq.s32 s10, $0x1;
	s10 =	sld [smem:$0x3FB7];
	_ =	sdelay $0x3  }
0x34: {  	[smem:$0x3FB7] =	sst s10  }
0x35: {  	s10 =	sld [smem:$0x3FB6];
	_ =	sdelay $0x3  }
0x36: {  	p1 =	seq.s32 s10, $0x1;
	s10 =	sld [smem:$0x3FB7];
	_ =	sdelay $0x3  }
0x37: {  	[smem:$0x3FB7] =	sst s10  }
0x38: {  	s10 =	sld [smem:$0x3FB8]  }
0x39: {  	_ = 	snop;
	(pc) =	sbr.ind lr, $3  }
0x3a: {  	_ = 	snop  }
0x3b: {  	_ = 	snop  }
0x3c: {  	p2 =	seq.s32 s10, $0x1;
	s10 =	sld [smem:$0x3FB7]  }
0x3d: {  	_ =	shalt  }
0x3e: {  	_ =	shalt  }
0x3f: {  	_ =	shalt  }
0x40: {  	_ =	shalt  }
0x41: {  	_ =	shalt  }
0x42: {  	_ =	shalt  }
0x43: {  	_ =	shalt  }
0x44: {  	_ =	shalt  }
0x45: {  	_ =	shalt  }
0x46: {  	_ =	shalt  }
0x47: {  	_ =	shalt  }
0x48: {  	_ =	shalt  }
0x49: {  	_ =	shalt  }
0x4a: {  	_ =	shalt  }
0x4b: {  	_ =	shalt  }
0x4c: {  	_ =	shalt  }
0x4d: {  	_ =	shalt  }
0x4e: {  	_ =	shalt  }
0x4f: {  	_ =	shalt  }
0x50: {  	_ =	shalt  }
0x51: {  	_ =	shalt  }
0x52: {  	_ =	shalt  }
0x53: {  	_ =	shalt  }
0x54: {  	_ =	shalt  }
0x55: {  	_ =	shalt  }
0x56: {  	_ =	shalt  }
0x57: {  	_ =	shalt  }
0x58: {  	_ =	shalt  }
0x59: {  	_ =	shalt  }
0x5a: {  	_ =	shalt  }
0x5b: {  	_ =	shalt  }
0x5c: {  	_ =	shalt  }
0x5d: {  	_ =	shalt  }
0x5e: {  	_ =	shalt  }
0x5f: {  	_ =	shalt  }
0x60: {  	_ =	shalt  }
0x61: {  	_ =	shalt  }
0x62: {  	_ =	shalt  }
0x63: {  	_ =	shalt  }
0x64: {  	_ =	shalt  }
0x65: {  	_ =	shalt  }
0x66: {  	_ =	shalt  }
0x67: {  	_ =	shalt  }
0x68: {  	_ =	shalt  }
0x69: {  	_ =	shalt  }
0x6a: {  	_ =	shalt  }
0x6b: {  	_ =	shalt  }
0x6c: {  	_ =	shalt  }
0x6d: {  	_ =	shalt  }
0x6e: {  	_ =	shalt  }
0x6f: {  	_ =	shalt  }
0x70: {  	_ =	shalt  }
0x71: {  	_ =	shalt  }
0x72: {  	_ =	shalt  }
0x73: {  	_ =	shalt  }
0x74: {  	_ =	shalt  }
0x75: {  	_ =	shalt  }
0x76: {  	_ =	shalt  }
0x77: {  	_ =	shalt  }
0x78: {  	_ =	shalt  }
0x79: {  	_ =	shalt  }
0x7a: {  	_ =	shalt  }
0x7b: {  	_ =	shalt  }
0x7c: {  	_ =	shalt  }
0x7d: {  	_ =	shalt  }
0x7e: {  	_ =	shalt  }
0x7f: {  	_ =	shalt  }
0x80: {  	_ =	shalt  }
0x81: {  	_ =	shalt  }
0x82: {  	_ =	shalt  }
0x83: {  	_ =	shalt  }
0x84: {  	_ =	shalt  }
0x85: {  	_ =	shalt  }
0x86: {  	_ =	shalt  }
0x87: {  	_ =	shalt  }
.Lfunc_end0:
.L_simem_size_0:
called_computation_lowered:
.L_overlay_start_0:
0x88: {  	s2 =	sld [smem:$0x3FD9]  }
0x89: {  	s3 =	sld [smem:$0x3FFE];
	_ =	sdelay $0x1  }
0x8a: {  	s1 =	srdreg.scid  }
0x8b: {  	s0 =	sand.u32 $0x1, s1  }
0x8c: {  	s17 =	sshll.u32 s0, $0xA;
	s2 =	sadd.s32 s3, s2  }
0x8d: {  	s2 =	sadd.s32 s2, s17  }
0x8e: {  	[smem:$0x3FC3] =	sst s2  }
0x8f: {  	_ = 	snop  }
0x90: {  	s2 =	sld [smem:$0x3FD0];
	(tm) =	ssettm $0x1  }
0x91: {  	s18 =	sld [smem:$0x3FFB];
	_ =	sdelay $0x3  }
0x92: {  	_ =	strace s18  }
0x93: {  	s3 =	sld [smem:$0x3FFC];
	_ =	sdelay $0x3  }
0x94: {  	_ =	strace s3  }
0x95: {  	s3 =	sld [smem:$0x3FFD];
	_ =	sdelay $0x3  }
0x96: {  	_ =	strace s3  }
0x97: {  	_ =	strace $0x8FFFFFFF  }
0x98: {  	s19 =	sld [smem:$0x3FDB];
	_ =	sdelay $0x1  }
0x99: {  	s4 =	simm.s32 $_scs_section_size  }
0x9a: {  	s5 =	simm.s32 $_size__tile_overlayer_lowered;
	s6 =	simm.s32 $_tile_overlayer_lowered  }
0x9b: {  	s22 =	simm.s32 $0x1BFF;
	s21 =	sshll.u32 s6, $0x1;
	s3 =	sadd.s32 s4, s19  }
0x9c: {  	s7 =	simm.s32 $0x0;
	s20 =	sshll.u32 s5, $0x1;
	s5 =	sadd.s32 s21, s3  }
0x9d: {  	[timem:s7], [sflag:s22] =	dma.local [hbm:s5], s20  }
0x9e: {  	_ =	swait.ge [sflag:s22], s20  }
0x9f: {  	s4 =	ssub.s32 $0x0, s20;
	[sflag:s22] =	ssyncset.done $0x0  }
0xa0: {  	[sflag:s22] =	ssyncadd.s32 s4;
	_ =	sdelay $0x1  }
0xa1: {  	s23 =	simm.s32 $0x1B8B  }
0xa2: {  	_ =	swait.ge [sflag:s23], $0x1  }
0xa3: {  	[sflag:s23] =	ssyncset.done $0x0  }
0xa4: {  	s25 =	simm.s32 $0x1B8E;
	s24 =	sld [smem:$0x3FFE];
	[sflag:s23] =	ssyncadd.s32 $0xFFFFFFFF  }
0xa5: {  	s26 =	simm.s32 $execute0_lowered;
	[smem:$0x3FD2] =	sst s25  }
0xa6: {  	s5 =	sshll.u32 s26, $0x1;
	_ =	strace $0x80000046;
	[dreg:$0x1] =	wrdreg $0xFFFFFFFF  }
0xa7: {  	s28 =	simm.s32 $_size_execute0_lowered;
	s3 =	sadd.s32 s3, s5;
	[dreg:$0x0] =	wrdreg $0x0  }
0xa8: {  	s5 =	sshll.u32 s28, $0x1;
	[dreg:$0x2] =	wrdreg s3  }
0xa9: {  	[dreg:$0x3] =	wrdreg s5  }
0xaa: {  	[dreg:$0x4] =	wrdreg $0xC0  }
0xab: {  	_ =	task [dreg:s7], $0x5FFFF  }
0xac: {  	[dreg:$0x1] =	wrdreg $0xFFFFFFFF  }
0xad: {  	[dreg:$0x0] =	wrdreg $0x60  }
0xae: {  	[dreg:$0x2] =	wrdreg s24  }
0xaf: {  	[dreg:$0x3] =	wrdreg s2  }
0xb0: {  	[dreg:$0x4] =	wrdreg $0xB9A00  }
0xb1: {  	[dreg:$0x5] =	wrdreg $0x9  }
0xb2: {  	_ =	task.clear_ibuf [dreg:s7], $0x6FFFF;
	_ =	strace $0x90000046  }
0xb3: {  	s29 =	simm.s32 $0x9;
	_ =	strace $0x80000048  }
0xb4: {  	_ =	swait.ge [sflag:s29], $0x1  }
0xb5: {  	[sflag:s29] =	ssyncadd.s32 $0xFFFFFFFF  }
0xb6: {  	_ =	strace $0x90000048  }
0xb7: {  	_ =	sfence  }
0xb8: {  	s30 =	sld [smem:$0x0];
	_ =	sdelay $0x2  }
0xb9: {  	s31 =	sshll.u32 s1, $0xD;
	s1 =	sshrl.u32 s1, $0x2  }
0xba: {  	s3 =	sand.u32 $0x4000, s31;
	s1 =	sadd.s32 s1, s30  }
0xbb: {  	s0 =	sor.u32 s3, s0;
	s1 =	sshll.u32 s1, $0x11  }
0xbc: {  	s0 =	sor.u32 s1, s0  }
0xbd: {  	s0 =	sadd.s32 $0x8F2B, s0  }
0xbe: {  	[sflag:s0] =	ssyncadd.remote.s32 $0x1  }
0xbf: {  	_ =	sfence.sel $0xFFFF  }
0xc0: {  	[dreg:$0x0] =	wrdreg $0xFFFFFFFF;
	(pc) =	sbr.abs _section_cstart, $3  }
0xc1: {  	[dreg:$0x1] =	wrdreg $0xFFFFFFFF  }
0xc2: {  	_ =	task.clear_ibuf [dreg:s7], $0x2FFFF;
	_ =	strace $0x9FFFFFFF  }
0xc3: {  	(tm) =	ssettm $0x7FFFFFFF  }
tec
execute0_lowered:
.L_overlay_start_1:
0x0: {  	(tag) =	ssettag $0x1  }
0x1: {  	s1 =	rddreg [dreg:$0x0]  }
0x2: {  	s2 =	rddreg [dreg:$0x1]  }
0x3: {  	s3 =	rddreg [dreg:$0x2];
	s0 =	srdreg.scid  }
0x4: {  	s11 =	simm.s32 $0x0;
	s9 =	stileid.u32;
	s29 =	simm.s32 $0x2D0  }
0x5: {  	s30 =	simm.s32 $0x6;
	s31 =	simm.s32 $0x23A0;
	s5 =	smul.u32 $0x50000, s9  }
0x6: {  	s0 =	sand.u32 $0x1, s0;
	[smem:$0x7FF] =	sst s11;
	s8 =	smul.u32 $0x14000, s9  }
0x7: {  	s4 =	smul.u32 $0x28000, s0;
	_ =	strace $0x80000047;
	s6 =	ssub.s32 $0x2, s0  }
0x8: {  	s0 =	sshll.u32 s0, $0x4;
	s7 =	sshrl.u32 s6, $0x1;
	s5 =	sshrl.u32 s5, $0x2  }
0x9: {  	s16 =	sadd.s32 s8, s3;
	s0 =	sor.u32 s9, s0;
	s26 =	sshrl.u32 s8, $0x3  }
0xa: {  	s8 =	simm.s32 $0x7;
	s9 =	simm.s32 $0x2;
	s5 =	sadd.s32 s5, s3  }
0xb: {  	s4 =	sadd.s32 s4, s1;
	[dreg:$0x5] =	wrdreg s16;
	s12 =	sadd.s32 $0x2800, s5  }
0xc: {  	s6 =	ssub.s32 s6, s7;
	s13 =	sadd.s32 $0x5000, s5;
	[dreg:$0x6] =	wrdreg s12  }
0xd: {  	s15 =	smul.u32 $0x7620, s0;
	s14 =	sadd.s32 $0x7800, s5;
	[dreg:$0x7] =	wrdreg s13  }
0xe: {  	s19 =	smul.u32 $0xEC4, s0;
	s17 =	sadd.s32 $0xA000, s5;
	[dreg:$0x8] =	wrdreg s14  }
0xf: {  	s0 =	smul.u32 $0x54, s0;
	s18 =	sadd.s32 $0xC800, s5;
	[dreg:$0x9] =	wrdreg s17  }
0x10: {  	s10 =	sadd.s32 $0xF000, s5;
	s5 =	sadd.s32 $0x11800, s5;
	[dreg:$0xa] =	wrdreg s18  }
0x11: {  	s25 =	sadd.s32 $0x14000, s4;
	s28 =	smax.u32 s6, $0x1;
	[dreg:$0xb] =	wrdreg s10  }
0x12: {  	s4 =	simm.s32 $0xF0;
	s7 =	sadd.s32 $0x168, s15;
	[dreg:$0xc] =	wrdreg s5  }
0x13: {  	s20 =	sadd.s32 s2, s19;
	s22 =	sor.u32 $0x2, s0;
	s23 =	sor.u32 $0x3, s0  }
0x14: {  	s24 =	sadd.s32 $0x4, s0;
	s19 =	sadd.s32 $0x5, s0;
	[dreg:$0x12] =	wrdreg s28  }
0x15: {  	s17 =	simm.s32 $0x9;
	s0 =	sadd.s32 s26, s25;
	[dreg:$0xd] =	wrdreg s20  }
0x16: {  	s26 =	simm.s32 $0x78;
	s10 =	simm.s32 $0x258;
	[dreg:$0xf] =	wrdreg s22  }
0x17: {  	s12 =	simm.s32 $0x7DA0;
	s13 =	simm.s32 $0x3;
	[dreg:$0x10] =	wrdreg s23  }
0x18: {  	s14 =	simm.s32 $0x8;
	s15 =	simm.s32 $0x3C0;
	[dreg:$0x11] =	wrdreg s24  }
0x19: {  	s25 =	simm.s32 $0x528;
	s21 =	sshrl.u32 s7, $0x3;
	[dreg:$0x13] =	wrdreg s0  }
0x1a: {  	s0 =	simm.s32 $0x1;
	s7 =	simm.s32 $0x438;
	s5 =	sadd.s32 s2, s21  }
0x1b: {  	v0 =	vimm.f32 $0.0e+00;
	s24 =	simm.s32 $0x4;
	s21 =	simm.s32 $0x41A0;
	[dreg:$0xe] =	wrdreg s5  }
.LBB2_1:
0x1c: {  	[dreg:$0x4] =	wrdreg s11;
	s5 =	simm.s32 $0x0;
	s6 =	simm.s32 $0x200  }
.LBB2_2:
0x1d: {  	p0 =	sne.s32 s6, $0x9E00;
	[tilespmem:s5+$0x4210] =	vst v0  }
0x1e: {  	[tilespmem:s5+$0x41A0] =	vst v0  }
0x1f: {  	[tilespmem:s5+$0x41B0] =	vst v0  }
.Ltmp0:
0x20: {  	[tilespmem:s5+$0x41C0] =	vst v0;
	(pc) =	sbr.rel @p0 .LBB2_2-.Ltmp0, $4  }
0x21: {  	[tilespmem:s5+$0x41D0] =	vst v0  }
0x22: {  	[tilespmem:s5+$0x41E0] =	vst v0  }
0x23: {  	[tilespmem:s5+$0x41F0] =	vst v0  }
0x24: {  	[tilespmem:s5+$0x4200] =	vst v0;
	s5 =	sshra.s32 s6, $0x2;
	s6 =	sadd.s32 $0x200, s6  }
0x25: {  	[tilespmem:s5+$0x4210] =	vst v0  }
0x26: {  	[tilespmem:s5+$0x41A0] =	vst v0  }
0x27: {  	[tilespmem:s5+$0x41B0] =	vst v0  }
0x28: {  	[tilespmem:s5+$0x41C0] =	vst v0  }
0x29: {  	[tilespmem:s5+$0x41D0] =	vst v0  }
0x2a: {  	[tilespmem:s5+$0x41E0] =	vst v0  }
0x2b: {  	[tilespmem:s5+$0x41F0] =	vst v0  }
0x2c: {  	[tilespmem:s5+$0x4200] =	vst v0  }
0x2d: {  	[spmem:s16] =	stream.linear.scatter [tilespmem:s21], [sflag:$0x9], $0x2800, $0x38;
	[tilespmem:$0x1F9A0] =	vst v63  }
0x2e: {  	_ =	swait.ge [sflag:s17], $0x2800  }
0x2f: {  	[sflag:s17] =	ssyncset.done $0x0  }
0x30: {  	s23 =	rddreg [dreg:$0x6];
	[sflag:s17] =	ssyncadd.s32 $0xFFFFD800  }
0x31: {  	[spmem:s23] =	stream.linear.scatter [tilespmem:s21], [sflag:$0x9], $0x2800, $0x38;
	[tilespmem:$0x1F9A0] =	vst v63  }
0x32: {  	_ =	swait.ge [sflag:s17], $0x2800  }
0x33: {  	[sflag:s17] =	ssyncset.done $0x0  }
0x34: {  	s28 =	rddreg [dreg:$0x7];
	[sflag:s17] =	ssyncadd.s32 $0xFFFFD800  }
0x35: {  	[spmem:s28] =	stream.linear.scatter [tilespmem:s21], [sflag:$0x9], $0x2800, $0x38;
	[tilespmem:$0x1F9A0] =	vst v63  }
0x36: {  	_ =	swait.ge [sflag:s17], $0x2800  }
0x37: {  	[sflag:s17] =	ssyncset.done $0x0  }
0x38: {  	s6 =	rddreg [dreg:$0x8];
	[sflag:s17] =	ssyncadd.s32 $0xFFFFD800  }
0x39: {  	[spmem:s6] =	stream.linear.scatter [tilespmem:s21], [sflag:$0x9], $0x2800, $0x38;
	[tilespmem:$0x1F9A0] =	vst v63  }
0x3a: {  	_ =	swait.ge [sflag:s17], $0x2800  }
0x3b: {  	[sflag:s17] =	ssyncset.done $0x0  }
0x3c: {  	s11 =	rddreg [dreg:$0x9];
	[sflag:s17] =	ssyncadd.s32 $0xFFFFD800  }
0x3d: {  	[spmem:s11] =	stream.linear.scatter [tilespmem:s21], [sflag:$0x9], $0x2800, $0x38;
	[tilespmem:$0x1F9A0] =	vst v63  }
0x3e: {  	_ =	swait.ge [sflag:s17], $0x2800  }
0x3f: {  	[sflag:s17] =	ssyncset.done $0x0  }
0x40: {  	s16 =	rddreg [dreg:$0xa];
	[sflag:s17] =	ssyncadd.s32 $0xFFFFD800  }
0x41: {  	[spmem:s16] =	stream.linear.scatter [tilespmem:s21], [sflag:$0x9], $0x2800, $0x38;
	[tilespmem:$0x1F9A0] =	vst v63  }
0x42: {  	_ =	swait.ge [sflag:s17], $0x2800  }
0x43: {  	[sflag:s17] =	ssyncset.done $0x0  }
0x44: {  	s18 =	rddreg [dreg:$0xb];
	[sflag:s17] =	ssyncadd.s32 $0xFFFFD800  }
0x45: {  	[spmem:s18] =	stream.linear.scatter [tilespmem:s21], [sflag:$0x9], $0x2800, $0x38;
	[tilespmem:$0x1F9A0] =	vst v63  }
0x46: {  	_ =	swait.ge [sflag:s17], $0x2800  }
0x47: {  	[sflag:s17] =	ssyncset.done $0x0  }
0x48: {  	s20 =	rddreg [dreg:$0xc];
	[sflag:s17] =	ssyncadd.s32 $0xFFFFD800  }
0x49: {  	[spmem:s20] =	stream.linear.scatter [tilespmem:s21], [sflag:$0x9], $0x2800, $0x38;
	[tilespmem:$0x1F9A0] =	vst v63  }
0x4a: {  	_ =	swait.ge [sflag:s17], $0x2800  }
0x4b: {  	[sflag:s17] =	ssyncset.done $0x0  }
0x4c: {  	[sflag:s17] =	ssyncadd.s32 $0xFFFFD800  }
0x4d: {  	[bflag:$0x0] =	sbarrier.arrive $0xFFFF  }
0x4e: {  	s5 =	simm.s32 $0x0;
	s6 =	rddreg [dreg:$0xd]  }
0x4f: {  	[tilespmem:s5], [sflag:$0x5] =	stream.linear.gather [hbm4b:s6+s5], $0x168, $0x38;
	[tilespmem:$0x1F9A0] =	vst v63  }
0x50: {  	s23 =	simm.s32 $0x5;
	s11 =	simm.s32 $0x168;
	s22 =	rddreg [dreg:$0xe]  }
0x51: {  	[tilespmem:s11], [sflag:$0x6] =	stream.linear.gather [hbm4b:s22+s5], $0x168, $0x38;
	[tilespmem:$0x1F9A0] =	vst v63  }
0x52: {  	_ =	swait.ge [sflag:s23], $0x168  }
0x53: {  	[sflag:s23] =	ssyncset.done $0x0  }
0x54: {  	s28 =	simm.s32 $0x5A0;
	s22 =	simm.s32 $0x0;
	[sflag:s23] =	ssyncadd.s32 $0xFFFFFE98  }
0x55: {  	[tilespmem:s28], [sflag:$0x1] =	stream.indirect.gather [hbm4b:s1+s26], $0x40, s5, s26, $0xb8;
	[tilespmem:$0x1F9A0] =	vst v63  }
.LBB2_4:
0x56: {  	s11 =	sshll.u32 s22, $0x2;
	p0 =	seq.s32 s22, $0x0;
	s16 =	rddreg [dreg:$0xf]  }
0x57: {  	s6 =	simm.s32 @!p0 $0x3;
	s16 =	sadd.s32 s11, s16  }
0x58: {  	_ =	swait.ge @!p0 [sflag:s6], $0x3C00;
	s16 =	smul.u32 $0x2D, s16  }
0x59: {  	[sflag:s6] =	ssyncset.done @!p0 $0x0  }
0x5a: {  	[sflag:s6] =	ssyncadd.s32 @!p0 $0xFFFFC400;
	s23 =	sadd.s32 s2, s16;
	s16 =	simm.s32 $0x2  }
0x5b: {  	[tilespmem:s29], [sflag:$0x7] =	stream.linear.gather [hbm4b:s23+s5], $0x168, $0x38;
	[tilespmem:$0x1F9A0] =	vst v63  }
0x5c: {  	v1 =	vmov s16;
	_ =	swait.ge [sflag:s30], $0x168  }
0x5d: {  	v1 =	vand.u32 $0xFFFFFFFE, v1;
	[sflag:s30] =	ssyncset.done $0x0  }
0x5e: {  	s17 =	simm.s32 $0x168;
	s18 =	simm.s32 $0x1;
	v1 =	vbroadcast v1, $0x0;
	[sflag:s30] =	ssyncadd.s32 $0xFFFFFE98  }
0x5f: {  	v2 =	vmov s18;
	[tilespmem:s31], [sflag:$0x2] =	stream.indirect.gather [hbm4b:s1+s26], $0x40, s17, s26, $0xb8;
	[tilespmem:$0x1F9A0] =	vst v63  }
0x60: {  	v2 =	vand.u32 $0xFFFFFFFD, v2;
	_ =	swait.ge [sflag:s0], $0x1E00  }
0x61: {  	v3 =	vmov s5;
	v2 =	vbroadcast v2, $0x0;
	[sflag:s0] =	ssyncset.done $0x0  }
0x62: {  	v3 =	vand.u32 $0xFFFFFFFC, v3;
	s6 =	simm.s32 $0x620;
	[sflag:s0] =	ssyncadd.s32 $0xFFFFE200  }
0x63: {  	v3 =	vbroadcast v3, $0x0;
	v4 =	vld [tilespmem:s6+$0x0]  }
0x64: {  	v8 =	vld.idx.msk [tilespmem:v1+s4+$0x0], $0xffff  }
0x65: {  	s20 =	simm.s32 $0x3  }
0x66: {  	v1 =	vmov s20;
	v9 =	vld [tilespmem:s6+$0xFFFFFFC0]  }
0x67: {  	v7 =	vld.idx.msk [tilespmem:v2+s4+$0x0], $0xffff  }
0x68: {  	v10 =	vld [tilespmem:s6+$0xFFFFFF80];
	v2 =	vunpack.i.l.bf16.f32 v4  }
0x69: {  	v6 =	vld.idx.msk [tilespmem:v3+s4+$0x0], $0xffff;
	v4 =	vunpack.i.u.bf16.f32 v4;
	v2 =	vmul.f32 v8, v2  }
0x6a: {  	s20 =	simm.s32 $0x42A0;
	v3 =	vmul.f32 v8, v4;
	v4 =	vld [tilespmem:s6+$0x40]  }
0x6b: {  	v5 =	vld.idx.msk [tilespmem:v1+s4+$0x0], $0xffff;
	v1 =	vunpack.i.l.bf16.f32 v9;
	[tilespmem:s20+$0x0] =	vst v2  }
0x6c: {  	v1 =	vmul.f32 v7, v1;
	[tilespmem:s20+$0x10] =	vst v3;
	v2 =	vunpack.i.u.bf16.f32 v9  }
0x6d: {  	v9 =	vunpack.i.l.bf16.f32 v10;
	v3 =	vld [tilespmem:s6+$0x10];
	v2 =	vmul.f32 v7, v2  }
0x6e: {  	v10 =	vunpack.i.u.bf16.f32 v10;
	[tilespmem:s20+$0xFFFFFF80] =	vst v1;
	v9 =	vmul.f32 v6, v9  }
0x6f: {  	v10 =	vmul.f32 v6, v10;
	v1 =	vunpack.i.l.bf16.f32 v4;
	[tilespmem:s20+$0xFFFFFF90] =	vst v2  }
0x70: {  	v2 =	vunpack.i.u.bf16.f32 v4;
	[tilespmem:s20+$0xFFFFFF00] =	vst v9;
	v1 =	vmul.f32 v5, v1;
	v4 =	vld [tilespmem:s6+$0xFFFFFFD0]  }
0x71: {  	[tilespmem:s20+$0xFFFFFF10] =	vst v10;
	v2 =	vmul.f32 v5, v2  }
0x72: {  	v10 =	vld [tilespmem:s6+$0xFFFFFF90];
	v9 =	vunpack.i.l.bf16.f32 v3;
	[tilespmem:s20+$0x80] =	vst v1  }
0x73: {  	v1 =	vunpack.i.u.bf16.f32 v3;
	[tilespmem:s20+$0x90] =	vst v2;
	v3 =	vmul.f32 v8, v9  }
0x74: {  	v1 =	vmul.f32 v8, v1;
	v2 =	vld [tilespmem:s6+$0x50]  }
0x75: {  	[tilespmem:s20+$0x20] =	vst v3;
	v3 =	vunpack.i.l.bf16.f32 v4  }
0x76: {  	[tilespmem:s20+$0x30] =	vst v1;
	v1 =	vunpack.i.u.bf16.f32 v4;
	v3 =	vmul.f32 v7, v3  }
0x77: {  	s23 =	simm.s32 $0x4;
	v11 =	vunpack.i.l.bf16.f32 v10;
	v4 =	vld [tilespmem:s6+$0x20];
	v1 =	vmul.f32 v7, v1  }
0x78: {  	v9 =	vmov s23;
	v10 =	vunpack.i.u.bf16.f32 v10;
	v11 =	vmul.f32 v6, v11;
	[tilespmem:s20+$0xFFFFFFA0] =	vst v3  }
0x79: {  	s18 =	simm.s32 $0x6;
	v3 =	vand.u32 $0xFFFFFFFC, v9;
	v9 =	vmul.f32 v6, v10;
	[tilespmem:s20+$0xFFFFFFB0] =	vst v1;
	v1 =	vunpack.i.l.bf16.f32 v2  }
0x7a: {  	s17 =	simm.s32 $0x7;
	v2 =	vunpack.i.u.bf16.f32 v2;
	[tilespmem:s20+$0xFFFFFF20] =	vst v11;
	v11 =	vmov s18;
	v10 =	vld [tilespmem:s6+$0xFFFFFFE0];
	v1 =	vmul.f32 v5, v1  }
0x7b: {  	v12 =	vmov s17;
	v2 =	vmul.f32 v5, v2;
	[tilespmem:s20+$0xFFFFFF30] =	vst v9;
	v9 =	vand.u32 $0xFFFFFFFE, v11  }
0x7c: {  	s23 =	simm.s32 $0x5;
	v3 =	vbroadcast v3, $0x0;
	v11 =	vunpack.i.l.bf16.f32 v4;
	[tilespmem:s20+$0xA0] =	vst v1;
	v9 =	vbroadcast v9, $0x0  }
0x7d: {  	v13 =	vld [tilespmem:s6+$0xFFFFFFA0];
	v1 =	vunpack.i.u.bf16.f32 v4;
	[tilespmem:s20+$0xB0] =	vst v2;
	v4 =	vmul.f32 v8, v11;
	v11 =	vmov s23  }
0x7e: {  	v2 =	vmul.f32 v8, v1;
	s23 =	simm.s32 $0x720;
	v1 =	vand.u32 $0xFFFFFFFD, v11;
	v11 =	vld [tilespmem:s6+$0x60]  }
0x7f: {  	v15 =	vld [tilespmem:s23+$0x0];
	[tilespmem:s20+$0x40] =	vst v4;
	v4 =	vunpack.i.l.bf16.f32 v10  }
0x80: {  	v14 =	vbroadcast v1, $0x0;
	v1 =	vld.idx.msk [tilespmem:v12+s4+$0x0], $0xffff;
	[tilespmem:s20+$0x50] =	vst v2;
	v4 =	vmul.f32 v7, v4  }
0x81: {  	v2 =	vunpack.i.u.bf16.f32 v10;
	v10 =	vld [tilespmem:s6+$0x30]  }
0x82: {  	v12 =	vmul.f32 v7, v2;
	v2 =	vunpack.i.l.bf16.f32 v13;
	[tilespmem:s20+$0xFFFFFFC0] =	vst v4;
	v4 =	vld.idx.msk [tilespmem:v9+s4+$0x0], $0xffff  }
0x83: {  	v13 =	vunpack.i.u.bf16.f32 v13;
	v16 =	vmul.f32 v6, v2;
	v2 =	vld.idx.msk [tilespmem:v3+s4+$0x0], $0xffff  }
0x84: {  	v9 =	vmul.f32 v6, v13;
	[tilespmem:s20+$0xFFFFFFD0] =	vst v12;
	v13 =	vld [tilespmem:s23+$0xFFFFFFC0];
	v3 =	vunpack.i.l.bf16.f32 v11  }
0x85: {  	v11 =	vunpack.i.u.bf16.f32 v11;
	[tilespmem:s20+$0xFFFFFF40] =	vst v16;
	v12 =	vmul.f32 v5, v3;
	v16 =	vld [tilespmem:s23+$0x40]  }
0x86: {  	v11 =	vmul.f32 v5, v11;
	[tilespmem:s20+$0xFFFFFF50] =	vst v9;
	v3 =	vld.idx.msk [tilespmem:v14+s4+$0x0], $0xffff;
	v9 =	vunpack.i.u.bf16.f32 v10  }
0x87: {  	v14 =	vld [tilespmem:s23+$0xFFFFFF80];
	[tilespmem:s20+$0xC0] =	vst v12;
	v9 =	vmul.f32 v8, v9;
	v12 =	vunpack.i.l.bf16.f32 v15  }
0x88: {  	[tilespmem:s20+$0xD0] =	vst v11;
	v11 =	vunpack.i.u.bf16.f32 v15;
	v12 =	vmul.f32 v4, v12  }
0x89: {  	s28 =	simm.s32 $0x44A0;
	v10 =	vunpack.i.l.bf16.f32 v10;
	v15 =	vld [tilespmem:s6+$0xFFFFFFF0];
	[tilespmem:s20+$0x70] =	vst v9;
	v9 =	vmul.f32 v4, v11  }
0x8a: {  	v8 =	vmul.f32 v8, v10;
	v10 =	vld [tilespmem:s6+$0xFFFFFFB0];
	v11 =	vunpack.i.l.bf16.f32 v13;
	[tilespmem:s28+$0x0] =	vst v12  }
0x8b: {  	v13 =	vunpack.i.u.bf16.f32 v13;
	v12 =	vld [tilespmem:s6+$0x70];
	v17 =	vunpack.i.u.bf16.f32 v16;
	v11 =	vmul.f32 v3, v11;
	[tilespmem:s28+$0x10] =	vst v9  }
0x8c: {  	[tilespmem:s20+$0x60] =	vst v8;
	v9 =	vunpack.i.l.bf16.f32 v14;
	v8 =	vmul.f32 v3, v13;
	v14 =	vunpack.i.u.bf16.f32 v14;
	v13 =	vld [tilespmem:s23+$0x10]  }
0x8d: {  	v9 =	vmul.f32 v2, v9;
	v14 =	vmul.f32 v2, v14;
	[tilespmem:s28+$0xFFFFFF80] =	vst v11;
	v11 =	vunpack.i.l.bf16.f32 v16  }
0x8e: {  	v16 =	vunpack.i.u.bf16.f32 v15;
	[tilespmem:s28+$0xFFFFFF90] =	vst v8;
	v8 =	vunpack.i.l.bf16.f32 v15;
	v15 =	vmul.f32 v1, v17  }
0x8f: {  	v18 =	vunpack.i.u.bf16.f32 v10;
	v11 =	vmul.f32 v1, v11;
	v17 =	vld [tilespmem:s23+$0xFFFFFFD0];
	[tilespmem:s28+$0xFFFFFF10] =	vst v14;
	v14 =	vmul.f32 v7, v8  }
0x90: {  	[tilespmem:s28+$0xFFFFFF00] =	vst v9;
	v9 =	vunpack.i.l.bf16.f32 v10;
	v16 =	vmul.f32 v7, v16;
	v8 =	vmul.f32 v6, v18  }
0x91: {  	s18 =	simm.s32 $0xB;
	v10 =	vunpack.i.u.bf16.f32 v12;
	v19 =	vld [tilespmem:s23+$0xFFFFFF90];
	v9 =	vmul.f32 v6, v9;
	[tilespmem:s28+$0x90] =	vst v15;
	v7 =	vunpack.i.l.bf16.f32 v13  }
0x92: {  	v15 =	vmov s18;
	[tilespmem:s28+$0x80] =	vst v11;
	v11 =	vunpack.i.u.bf16.f32 v13;
	v13 =	vmul.f32 v4, v7  }
0x93: {  	s17 =	simm.s32 $0x8;
	[tilespmem:s20+$0xFFFFFFE0] =	vst v14;
	v6 =	vmul.f32 v5, v10;
	v7 =	vunpack.i.l.bf16.f32 v12;
	v11 =	vmul.f32 v4, v11;
	v12 =	vld [tilespmem:s23+$0x50]  }
0x94: {  	v10 =	vmov s17;
	v7 =	vmul.f32 v5, v7;
	v5 =	vunpack.i.l.bf16.f32 v17;
	[tilespmem:s28+$0x20] =	vst v13  }
0x95: {  	v10 =	vand.u32 $0xFFFFFFFC, v10;
	v13 =	vunpack.i.u.bf16.f32 v17;
	v5 =	vmul.f32 v3, v5;
	[tilespmem:s28+$0x30] =	vst v11  }
0x96: {  	[tilespmem:s20+$0xFFFFFFF0] =	vst v16;
	s17 =	simm.s32 $0x9;
	v10 =	vbroadcast v10, $0x0;
	v14 =	vunpack.i.u.bf16.f32 v19;
	v11 =	vmul.f32 v3, v13;
	v17 =	vld [tilespmem:s23+$0x20]  }
0x97: {  	v13 =	vunpack.i.l.bf16.f32 v19;
	v16 =	vmul.f32 v2, v14;
	[tilespmem:s28+$0xFFFFFFA0] =	vst v5;
	v5 =	vmov s17  }
0x98: {  	v13 =	vmul.f32 v2, v13;
	[tilespmem:s28+$0xFFFFFFB0] =	vst v11;
	v11 =	vunpack.i.l.bf16.f32 v12;
	v5 =	vand.u32 $0xFFFFFFFD, v5  }
0x99: {  	s18 =	simm.s32 $0xA;
	v12 =	vunpack.i.u.bf16.f32 v12;
	[tilespmem:s28+$0xFFFFFF30] =	vst v16;
	v18 =	vmul.f32 v1, v11;
	v14 =	vld [tilespmem:s23+$0xFFFFFFE0];
	v11 =	vbroadcast v5, $0x0  }
0x9a: {  	[tilespmem:s28+$0xFFFFFF20] =	vst v13;
	v19 =	vmul.f32 v1, v12;
	v12 =	vmov s18  }
0x9b: {  	v5 =	vand.u32 $0xFFFFFFFE, v12;
	v13 =	vld [tilespmem:s23+$0xFFFFFFA0];
	v20 =	vunpack.i.l.bf16.f32 v17;
	[tilespmem:s28+$0xA0] =	vst v18  }
0x9c: {  	s16 =	simm.s32 $0x720;
	s6 =	simm.s32 $0x44A0;
	s17 =	simm.s32 $0xC;
	v12 =	vbroadcast v5, $0x0;
	v5 =	vld.idx.msk [tilespmem:v15+s4+$0x0], $0xffff;
	v16 =	vunpack.i.u.bf16.f32 v17;
	[tilespmem:s28+$0xB0] =	vst v19;
	v15 =	vmul.f32 v4, v20  }
.LBB2_5:
0x9d: {  	p1 =	slt.u32 s17, $0x74;
	v16 =	vmul.f32 v4, v16;
	v17 =	vld [tilespmem:s23+$0x60];
	[tilespmem:s20+$0xFFFFFF60] =	vst v9  }
0x9e: {  	v10 =	vld.idx.msk [tilespmem:v10+s4+$0x0], $0xffff;
	v9 =	vunpack.i.u.bf16.f32 v14;
	v14 =	vunpack.i.l.bf16.f32 v14;
	[tilespmem:s28+$0x40] =	vst v15  }
0x9f: {  	v11 =	vld.idx.msk [tilespmem:v11+s4+$0x0], $0xffff;
	v14 =	vmul.f32 v3, v14;
	v9 =	vmul.f32 v3, v9;
	[tilespmem:s28+$0x50] =	vst v16  }
0xa0: {  	s23 =	sadd.s32 $0x100, s23;
	v15 =	vunpack.i.u.bf16.f32 v13;
	v13 =	vunpack.i.l.bf16.f32 v13;
	v16 =	vld [tilespmem:s16+$0x30];
	[tilespmem:s20+$0xFFFFFF70] =	vst v8  }
0xa1: {  	v8 =	vld [tilespmem:s23+$0x0];
	v13 =	vmul.f32 v2, v13;
	v15 =	vmul.f32 v2, v15;
	[tilespmem:s28+$0xFFFFFFC0] =	vst v14  }
0xa2: {  	v12 =	vld.idx.msk [tilespmem:v12+s4+$0x0], $0xffff;
	[tilespmem:s28+$0xFFFFFFD0] =	vst v9;
	v9 =	vunpack.i.u.bf16.f32 v17;
	v14 =	vunpack.i.l.bf16.f32 v17  }
0xa3: {  	v17 =	vld [tilespmem:s23+$0xFFFFFF80];
	[tilespmem:s28+$0xFFFFFF40] =	vst v13;
	v13 =	vmul.f32 v1, v14;
	v9 =	vmul.f32 v1, v9  }
0xa4: {  	v14 =	vld [tilespmem:s23+$0xFFFFFFC0];
	[tilespmem:s28+$0xFFFFFF50] =	vst v15  }
0xa5: {  	v15 =	vld [tilespmem:s23+$0x40];
	v18 =	vunpack.i.u.bf16.f32 v16;
	v16 =	vunpack.i.l.bf16.f32 v16;
	[tilespmem:s28+$0xC0] =	vst v13  }
0xa6: {  	v13 =	vld [tilespmem:s16+$0xFFFFFFF0];
	v16 =	vmul.f32 v4, v16;
	v20 =	vmul.f32 v4, v18;
	[tilespmem:s28+$0xD0] =	vst v9  }
0xa7: {  	v9 =	vunpack.i.l.bf16.f32 v8;
	v18 =	vld [tilespmem:s16+$0xFFFFFFB0];
	[tilespmem:s20+$0xE0] =	vst v7  }
0xa8: {  	v8 =	vunpack.i.u.bf16.f32 v8;
	v9 =	vmul.f32 v12, v9;
	v4 =	vmovc v12;
	v7 =	vunpack.i.u.bf16.f32 v17;
	[tilespmem:s28+$0x70] =	vst v20;
	v19 =	vld [tilespmem:s16+$0x70];
	s16 =	smov.u32 s23  }
0xa9: {  	v12 =	vunpack.i.l.bf16.f32 v17;
	v8 =	vmul.f32 v4, v8;
	s28 =	sadd.s32 $0x200, s28;
	v17 =	vunpack.i.u.bf16.f32 v14;
	[tilespmem:s6+$0x60] =	vst v16  }
0xaa: {  	v14 =	vunpack.i.l.bf16.f32 v14;
	[tilespmem:s28+$0x0] =	vst v9;
	v9 =	vunpack.i.u.bf16.f32 v15;
	v15 =	vunpack.i.l.bf16.f32 v15  }
0xab: {  	v14 =	vmul.f32 v11, v14;
	v16 =	vmul.f32 v11, v17;
	[tilespmem:s28+$0x10] =	vst v8;
	v8 =	vunpack.i.u.bf16.f32 v13  }
0xac: {  	v12 =	vmul.f32 v10, v12;
	v7 =	vmul.f32 v10, v7;
	v13 =	vunpack.i.l.bf16.f32 v13;
	v17 =	vld [tilespmem:s23+$0x10];
	[tilespmem:s20+$0xF0] =	vst v6;
	s20 =	smov.u32 s6;
	s6 =	smov.u32 s28  }
0xad: {  	v6 =	vmul.f32 v5, v15;
	v15 =	vunpack.i.u.bf16.f32 v18;
	[tilespmem:s28+$0xFFFFFF80] =	vst v14;
	v14 =	vmul.f32 v5, v9  }
0xae: {  	v9 =	vunpack.i.l.bf16.f32 v18;
	v18 =	vunpack.i.l.bf16.f32 v19;
	[tilespmem:s28+$0xFFFFFF90] =	vst v16;
	v16 =	vunpack.i.u.bf16.f32 v19  }
0xaf: {  	v13 =	vmul.f32 v3, v13;
	v19 =	vmul.f32 v3, v8;
	v3 =	vmov v11;
	[tilespmem:s28+$0xFFFFFF00] =	vst v12;
	v12 =	vld [tilespmem:s23+$0xFFFFFFD0]  }
0xb0: {  	v9 =	vmul.f32 v2, v9;
	v8 =	vmul.f32 v2, v15;
	v2 =	vmov v10;
	[tilespmem:s28+$0xFFFFFF10] =	vst v7  }
0xb1: {  	v7 =	vmul.f32 v1, v18;
	v11 =	vld [tilespmem:s23+$0xFFFFFF90];
	v10 =	vunpack.i.l.bf16.f32 v17;
	[tilespmem:s28+$0x80] =	vst v6;
	v6 =	vmul.f32 v1, v16;
	v1 =	vmovc v5  }
0xb2: {  	s18 =	sadd.s32 $0x3, s17;
	v5 =	vunpack.i.u.bf16.f32 v17;
	v10 =	vmul.f32 v4, v10;
	[tilespmem:s28+$0x90] =	vst v14  }
0xb3: {  	v15 =	vmov s18;
	v14 =	vmov s17;
	v5 =	vmul.f32 v4, v5;
	v16 =	vld [tilespmem:s23+$0x50];
	[tilespmem:s20+$0xFFFFFFE0] =	vst v13  }
0xb4: {  	s18 =	sadd.s32 $0x1, s17;
	v13 =	vand.u32 $0xFFFFFFFC, v14;
	v14 =	vunpack.i.u.bf16.f32 v12;
	v12 =	vunpack.i.l.bf16.f32 v12;
	[tilespmem:s28+$0x20] =	vst v10  }
0xb5: {  	v17 =	vmov s18;
	v12 =	vmul.f32 v3, v12;
	v14 =	vmul.f32 v3, v14;
	[tilespmem:s28+$0x30] =	vst v5  }
0xb6: {  	v10 =	vbroadcast v13, $0x0;
	v5 =	vunpack.i.u.bf16.f32 v11;
	v11 =	vunpack.i.l.bf16.f32 v11;
	v18 =	vld [tilespmem:s23+$0x20];
	[tilespmem:s20+$0xFFFFFFF0] =	vst v19  }
0xb7: {  	v13 =	vand.u32 $0xFFFFFFFD, v17;
	v17 =	vmul.f32 v2, v11;
	v5 =	vmul.f32 v2, v5;
	[tilespmem:s28+$0xFFFFFFA0] =	vst v12  }
.Ltmp1:
0xb8: {  	v11 =	vbroadcast v13, $0x0;
	[tilespmem:s28+$0xFFFFFFB0] =	vst v14;
	v12 =	vunpack.i.u.bf16.f32 v16;
	v13 =	vunpack.i.l.bf16.f32 v16;
	(pc) =	sbr.rel @p1 .LBB2_5-.Ltmp1, $4  }
0xb9: {  	s18 =	sadd.s32 $0x2, s17;
	[tilespmem:s28+$0xFFFFFF20] =	vst v17;
	v14 =	vld [tilespmem:s23+$0xFFFFFFE0];
	v16 =	vmul.f32 v1, v13;
	v17 =	vmul.f32 v1, v12  }
0xba: {  	v12 =	vmov s18;
	[tilespmem:s28+$0xFFFFFF30] =	vst v5  }
0xbb: {  	v5 =	vand.u32 $0xFFFFFFFE, v12;
	v13 =	vld [tilespmem:s23+$0xFFFFFFA0];
	v19 =	vunpack.i.l.bf16.f32 v18;
	[tilespmem:s28+$0xA0] =	vst v16  }
0xbc: {  	s17 =	sadd.s32 $0x4, s17;
	v12 =	vbroadcast v5, $0x0;
	v16 =	vunpack.i.u.bf16.f32 v18;
	v5 =	vld.idx.msk [tilespmem:v15+s4+$0x0], $0xffff;
	v15 =	vmul.f32 v4, v19;
	[tilespmem:s28+$0xB0] =	vst v17  }
0xbd: {  	v16 =	vmul.f32 v4, v16;
	[tilespmem:s20+$0xFFFFFF60] =	vst v9  }
0xbe: {  	v17 =	vld [tilespmem:s23+$0x60];
	[tilespmem:s28+$0x40] =	vst v15  }
0xbf: {  	v9 =	vunpack.i.l.bf16.f32 v14;
	[tilespmem:s28+$0x50] =	vst v16  }
0xc0: {  	[tilespmem:s20+$0xFFFFFF70] =	vst v8;
	v14 =	vunpack.i.u.bf16.f32 v14;
	v9 =	vmul.f32 v3, v9;
	v16 =	vld [tilespmem:s16+$0x30]  }
0xc1: {  	s17 =	sadd.s32 $0x100, s23;
	[tilespmem:s20+$0xE0] =	vst v7;
	v14 =	vmul.f32 v3, v14;
	v15 =	vunpack.i.l.bf16.f32 v13  }
0xc2: {  	v8 =	vunpack.i.u.bf16.f32 v13;
	v13 =	vmul.f32 v2, v15;
	[tilespmem:s28+$0xFFFFFFC0] =	vst v9;
	v9 =	vld [tilespmem:s17+$0x0]  }
0xc3: {  	v12 =	vld.idx.msk [tilespmem:v12+s4+$0x0], $0xffff;
	v8 =	vmul.f32 v2, v8;
	[tilespmem:s28+$0xFFFFFFD0] =	vst v14;
	v14 =	vunpack.i.l.bf16.f32 v17  }
0xc4: {  	v15 =	vunpack.i.u.bf16.f32 v17;
	[tilespmem:s28+$0xFFFFFF40] =	vst v13;
	v13 =	vmul.f32 v1, v14  }
0xc5: {  	v14 =	vmul.f32 v1, v15;
	[tilespmem:s28+$0xFFFFFF50] =	vst v8;
	v8 =	vld [tilespmem:s17+$0xFFFFFFC0];
	v15 =	vunpack.i.u.bf16.f32 v16  }
0xc6: {  	v11 =	vld.idx.msk [tilespmem:v11+s4+$0x0], $0xffff;
	[tilespmem:s28+$0xC0] =	vst v13;
	v13 =	vunpack.i.l.bf16.f32 v16;
	v15 =	vmul.f32 v4, v15  }
0xc7: {  	[tilespmem:s28+$0xD0] =	vst v14;
	v14 =	vld [tilespmem:s17+$0xFFFFFF80];
	v4 =	vmul.f32 v4, v13;
	v13 =	vunpack.i.l.bf16.f32 v9  }
0xc8: {  	v7 =	vld.idx.msk [tilespmem:v10+s4+$0x0], $0xffff;
	v9 =	vunpack.i.u.bf16.f32 v9;
	v10 =	vmul.f32 v12, v13;
	[tilespmem:s28+$0x70] =	vst v15  }
0xc9: {  	s18 =	sadd.s32 $0x200, s28;
	v13 =	vld [tilespmem:s17+$0x40];
	v9 =	vmul.f32 v12, v9;
	[tilespmem:s6+$0x60] =	vst v4  }
0xca: {  	v4 =	vunpack.i.l.bf16.f32 v8;
	[tilespmem:s18+$0x0] =	vst v10  }
0xcb: {  	v10 =	vld [tilespmem:s16+$0xFFFFFFF0];
	v8 =	vunpack.i.u.bf16.f32 v8;
	[tilespmem:s18+$0x10] =	vst v9;
	v4 =	vmul.f32 v11, v4  }
0xcc: {  	[tilespmem:s20+$0xF0] =	vst v6;
	v9 =	vunpack.i.l.bf16.f32 v14;
	v8 =	vmul.f32 v11, v8;
	v15 =	vld [tilespmem:s17+$0x10]  }
0xcd: {  	v6 =	vunpack.i.u.bf16.f32 v14;
	v9 =	vmul.f32 v7, v9;
	[tilespmem:s18+$0xFFFFFF80] =	vst v4  }
0xce: {  	v6 =	vmul.f32 v7, v6;
	v4 =	vunpack.i.l.bf16.f32 v13;
	[tilespmem:s18+$0xFFFFFF90] =	vst v8  }
0xcf: {  	v8 =	vunpack.i.u.bf16.f32 v13;
	v4 =	vmul.f32 v5, v4;
	[tilespmem:s18+$0xFFFFFF00] =	vst v9;
	v9 =	vld [tilespmem:s17+$0xFFFFFFD0]  }
0xd0: {  	v8 =	vmul.f32 v5, v8;
	[tilespmem:s18+$0xFFFFFF10] =	vst v6;
	v13 =	vunpack.i.l.bf16.f32 v10  }
0xd1: {  	v6 =	vmul.f32 v3, v13;
	v13 =	vld [tilespmem:s17+$0xFFFFFF90];
	v14 =	vunpack.i.l.bf16.f32 v15;
	[tilespmem:s18+$0x80] =	vst v4  }
0xd2: {  	v4 =	vunpack.i.u.bf16.f32 v15;
	[tilespmem:s18+$0x90] =	vst v8;
	v14 =	vmul.f32 v12, v14  }
0xd3: {  	v8 =	vunpack.i.u.bf16.f32 v10;
	v4 =	vmul.f32 v12, v4;
	v10 =	vld [tilespmem:s17+$0x50];
	[tilespmem:s6+$0xFFFFFFE0] =	vst v6  }
0xd4: {  	v3 =	vmul.f32 v3, v8;
	v6 =	vunpack.i.l.bf16.f32 v9;
	[tilespmem:s18+$0x20] =	vst v14  }
0xd5: {  	v8 =	vld [tilespmem:s16+$0xFFFFFFB0];
	v9 =	vunpack.i.u.bf16.f32 v9;
	[tilespmem:s18+$0x30] =	vst v4;
	v6 =	vmul.f32 v11, v6  }
0xd6: {  	[tilespmem:s6+$0xFFFFFFF0] =	vst v3;
	v4 =	vmul.f32 v11, v9;
	v14 =	vld [tilespmem:s17+$0x20];
	v9 =	vunpack.i.l.bf16.f32 v13  }
0xd7: {  	v3 =	vunpack.i.u.bf16.f32 v13;
	v9 =	vmul.f32 v7, v9;
	[tilespmem:s18+$0xFFFFFFA0] =	vst v6  }
0xd8: {  	v3 =	vmul.f32 v7, v3;
	[tilespmem:s18+$0xFFFFFFB0] =	vst v4;
	v4 =	vunpack.i.l.bf16.f32 v10  }
0xd9: {  	v6 =	vunpack.i.u.bf16.f32 v10;
	v4 =	vmul.f32 v5, v4;
	[tilespmem:s18+$0xFFFFFF20] =	vst v9;
	v9 =	vld [tilespmem:s17+$0xFFFFFFE0]  }
0xda: {  	v10 =	vunpack.i.l.bf16.f32 v8;
	v6 =	vmul.f32 v5, v6;
	[tilespmem:s18+$0xFFFFFF30] =	vst v3  }
0xdb: {  	v3 =	vmul.f32 v2, v10;
	v10 =	vld [tilespmem:s17+$0xFFFFFFA0];
	v13 =	vunpack.i.l.bf16.f32 v14;
	[tilespmem:s18+$0xA0] =	vst v4  }
0xdc: {  	v4 =	vunpack.i.u.bf16.f32 v14;
	[tilespmem:s18+$0xB0] =	vst v6;
	v13 =	vmul.f32 v12, v13  }
0xdd: {  	v6 =	vunpack.i.u.bf16.f32 v8;
	v4 =	vmul.f32 v12, v4;
	v8 =	vld [tilespmem:s17+$0x60];
	[tilespmem:s6+$0xFFFFFF60] =	vst v3  }
0xde: {  	v2 =	vmul.f32 v2, v6;
	[tilespmem:s18+$0x40] =	vst v13;
	v3 =	vunpack.i.l.bf16.f32 v9  }
0xdf: {  	v6 =	vld [tilespmem:s16+$0x70];
	[tilespmem:s18+$0x50] =	vst v4;
	v9 =	vunpack.i.u.bf16.f32 v9;
	v3 =	vmul.f32 v11, v3  }
0xe0: {  	[tilespmem:s6+$0xFFFFFF70] =	vst v2;
	v13 =	vld [tilespmem:s17+$0x30];
	v4 =	vmul.f32 v11, v9;
	v9 =	vunpack.i.l.bf16.f32 v10  }
0xe1: {  	v2 =	vunpack.i.u.bf16.f32 v10;
	v9 =	vmul.f32 v7, v9;
	[tilespmem:s18+$0xFFFFFFC0] =	vst v3  }
0xe2: {  	v2 =	vmul.f32 v7, v2;
	[tilespmem:s18+$0xFFFFFFD0] =	vst v4;
	v3 =	vunpack.i.l.bf16.f32 v8  }
0xe3: {  	v4 =	vunpack.i.u.bf16.f32 v8;
	[tilespmem:s18+$0xFFFFFF40] =	vst v9;
	v3 =	vmul.f32 v5, v3;
	v8 =	vld [tilespmem:s17+$0xFFFFFFF0]  }
0xe4: {  	v9 =	vunpack.i.l.bf16.f32 v6;
	v4 =	vmul.f32 v5, v4;
	[tilespmem:s18+$0xFFFFFF50] =	vst v2  }
0xe5: {  	v2 =	vmul.f32 v1, v9;
	v9 =	vunpack.i.u.bf16.f32 v13;
	[tilespmem:s18+$0xC0] =	vst v3;
	v3 =	vld [tilespmem:s17+$0xFFFFFFB0]  }
0xe6: {  	v10 =	vunpack.i.l.bf16.f32 v13;
	v9 =	vmul.f32 v12, v9;
	[tilespmem:s18+$0xD0] =	vst v4  }
0xe7: {  	v4 =	vunpack.i.u.bf16.f32 v6;
	v6 =	vmul.f32 v12, v10;
	[tilespmem:s6+$0xE0] =	vst v2;
	v2 =	vld [tilespmem:s17+$0x70]  }
0xe8: {  	v1 =	vmul.f32 v1, v4;
	[tilespmem:s18+$0x70] =	vst v9;
	v4 =	vunpack.i.l.bf16.f32 v8  }
0xe9: {  	[tilespmem:s18+$0x60] =	vst v6;
	v6 =	vunpack.i.u.bf16.f32 v8;
	v4 =	vmul.f32 v11, v4  }
0xea: {  	[tilespmem:s6+$0xF0] =	vst v1;
	v6 =	vmul.f32 v11, v6;
	v1 =	vunpack.i.l.bf16.f32 v3  }
0xeb: {  	v3 =	vunpack.i.u.bf16.f32 v3;
	v1 =	vmul.f32 v7, v1;
	[tilespmem:s18+$0xFFFFFFE0] =	vst v4  }
0xec: {  	v4 =	vunpack.i.l.bf16.f32 v2;
	v3 =	vmul.f32 v7, v3;
	[tilespmem:s18+$0xFFFFFFF0] =	vst v6  }
0xed: {  	v2 =	vunpack.i.u.bf16.f32 v2;
	v4 =	vmul.f32 v5, v4;
	[tilespmem:s18+$0xFFFFFF60] =	vst v1  }
0xee: {  	v1 =	vmul.f32 v5, v2;
	[tilespmem:s18+$0xFFFFFF70] =	vst v3  }
0xef: {  	[tilespmem:s18+$0xE0] =	vst v4  }
0xf0: {  	[tilespmem:s18+$0xF0] =	vst v1  }
0xf1: {  	[spmem:s3] =	stream.indirect.scatter.add.f32 [tilespmem:s21], [sflag:$0x3], $0x80, s26, s26, $0xb8;
	[tilespmem:$0x1F9A0] =	vst v63  }
0xf2: {  	s23 =	rddreg [dreg:$0x10]  }
0xf3: {  	s6 =	simm.s32 @!p0 $0x4;
	s16 =	sadd.s32 s11, s23  }
0xf4: {  	_ =	swait.ge @!p0 [sflag:s6], $0x3C00;
	s16 =	smul.u32 $0x2D, s16  }
0xf5: {  	s17 =	simm.s32 $0x0;
	[sflag:s6] =	ssyncset.done @!p0 $0x0  }
0xf6: {  	s18 =	simm.s32 $0x2;
	[sflag:s6] =	ssyncadd.s32 @!p0 $0xFFFFC400;
	s16 =	sadd.s32 s2, s16  }
0xf7: {  	[tilespmem:s7], [sflag:$0x8] =	stream.linear.gather [hbm4b:s16+s17], $0x168, $0x38;
	[tilespmem:$0x1F9A0] =	vst v63  }
0xf8: {  	v1 =	vmov s18;
	_ =	swait.ge [sflag:s8], $0x168  }
0xf9: {  	v1 =	vand.u32 $0xFFFFFFFE, v1;
	[sflag:s8] =	ssyncset.done $0x0  }
0xfa: {  	s20 =	simm.s32 $0x5A0;
	s23 =	simm.s32 $0x1;
	v1 =	vbroadcast v1, $0x0;
	[sflag:s8] =	ssyncadd.s32 $0xFFFFFE98  }
0xfb: {  	v2 =	vmov s23;
	[tilespmem:s20], [sflag:$0x1] =	stream.indirect.gather [hbm4b:s1+s26], $0x40, s29, s26, $0xb8;
	[tilespmem:$0x1F9A0] =	vst v63  }
0xfc: {  	v2 =	vand.u32 $0xFFFFFFFD, v2;
	_ =	swait.ge [sflag:s9], $0x1E00  }
0xfd: {  	v3 =	vmov s17;
	v2 =	vbroadcast v2, $0x0;
	[sflag:s9] =	ssyncset.done $0x0  }
0xfe: {  	v3 =	vand.u32 $0xFFFFFFFC, v3;
	s6 =	simm.s32 $0x2490;
	[sflag:s9] =	ssyncadd.s32 $0xFFFFE200  }
0xff: {  	v3 =	vbroadcast v3, $0x0;
	v4 =	vld [tilespmem:s6+$0xFFFFFF90]  }
0x100: {  	v8 =	vld.idx.msk [tilespmem:v1+s10+$0x0], $0xffff  }
0x101: {  	s17 =	simm.s32 $0x3  }
0x102: {  	v1 =	vmov s17;
	v9 =	vld [tilespmem:s6+$0xFFFFFF50]  }
0x103: {  	v7 =	vld.idx.msk [tilespmem:v2+s10+$0x0], $0xffff  }
0x104: {  	v10 =	vld [tilespmem:s6+$0xFFFFFF10];
	v2 =	vunpack.i.l.bf16.f32 v4  }
0x105: {  	v6 =	vld.idx.msk [tilespmem:v3+s10+$0x0], $0xffff;
	v4 =	vunpack.i.u.bf16.f32 v4;
	v2 =	vmul.f32 v8, v2  }
0x106: {  	s20 =	simm.s32 $0x7F90;
	v3 =	vmul.f32 v8, v4;
	v4 =	vld [tilespmem:s6+$0xFFFFFFD0]  }
0x107: {  	v5 =	vld.idx.msk [tilespmem:v1+s10+$0x0], $0xffff;
	v1 =	vunpack.i.l.bf16.f32 v9;
	[tilespmem:s20+$0xFFFFFF10] =	vst v2  }
0x108: {  	v1 =	vmul.f32 v7, v1;
	[tilespmem:s20+$0xFFFFFF20] =	vst v3;
	v2 =	vunpack.i.u.bf16.f32 v9  }
0x109: {  	v9 =	vunpack.i.l.bf16.f32 v10;
	v3 =	vld [tilespmem:s6+$0xFFFFFFA0];
	v2 =	vmul.f32 v7, v2  }
0x10a: {  	v10 =	vunpack.i.u.bf16.f32 v10;
	[tilespmem:s20+$0xFFFFFE90] =	vst v1;
	v9 =	vmul.f32 v6, v9  }
0x10b: {  	v10 =	vmul.f32 v6, v10;
	v1 =	vunpack.i.l.bf16.f32 v4;
	[tilespmem:s20+$0xFFFFFEA0] =	vst v2  }
0x10c: {  	v2 =	vunpack.i.u.bf16.f32 v4;
	[tilespmem:s20+$0xFFFFFE10] =	vst v9;
	v1 =	vmul.f32 v5, v1;
	v4 =	vld [tilespmem:s6+$0xFFFFFF60]  }
0x10d: {  	[tilespmem:s20+$0xFFFFFE20] =	vst v10;
	v2 =	vmul.f32 v5, v2  }
0x10e: {  	v10 =	vld [tilespmem:s6+$0xFFFFFF20];
	v9 =	vunpack.i.l.bf16.f32 v3;
	[tilespmem:s20+$0xFFFFFF90] =	vst v1  }
0x10f: {  	v1 =	vunpack.i.u.bf16.f32 v3;
	[tilespmem:s20+$0xFFFFFFA0] =	vst v2;
	v3 =	vmul.f32 v8, v9  }
0x110: {  	v1 =	vmul.f32 v8, v1;
	v2 =	vld [tilespmem:s6+$0xFFFFFFE0]  }
0x111: {  	[tilespmem:s20+$0xFFFFFF30] =	vst v3;
	v3 =	vunpack.i.l.bf16.f32 v4  }
0x112: {  	[tilespmem:s20+$0xFFFFFF40] =	vst v1;
	v1 =	vunpack.i.u.bf16.f32 v4;
	v3 =	vmul.f32 v7, v3  }
0x113: {  	s18 =	simm.s32 $0x4;
	v11 =	vunpack.i.l.bf16.f32 v10;
	v4 =	vld [tilespmem:s6+$0xFFFFFFB0];
	v1 =	vmul.f32 v7, v1  }
0x114: {  	v9 =	vmov s18;
	v10 =	vunpack.i.u.bf16.f32 v10;
	v11 =	vmul.f32 v6, v11;
	[tilespmem:s20+$0xFFFFFEB0] =	vst v3  }
0x115: {  	s18 =	simm.s32 $0x6;
	v3 =	vand.u32 $0xFFFFFFFC, v9;
	v9 =	vmul.f32 v6, v10;
	[tilespmem:s20+$0xFFFFFEC0] =	vst v1;
	v1 =	vunpack.i.l.bf16.f32 v2  }
0x116: {  	s23 =	simm.s32 $0x7;
	v2 =	vunpack.i.u.bf16.f32 v2;
	[tilespmem:s20+$0xFFFFFE30] =	vst v11;
	v11 =	vmov s18;
	v10 =	vld [tilespmem:s6+$0xFFFFFF70];
	v1 =	vmul.f32 v5, v1  }
0x117: {  	v12 =	vmov s23;
	v2 =	vmul.f32 v5, v2;
	[tilespmem:s20+$0xFFFFFE40] =	vst v9;
	v9 =	vand.u32 $0xFFFFFFFE, v11  }
0x118: {  	s23 =	simm.s32 $0x5;
	v3 =	vbroadcast v3, $0x0;
	v11 =	vunpack.i.l.bf16.f32 v4;
	[tilespmem:s20+$0xFFFFFFB0] =	vst v1;
	v9 =	vbroadcast v9, $0x0  }
0x119: {  	v13 =	vld [tilespmem:s6+$0xFFFFFF30];
	v1 =	vunpack.i.u.bf16.f32 v4;
	[tilespmem:s20+$0xFFFFFFC0] =	vst v2;
	v4 =	vmul.f32 v8, v11;
	v11 =	vmov s23  }
0x11a: {  	v2 =	vmul.f32 v8, v1;
	s23 =	simm.s32 $0x2590;
	v1 =	vand.u32 $0xFFFFFFFD, v11;
	v11 =	vld [tilespmem:s6+$0xFFFFFFF0]  }
0x11b: {  	v15 =	vld [tilespmem:s23+$0xFFFFFF90];
	[tilespmem:s20+$0xFFFFFF50] =	vst v4;
	v4 =	vunpack.i.l.bf16.f32 v10  }
0x11c: {  	v14 =	vbroadcast v1, $0x0;
	v1 =	vld.idx.msk [tilespmem:v12+s10+$0x0], $0xffff;
	[tilespmem:s20+$0xFFFFFF60] =	vst v2;
	v4 =	vmul.f32 v7, v4  }
0x11d: {  	v2 =	vunpack.i.u.bf16.f32 v10;
	v10 =	vld [tilespmem:s6+$0xFFFFFFC0]  }
0x11e: {  	v12 =	vmul.f32 v7, v2;
	v2 =	vunpack.i.l.bf16.f32 v13;
	[tilespmem:s20+$0xFFFFFED0] =	vst v4;
	v4 =	vld.idx.msk [tilespmem:v9+s10+$0x0], $0xffff  }
0x11f: {  	v13 =	vunpack.i.u.bf16.f32 v13;
	v16 =	vmul.f32 v6, v2;
	v2 =	vld.idx.msk [tilespmem:v3+s10+$0x0], $0xffff  }
0x120: {  	v9 =	vmul.f32 v6, v13;
	[tilespmem:s20+$0xFFFFFEE0] =	vst v12;
	v13 =	vld [tilespmem:s23+$0xFFFFFF50];
	v3 =	vunpack.i.l.bf16.f32 v11  }
0x121: {  	v11 =	vunpack.i.u.bf16.f32 v11;
	[tilespmem:s20+$0xFFFFFE50] =	vst v16;
	v12 =	vmul.f32 v5, v3;
	v16 =	vld [tilespmem:s23+$0xFFFFFFD0]  }
0x122: {  	v11 =	vmul.f32 v5, v11;
	[tilespmem:s20+$0xFFFFFE60] =	vst v9;
	v3 =	vld.idx.msk [tilespmem:v14+s10+$0x0], $0xffff;
	v9 =	vunpack.i.u.bf16.f32 v10  }
0x123: {  	v14 =	vld [tilespmem:s23+$0xFFFFFF10];
	[tilespmem:s20+$0xFFFFFFD0] =	vst v12;
	v9 =	vmul.f32 v8, v9;
	v12 =	vunpack.i.l.bf16.f32 v15  }
0x124: {  	[tilespmem:s20+$0xFFFFFFE0] =	vst v11;
	v11 =	vunpack.i.u.bf16.f32 v15;
	v12 =	vmul.f32 v4, v12  }
0x125: {  	s28 =	simm.s32 $0x8190;
	v10 =	vunpack.i.l.bf16.f32 v10;
	v15 =	vld [tilespmem:s6+$0xFFFFFF80];
	[tilespmem:s20+$0xFFFFFF80] =	vst v9;
	v9 =	vmul.f32 v4, v11  }
0x126: {  	v8 =	vmul.f32 v8, v10;
	v10 =	vld [tilespmem:s6+$0xFFFFFF40];
	v11 =	vunpack.i.l.bf16.f32 v13;
	[tilespmem:s28+$0xFFFFFF10] =	vst v12  }
0x127: {  	v13 =	vunpack.i.u.bf16.f32 v13;
	v12 =	vld [tilespmem:s6+$0x0];
	v17 =	vunpack.i.u.bf16.f32 v16;
	v11 =	vmul.f32 v3, v11;
	[tilespmem:s28+$0xFFFFFF20] =	vst v9  }
0x128: {  	[tilespmem:s20+$0xFFFFFF70] =	vst v8;
	v9 =	vunpack.i.l.bf16.f32 v14;
	v8 =	vmul.f32 v3, v13;
	v14 =	vunpack.i.u.bf16.f32 v14;
	v13 =	vld [tilespmem:s23+$0xFFFFFFA0]  }
0x129: {  	v9 =	vmul.f32 v2, v9;
	v14 =	vmul.f32 v2, v14;
	[tilespmem:s28+$0xFFFFFE90] =	vst v11;
	v11 =	vunpack.i.l.bf16.f32 v16  }
0x12a: {  	v16 =	vunpack.i.u.bf16.f32 v15;
	[tilespmem:s28+$0xFFFFFEA0] =	vst v8;
	v8 =	vunpack.i.l.bf16.f32 v15;
	v15 =	vmul.f32 v1, v17  }
0x12b: {  	v18 =	vunpack.i.u.bf16.f32 v10;
	v11 =	vmul.f32 v1, v11;
	v17 =	vld [tilespmem:s23+$0xFFFFFF60];
	[tilespmem:s28+$0xFFFFFE20] =	vst v14;
	v14 =	vmul.f32 v7, v8  }
0x12c: {  	[tilespmem:s28+$0xFFFFFE10] =	vst v9;
	v9 =	vunpack.i.l.bf16.f32 v10;
	v16 =	vmul.f32 v7, v16;
	v8 =	vmul.f32 v6, v18  }
0x12d: {  	s18 =	simm.s32 $0xB;
	v10 =	vunpack.i.u.bf16.f32 v12;
	v19 =	vld [tilespmem:s23+$0xFFFFFF20];
	v9 =	vmul.f32 v6, v9;
	[tilespmem:s28+$0xFFFFFFA0] =	vst v15;
	v7 =	vunpack.i.l.bf16.f32 v13  }
0x12e: {  	v15 =	vmov s18;
	[tilespmem:s28+$0xFFFFFF90] =	vst v11;
	v11 =	vunpack.i.u.bf16.f32 v13;
	v13 =	vmul.f32 v4, v7  }
0x12f: {  	s17 =	simm.s32 $0x8;
	[tilespmem:s20+$0xFFFFFEF0] =	vst v14;
	v6 =	vmul.f32 v5, v10;
	v7 =	vunpack.i.l.bf16.f32 v12;
	v11 =	vmul.f32 v4, v11;
	v12 =	vld [tilespmem:s23+$0xFFFFFFE0]  }
0x130: {  	v10 =	vmov s17;
	v7 =	vmul.f32 v5, v7;
	v5 =	vunpack.i.l.bf16.f32 v17;
	[tilespmem:s28+$0xFFFFFF30] =	vst v13  }
0x131: {  	v10 =	vand.u32 $0xFFFFFFFC, v10;
	v13 =	vunpack.i.u.bf16.f32 v17;
	v5 =	vmul.f32 v3, v5;
	[tilespmem:s28+$0xFFFFFF40] =	vst v11  }
0x132: {  	[tilespmem:s20+$0xFFFFFF00] =	vst v16;
	s17 =	simm.s32 $0x9;
	v10 =	vbroadcast v10, $0x0;
	v14 =	vunpack.i.u.bf16.f32 v19;
	v11 =	vmul.f32 v3, v13;
	v17 =	vld [tilespmem:s23+$0xFFFFFFB0]  }
0x133: {  	v13 =	vunpack.i.l.bf16.f32 v19;
	v16 =	vmul.f32 v2, v14;
	[tilespmem:s28+$0xFFFFFEB0] =	vst v5;
	v5 =	vmov s17  }
0x134: {  	v13 =	vmul.f32 v2, v13;
	[tilespmem:s28+$0xFFFFFEC0] =	vst v11;
	v11 =	vunpack.i.l.bf16.f32 v12;
	v5 =	vand.u32 $0xFFFFFFFD, v5  }
0x135: {  	s18 =	simm.s32 $0xA;
	v12 =	vunpack.i.u.bf16.f32 v12;
	[tilespmem:s28+$0xFFFFFE40] =	vst v16;
	v18 =	vmul.f32 v1, v11;
	v14 =	vld [tilespmem:s23+$0xFFFFFF70];
	v11 =	vbroadcast v5, $0x0  }
0x136: {  	[tilespmem:s28+$0xFFFFFE30] =	vst v13;
	v19 =	vmul.f32 v1, v12;
	v12 =	vmov s18  }
0x137: {  	v5 =	vand.u32 $0xFFFFFFFE, v12;
	v13 =	vld [tilespmem:s23+$0xFFFFFF30];
	v20 =	vunpack.i.l.bf16.f32 v17;
	[tilespmem:s28+$0xFFFFFFB0] =	vst v18  }
0x138: {  	s16 =	simm.s32 $0x2590;
	s6 =	simm.s32 $0x8190;
	s17 =	simm.s32 $0xC;
	v12 =	vbroadcast v5, $0x0;
	v5 =	vld.idx.msk [tilespmem:v15+s10+$0x0], $0xffff;
	v16 =	vunpack.i.u.bf16.f32 v17;
	[tilespmem:s28+$0xFFFFFFC0] =	vst v19;
	v15 =	vmul.f32 v4, v20  }
.LBB2_7:
0x139: {  	p0 =	slt.u32 s17, $0x74;
	v16 =	vmul.f32 v4, v16;
	v17 =	vld [tilespmem:s23+$0xFFFFFFF0];
	[tilespmem:s20+$0xFFFFFE70] =	vst v9  }
0x13a: {  	v10 =	vld.idx.msk [tilespmem:v10+s10+$0x0], $0xffff;
	v9 =	vunpack.i.u.bf16.f32 v14;
	v14 =	vunpack.i.l.bf16.f32 v14;
	[tilespmem:s28+$0xFFFFFF50] =	vst v15  }
0x13b: {  	v11 =	vld.idx.msk [tilespmem:v11+s10+$0x0], $0xffff;
	v14 =	vmul.f32 v3, v14;
	v9 =	vmul.f32 v3, v9;
	[tilespmem:s28+$0xFFFFFF60] =	vst v16  }
0x13c: {  	s23 =	sadd.s32 $0x100, s23;
	v15 =	vunpack.i.u.bf16.f32 v13;
	v13 =	vunpack.i.l.bf16.f32 v13;
	v16 =	vld [tilespmem:s16+$0xFFFFFFC0];
	[tilespmem:s20+$0xFFFFFE80] =	vst v8  }
0x13d: {  	v8 =	vld [tilespmem:s23+$0xFFFFFF90];
	v13 =	vmul.f32 v2, v13;
	v15 =	vmul.f32 v2, v15;
	[tilespmem:s28+$0xFFFFFED0] =	vst v14  }
0x13e: {  	v12 =	vld.idx.msk [tilespmem:v12+s10+$0x0], $0xffff;
	[tilespmem:s28+$0xFFFFFEE0] =	vst v9;
	v9 =	vunpack.i.u.bf16.f32 v17;
	v14 =	vunpack.i.l.bf16.f32 v17  }
0x13f: {  	v17 =	vld [tilespmem:s23+$0xFFFFFF10];
	[tilespmem:s28+$0xFFFFFE50] =	vst v13;
	v13 =	vmul.f32 v1, v14;
	v9 =	vmul.f32 v1, v9  }
0x140: {  	v14 =	vld [tilespmem:s23+$0xFFFFFF50];
	[tilespmem:s28+$0xFFFFFE60] =	vst v15  }
0x141: {  	v15 =	vld [tilespmem:s23+$0xFFFFFFD0];
	v18 =	vunpack.i.u.bf16.f32 v16;
	v16 =	vunpack.i.l.bf16.f32 v16;
	[tilespmem:s28+$0xFFFFFFD0] =	vst v13  }
0x142: {  	v13 =	vld [tilespmem:s16+$0xFFFFFF80];
	v16 =	vmul.f32 v4, v16;
	v20 =	vmul.f32 v4, v18;
	[tilespmem:s28+$0xFFFFFFE0] =	vst v9  }
0x143: {  	v9 =	vunpack.i.l.bf16.f32 v8;
	v18 =	vld [tilespmem:s16+$0xFFFFFF40];
	[tilespmem:s20+$0xFFFFFFF0] =	vst v7  }
0x144: {  	v8 =	vunpack.i.u.bf16.f32 v8;
	v9 =	vmul.f32 v12, v9;
	v4 =	vmovc v12;
	v7 =	vunpack.i.u.bf16.f32 v17;
	[tilespmem:s28+$0xFFFFFF80] =	vst v20;
	v19 =	vld [tilespmem:s16+$0x0];
	s16 =	smov.u32 s23  }
0x145: {  	v12 =	vunpack.i.l.bf16.f32 v17;
	v8 =	vmul.f32 v4, v8;
	s28 =	sadd.s32 $0x200, s28;
	v17 =	vunpack.i.u.bf16.f32 v14;
	[tilespmem:s6+$0xFFFFFF70] =	vst v16  }
0x146: {  	v14 =	vunpack.i.l.bf16.f32 v14;
	[tilespmem:s28+$0xFFFFFF10] =	vst v9;
	v9 =	vunpack.i.u.bf16.f32 v15;
	v15 =	vunpack.i.l.bf16.f32 v15  }
0x147: {  	v14 =	vmul.f32 v11, v14;
	v16 =	vmul.f32 v11, v17;
	[tilespmem:s28+$0xFFFFFF20] =	vst v8;
	v8 =	vunpack.i.u.bf16.f32 v13  }
0x148: {  	v12 =	vmul.f32 v10, v12;
	v7 =	vmul.f32 v10, v7;
	v13 =	vunpack.i.l.bf16.f32 v13;
	v17 =	vld [tilespmem:s23+$0xFFFFFFA0];
	[tilespmem:s20+$0x0] =	vst v6;
	s20 =	smov.u32 s6;
	s6 =	smov.u32 s28  }
0x149: {  	v6 =	vmul.f32 v5, v15;
	v15 =	vunpack.i.u.bf16.f32 v18;
	[tilespmem:s28+$0xFFFFFE90] =	vst v14;
	v14 =	vmul.f32 v5, v9  }
0x14a: {  	v9 =	vunpack.i.l.bf16.f32 v18;
	v18 =	vunpack.i.l.bf16.f32 v19;
	[tilespmem:s28+$0xFFFFFEA0] =	vst v16;
	v16 =	vunpack.i.u.bf16.f32 v19  }
0x14b: {  	v13 =	vmul.f32 v3, v13;
	v19 =	vmul.f32 v3, v8;
	v3 =	vmov v11;
	[tilespmem:s28+$0xFFFFFE10] =	vst v12;
	v12 =	vld [tilespmem:s23+$0xFFFFFF60]  }
0x14c: {  	v9 =	vmul.f32 v2, v9;
	v8 =	vmul.f32 v2, v15;
	v2 =	vmov v10;
	[tilespmem:s28+$0xFFFFFE20] =	vst v7  }
0x14d: {  	v7 =	vmul.f32 v1, v18;
	v11 =	vld [tilespmem:s23+$0xFFFFFF20];
	v10 =	vunpack.i.l.bf16.f32 v17;
	[tilespmem:s28+$0xFFFFFF90] =	vst v6;
	v6 =	vmul.f32 v1, v16;
	v1 =	vmovc v5  }
0x14e: {  	s18 =	sadd.s32 $0x3, s17;
	v5 =	vunpack.i.u.bf16.f32 v17;
	v10 =	vmul.f32 v4, v10;
	[tilespmem:s28+$0xFFFFFFA0] =	vst v14  }
0x14f: {  	v15 =	vmov s18;
	v14 =	vmov s17;
	v5 =	vmul.f32 v4, v5;
	v16 =	vld [tilespmem:s23+$0xFFFFFFE0];
	[tilespmem:s20+$0xFFFFFEF0] =	vst v13  }
0x150: {  	s18 =	sadd.s32 $0x1, s17;
	v13 =	vand.u32 $0xFFFFFFFC, v14;
	v14 =	vunpack.i.u.bf16.f32 v12;
	v12 =	vunpack.i.l.bf16.f32 v12;
	[tilespmem:s28+$0xFFFFFF30] =	vst v10  }
0x151: {  	v17 =	vmov s18;
	v12 =	vmul.f32 v3, v12;
	v14 =	vmul.f32 v3, v14;
	[tilespmem:s28+$0xFFFFFF40] =	vst v5  }
0x152: {  	v10 =	vbroadcast v13, $0x0;
	v5 =	vunpack.i.u.bf16.f32 v11;
	v11 =	vunpack.i.l.bf16.f32 v11;
	v18 =	vld [tilespmem:s23+$0xFFFFFFB0];
	[tilespmem:s20+$0xFFFFFF00] =	vst v19  }
0x153: {  	v13 =	vand.u32 $0xFFFFFFFD, v17;
	v17 =	vmul.f32 v2, v11;
	v5 =	vmul.f32 v2, v5;
	[tilespmem:s28+$0xFFFFFEB0] =	vst v12  }
.Ltmp2:
0x154: {  	v11 =	vbroadcast v13, $0x0;
	[tilespmem:s28+$0xFFFFFEC0] =	vst v14;
	v12 =	vunpack.i.u.bf16.f32 v16;
	v13 =	vunpack.i.l.bf16.f32 v16;
	(pc) =	sbr.rel @p0 .LBB2_7-.Ltmp2, $4  }
0x155: {  	s18 =	sadd.s32 $0x2, s17;
	[tilespmem:s28+$0xFFFFFE30] =	vst v17;
	v14 =	vld [tilespmem:s23+$0xFFFFFF70];
	v16 =	vmul.f32 v1, v13;
	v17 =	vmul.f32 v1, v12  }
0x156: {  	v12 =	vmov s18;
	[tilespmem:s28+$0xFFFFFE40] =	vst v5  }
0x157: {  	v5 =	vand.u32 $0xFFFFFFFE, v12;
	v13 =	vld [tilespmem:s23+$0xFFFFFF30];
	v19 =	vunpack.i.l.bf16.f32 v18;
	[tilespmem:s28+$0xFFFFFFB0] =	vst v16  }
0x158: {  	s17 =	sadd.s32 $0x4, s17;
	v12 =	vbroadcast v5, $0x0;
	v16 =	vunpack.i.u.bf16.f32 v18;
	v5 =	vld.idx.msk [tilespmem:v15+s10+$0x0], $0xffff;
	v15 =	vmul.f32 v4, v19;
	[tilespmem:s28+$0xFFFFFFC0] =	vst v17  }
0x159: {  	v16 =	vmul.f32 v4, v16;
	[tilespmem:s20+$0xFFFFFE70] =	vst v9  }
0x15a: {  	v17 =	vld [tilespmem:s23+$0xFFFFFFF0];
	[tilespmem:s28+$0xFFFFFF50] =	vst v15  }
0x15b: {  	v9 =	vunpack.i.l.bf16.f32 v14;
	[tilespmem:s28+$0xFFFFFF60] =	vst v16  }
0x15c: {  	[tilespmem:s20+$0xFFFFFE80] =	vst v8;
	v14 =	vunpack.i.u.bf16.f32 v14;
	v9 =	vmul.f32 v3, v9;
	v16 =	vld [tilespmem:s16+$0xFFFFFFC0]  }
0x15d: {  	s17 =	sadd.s32 $0x100, s23;
	[tilespmem:s20+$0xFFFFFFF0] =	vst v7;
	v14 =	vmul.f32 v3, v14;
	v15 =	vunpack.i.l.bf16.f32 v13  }
0x15e: {  	v8 =	vunpack.i.u.bf16.f32 v13;
	v13 =	vmul.f32 v2, v15;
	[tilespmem:s28+$0xFFFFFED0] =	vst v9;
	v9 =	vld [tilespmem:s17+$0xFFFFFF90]  }
0x15f: {  	v12 =	vld.idx.msk [tilespmem:v12+s10+$0x0], $0xffff;
	v8 =	vmul.f32 v2, v8;
	[tilespmem:s28+$0xFFFFFEE0] =	vst v14;
	v14 =	vunpack.i.l.bf16.f32 v17  }
0x160: {  	v15 =	vunpack.i.u.bf16.f32 v17;
	[tilespmem:s28+$0xFFFFFE50] =	vst v13;
	v13 =	vmul.f32 v1, v14  }
0x161: {  	v14 =	vmul.f32 v1, v15;
	[tilespmem:s28+$0xFFFFFE60] =	vst v8;
	v8 =	vld [tilespmem:s17+$0xFFFFFF50];
	v15 =	vunpack.i.u.bf16.f32 v16  }
0x162: {  	v11 =	vld.idx.msk [tilespmem:v11+s10+$0x0], $0xffff;
	[tilespmem:s28+$0xFFFFFFD0] =	vst v13;
	v13 =	vunpack.i.l.bf16.f32 v16;
	v15 =	vmul.f32 v4, v15  }
0x163: {  	[tilespmem:s28+$0xFFFFFFE0] =	vst v14;
	v14 =	vld [tilespmem:s17+$0xFFFFFF10];
	v4 =	vmul.f32 v4, v13;
	v13 =	vunpack.i.l.bf16.f32 v9  }
0x164: {  	v7 =	vld.idx.msk [tilespmem:v10+s10+$0x0], $0xffff;
	v9 =	vunpack.i.u.bf16.f32 v9;
	v10 =	vmul.f32 v12, v13;
	[tilespmem:s28+$0xFFFFFF80] =	vst v15  }
0x165: {  	s18 =	sadd.s32 $0x200, s28;
	v13 =	vld [tilespmem:s17+$0xFFFFFFD0];
	v9 =	vmul.f32 v12, v9;
	[tilespmem:s6+$0xFFFFFF70] =	vst v4  }
0x166: {  	v4 =	vunpack.i.l.bf16.f32 v8;
	[tilespmem:s18+$0xFFFFFF10] =	vst v10  }
0x167: {  	v10 =	vld [tilespmem:s16+$0xFFFFFF80];
	v8 =	vunpack.i.u.bf16.f32 v8;
	[tilespmem:s18+$0xFFFFFF20] =	vst v9;
	v4 =	vmul.f32 v11, v4  }
0x168: {  	[tilespmem:s20+$0x0] =	vst v6;
	v9 =	vunpack.i.l.bf16.f32 v14;
	v8 =	vmul.f32 v11, v8;
	v15 =	vld [tilespmem:s17+$0xFFFFFFA0]  }
0x169: {  	v6 =	vunpack.i.u.bf16.f32 v14;
	v9 =	vmul.f32 v7, v9;
	[tilespmem:s18+$0xFFFFFE90] =	vst v4  }
0x16a: {  	v6 =	vmul.f32 v7, v6;
	v4 =	vunpack.i.l.bf16.f32 v13;
	[tilespmem:s18+$0xFFFFFEA0] =	vst v8  }
0x16b: {  	v8 =	vunpack.i.u.bf16.f32 v13;
	v4 =	vmul.f32 v5, v4;
	[tilespmem:s18+$0xFFFFFE10] =	vst v9;
	v9 =	vld [tilespmem:s17+$0xFFFFFF60]  }
0x16c: {  	v8 =	vmul.f32 v5, v8;
	[tilespmem:s18+$0xFFFFFE20] =	vst v6;
	v13 =	vunpack.i.l.bf16.f32 v10  }
0x16d: {  	v6 =	vmul.f32 v3, v13;
	v13 =	vld [tilespmem:s17+$0xFFFFFF20];
	v14 =	vunpack.i.l.bf16.f32 v15;
	[tilespmem:s18+$0xFFFFFF90] =	vst v4  }
0x16e: {  	v4 =	vunpack.i.u.bf16.f32 v15;
	[tilespmem:s18+$0xFFFFFFA0] =	vst v8;
	v14 =	vmul.f32 v12, v14  }
0x16f: {  	v8 =	vunpack.i.u.bf16.f32 v10;
	v4 =	vmul.f32 v12, v4;
	v10 =	vld [tilespmem:s17+$0xFFFFFFE0];
	[tilespmem:s6+$0xFFFFFEF0] =	vst v6  }
0x170: {  	v3 =	vmul.f32 v3, v8;
	v6 =	vunpack.i.l.bf16.f32 v9;
	[tilespmem:s18+$0xFFFFFF30] =	vst v14  }
0x171: {  	v8 =	vld [tilespmem:s16+$0xFFFFFF40];
	v9 =	vunpack.i.u.bf16.f32 v9;
	[tilespmem:s18+$0xFFFFFF40] =	vst v4;
	v6 =	vmul.f32 v11, v6  }
0x172: {  	[tilespmem:s6+$0xFFFFFF00] =	vst v3;
	v4 =	vmul.f32 v11, v9;
	v14 =	vld [tilespmem:s17+$0xFFFFFFB0];
	v9 =	vunpack.i.l.bf16.f32 v13  }
0x173: {  	v3 =	vunpack.i.u.bf16.f32 v13;
	v9 =	vmul.f32 v7, v9;
	[tilespmem:s18+$0xFFFFFEB0] =	vst v6  }
0x174: {  	v3 =	vmul.f32 v7, v3;
	[tilespmem:s18+$0xFFFFFEC0] =	vst v4;
	v4 =	vunpack.i.l.bf16.f32 v10  }
0x175: {  	v6 =	vunpack.i.u.bf16.f32 v10;
	v4 =	vmul.f32 v5, v4;
	[tilespmem:s18+$0xFFFFFE30] =	vst v9;
	v9 =	vld [tilespmem:s17+$0xFFFFFF70]  }
0x176: {  	v10 =	vunpack.i.l.bf16.f32 v8;
	v6 =	vmul.f32 v5, v6;
	[tilespmem:s18+$0xFFFFFE40] =	vst v3  }
0x177: {  	v3 =	vmul.f32 v2, v10;
	v10 =	vld [tilespmem:s17+$0xFFFFFF30];
	v13 =	vunpack.i.l.bf16.f32 v14;
	[tilespmem:s18+$0xFFFFFFB0] =	vst v4  }
0x178: {  	v4 =	vunpack.i.u.bf16.f32 v14;
	[tilespmem:s18+$0xFFFFFFC0] =	vst v6;
	v13 =	vmul.f32 v12, v13  }
0x179: {  	v6 =	vunpack.i.u.bf16.f32 v8;
	v4 =	vmul.f32 v12, v4;
	v8 =	vld [tilespmem:s17+$0xFFFFFFF0];
	[tilespmem:s6+$0xFFFFFE70] =	vst v3  }
0x17a: {  	v2 =	vmul.f32 v2, v6;
	[tilespmem:s18+$0xFFFFFF50] =	vst v13;
	v3 =	vunpack.i.l.bf16.f32 v9  }
0x17b: {  	v6 =	vld [tilespmem:s16+$0x0];
	[tilespmem:s18+$0xFFFFFF60] =	vst v4;
	v9 =	vunpack.i.u.bf16.f32 v9;
	v3 =	vmul.f32 v11, v3  }
0x17c: {  	[tilespmem:s6+$0xFFFFFE80] =	vst v2;
	v13 =	vld [tilespmem:s17+$0xFFFFFFC0];
	v4 =	vmul.f32 v11, v9;
	v9 =	vunpack.i.l.bf16.f32 v10  }
0x17d: {  	v2 =	vunpack.i.u.bf16.f32 v10;
	v9 =	vmul.f32 v7, v9;
	[tilespmem:s18+$0xFFFFFED0] =	vst v3  }
0x17e: {  	v2 =	vmul.f32 v7, v2;
	[tilespmem:s18+$0xFFFFFEE0] =	vst v4;
	v3 =	vunpack.i.l.bf16.f32 v8  }
0x17f: {  	v4 =	vunpack.i.u.bf16.f32 v8;
	[tilespmem:s18+$0xFFFFFE50] =	vst v9;
	v3 =	vmul.f32 v5, v3;
	v8 =	vld [tilespmem:s17+$0xFFFFFF80]  }
0x180: {  	v9 =	vunpack.i.l.bf16.f32 v6;
	v4 =	vmul.f32 v5, v4;
	[tilespmem:s18+$0xFFFFFE60] =	vst v2  }
0x181: {  	v2 =	vmul.f32 v1, v9;
	v9 =	vunpack.i.u.bf16.f32 v13;
	[tilespmem:s18+$0xFFFFFFD0] =	vst v3;
	v3 =	vld [tilespmem:s17+$0xFFFFFF40]  }
0x182: {  	v10 =	vunpack.i.l.bf16.f32 v13;
	v9 =	vmul.f32 v12, v9;
	[tilespmem:s18+$0xFFFFFFE0] =	vst v4  }
0x183: {  	v4 =	vunpack.i.u.bf16.f32 v6;
	v6 =	vmul.f32 v12, v10;
	[tilespmem:s6+$0xFFFFFFF0] =	vst v2;
	v2 =	vld [tilespmem:s17+$0x0]  }
0x184: {  	v1 =	vmul.f32 v1, v4;
	[tilespmem:s18+$0xFFFFFF80] =	vst v9;
	v4 =	vunpack.i.l.bf16.f32 v8  }
0x185: {  	[tilespmem:s18+$0xFFFFFF70] =	vst v6;
	v6 =	vunpack.i.u.bf16.f32 v8;
	v4 =	vmul.f32 v11, v4  }
0x186: {  	[tilespmem:s6+$0x0] =	vst v1;
	v6 =	vmul.f32 v11, v6;
	v1 =	vunpack.i.l.bf16.f32 v3  }
0x187: {  	v3 =	vunpack.i.u.bf16.f32 v3;
	v1 =	vmul.f32 v7, v1;
	[tilespmem:s18+$0xFFFFFEF0] =	vst v4  }
0x188: {  	v4 =	vunpack.i.l.bf16.f32 v2;
	v3 =	vmul.f32 v7, v3;
	[tilespmem:s18+$0xFFFFFF00] =	vst v6  }
0x189: {  	v2 =	vunpack.i.u.bf16.f32 v2;
	v4 =	vmul.f32 v5, v4;
	[tilespmem:s18+$0xFFFFFE70] =	vst v1  }
0x18a: {  	v1 =	vmul.f32 v5, v2;
	[tilespmem:s18+$0xFFFFFE80] =	vst v3  }
0x18b: {  	[tilespmem:s18+$0xFFFFFFF0] =	vst v4  }
0x18c: {  	s17 =	simm.s32 $0x1E0;
	[tilespmem:s18+$0x0] =	vst v1  }
0x18d: {  	[spmem:s3] =	stream.indirect.scatter.add.f32 [tilespmem:s12], [sflag:$0x4], $0x80, s17, s26, $0xb8;
	[tilespmem:$0x1F9A0] =	vst v63  }
0x18e: {  	p0 =	seq.s32 s22, $0x14;
	s6 =	rddreg [dreg:$0x11]  }
0x18f: {  	s6 =	sadd.s32 @!p0 s11, s6  }
0x190: {  	_ =	swait.ge [sflag:s13], $0x3C00;
	s6 =	smul.u32 @!p0 $0x2D, s6  }
0x191: {  	s16 =	simm.s32 @!p0 $0x0;
	[sflag:s13] =	ssyncset.done $0x0  }
0x192: {  	s18 =	simm.s32 $0x2;
	[sflag:s13] =	ssyncadd.s32 $0xFFFFC400;
	s6 =	sadd.s32 @!p0 s2, s6  }
0x193: {  	[tilespmem:s16], [sflag:$0x5] =	stream.linear.gather @!p0 [hbm4b:s6+s16], $0x168, $0x38;
	[tilespmem:$0x1F9A0] =	vst v63  }
0x194: {  	v1 =	vmov s18;
	_ =	swait.ge [sflag:s14], $0x168  }
0x195: {  	v1 =	vand.u32 $0xFFFFFFFE, v1;
	[sflag:s14] =	ssyncset.done $0x0  }
0x196: {  	s20 =	simm.s32 $0x1;
	v1 =	vbroadcast v1, $0x0;
	[sflag:s14] =	ssyncadd.s32 $0xFFFFFE98  }
0x197: {  	v2 =	vmov s20;
	[tilespmem:s31], [sflag:$0x2] =	stream.indirect.gather [hbm4b:s1+s26], $0x40, s7, s26, $0xb8;
	[tilespmem:$0x1F9A0] =	vst v63  }
0x198: {  	s23 =	simm.s32 $0x0;
	v2 =	vand.u32 $0xFFFFFFFD, v2;
	_ =	swait.ge [sflag:s0], $0x1E00  }
0x199: {  	v3 =	vmov s23;
	v2 =	vbroadcast v2, $0x0;
	[sflag:s0] =	ssyncset.done $0x0  }
0x19a: {  	v3 =	vand.u32 $0xFFFFFFFC, v3;
	s6 =	simm.s32 $0x620;
	[sflag:s0] =	ssyncadd.s32 $0xFFFFE200  }
0x19b: {  	v3 =	vbroadcast v3, $0x0;
	v4 =	vld [tilespmem:s6+$0x0]  }
0x19c: {  	v8 =	vld.idx.msk [tilespmem:v1+s15+$0x0], $0xffff  }
0x19d: {  	s17 =	simm.s32 $0x3  }
0x19e: {  	v1 =	vmov s17;
	v9 =	vld [tilespmem:s6+$0xFFFFFFC0]  }
0x19f: {  	v7 =	vld.idx.msk [tilespmem:v2+s15+$0x0], $0xffff  }
0x1a0: {  	v10 =	vld [tilespmem:s6+$0xFFFFFF80];
	v2 =	vunpack.i.l.bf16.f32 v4  }
0x1a1: {  	v6 =	vld.idx.msk [tilespmem:v3+s15+$0x0], $0xffff;
	v4 =	vunpack.i.u.bf16.f32 v4;
	v2 =	vmul.f32 v8, v2  }
0x1a2: {  	s20 =	simm.s32 $0x42A0;
	v3 =	vmul.f32 v8, v4;
	v4 =	vld [tilespmem:s6+$0x40]  }
0x1a3: {  	v5 =	vld.idx.msk [tilespmem:v1+s15+$0x0], $0xffff;
	v1 =	vunpack.i.l.bf16.f32 v9;
	[tilespmem:s20+$0x0] =	vst v2  }
0x1a4: {  	v1 =	vmul.f32 v7, v1;
	[tilespmem:s20+$0x10] =	vst v3;
	v2 =	vunpack.i.u.bf16.f32 v9  }
0x1a5: {  	v9 =	vunpack.i.l.bf16.f32 v10;
	v3 =	vld [tilespmem:s6+$0x10];
	v2 =	vmul.f32 v7, v2  }
0x1a6: {  	v10 =	vunpack.i.u.bf16.f32 v10;
	[tilespmem:s20+$0xFFFFFF80] =	vst v1;
	v9 =	vmul.f32 v6, v9  }
0x1a7: {  	v10 =	vmul.f32 v6, v10;
	v1 =	vunpack.i.l.bf16.f32 v4;
	[tilespmem:s20+$0xFFFFFF90] =	vst v2  }
0x1a8: {  	v2 =	vunpack.i.u.bf16.f32 v4;
	[tilespmem:s20+$0xFFFFFF00] =	vst v9;
	v1 =	vmul.f32 v5, v1;
	v4 =	vld [tilespmem:s6+$0xFFFFFFD0]  }
0x1a9: {  	[tilespmem:s20+$0xFFFFFF10] =	vst v10;
	v2 =	vmul.f32 v5, v2  }
0x1aa: {  	v10 =	vld [tilespmem:s6+$0xFFFFFF90];
	v9 =	vunpack.i.l.bf16.f32 v3;
	[tilespmem:s20+$0x80] =	vst v1  }
0x1ab: {  	v1 =	vunpack.i.u.bf16.f32 v3;
	[tilespmem:s20+$0x90] =	vst v2;
	v3 =	vmul.f32 v8, v9  }
0x1ac: {  	v1 =	vmul.f32 v8, v1;
	v2 =	vld [tilespmem:s6+$0x50]  }
0x1ad: {  	[tilespmem:s20+$0x20] =	vst v3;
	v3 =	vunpack.i.l.bf16.f32 v4  }
0x1ae: {  	[tilespmem:s20+$0x30] =	vst v1;
	v1 =	vunpack.i.u.bf16.f32 v4;
	v3 =	vmul.f32 v7, v3  }
0x1af: {  	s18 =	simm.s32 $0x4;
	v11 =	vunpack.i.l.bf16.f32 v10;
	v4 =	vld [tilespmem:s6+$0x20];
	v1 =	vmul.f32 v7, v1  }
0x1b0: {  	v9 =	vmov s18;
	v10 =	vunpack.i.u.bf16.f32 v10;
	v11 =	vmul.f32 v6, v11;
	[tilespmem:s20+$0xFFFFFFA0] =	vst v3  }
0x1b1: {  	s18 =	simm.s32 $0x6;
	v3 =	vand.u32 $0xFFFFFFFC, v9;
	v9 =	vmul.f32 v6, v10;
	[tilespmem:s20+$0xFFFFFFB0] =	vst v1;
	v1 =	vunpack.i.l.bf16.f32 v2  }
0x1b2: {  	s23 =	simm.s32 $0x7;
	v2 =	vunpack.i.u.bf16.f32 v2;
	[tilespmem:s20+$0xFFFFFF20] =	vst v11;
	v11 =	vmov s18;
	v10 =	vld [tilespmem:s6+$0xFFFFFFE0];
	v1 =	vmul.f32 v5, v1  }
0x1b3: {  	v12 =	vmov s23;
	v2 =	vmul.f32 v5, v2;
	[tilespmem:s20+$0xFFFFFF30] =	vst v9;
	v9 =	vand.u32 $0xFFFFFFFE, v11  }
0x1b4: {  	s23 =	simm.s32 $0x5;
	v3 =	vbroadcast v3, $0x0;
	v11 =	vunpack.i.l.bf16.f32 v4;
	[tilespmem:s20+$0xA0] =	vst v1;
	v9 =	vbroadcast v9, $0x0  }
0x1b5: {  	v13 =	vld [tilespmem:s6+$0xFFFFFFA0];
	v1 =	vunpack.i.u.bf16.f32 v4;
	[tilespmem:s20+$0xB0] =	vst v2;
	v4 =	vmul.f32 v8, v11;
	v11 =	vmov s23  }
0x1b6: {  	v2 =	vmul.f32 v8, v1;
	s23 =	simm.s32 $0x720;
	v1 =	vand.u32 $0xFFFFFFFD, v11;
	v11 =	vld [tilespmem:s6+$0x60]  }
0x1b7: {  	v15 =	vld [tilespmem:s23+$0x0];
	[tilespmem:s20+$0x40] =	vst v4;
	v4 =	vunpack.i.l.bf16.f32 v10  }
0x1b8: {  	v14 =	vbroadcast v1, $0x0;
	v1 =	vld.idx.msk [tilespmem:v12+s15+$0x0], $0xffff;
	[tilespmem:s20+$0x50] =	vst v2;
	v4 =	vmul.f32 v7, v4  }
0x1b9: {  	v2 =	vunpack.i.u.bf16.f32 v10;
	v10 =	vld [tilespmem:s6+$0x30]  }
0x1ba: {  	v12 =	vmul.f32 v7, v2;
	v2 =	vunpack.i.l.bf16.f32 v13;
	[tilespmem:s20+$0xFFFFFFC0] =	vst v4;
	v4 =	vld.idx.msk [tilespmem:v9+s15+$0x0], $0xffff  }
0x1bb: {  	v13 =	vunpack.i.u.bf16.f32 v13;
	v16 =	vmul.f32 v6, v2;
	v2 =	vld.idx.msk [tilespmem:v3+s15+$0x0], $0xffff  }
0x1bc: {  	v9 =	vmul.f32 v6, v13;
	[tilespmem:s20+$0xFFFFFFD0] =	vst v12;
	v13 =	vld [tilespmem:s23+$0xFFFFFFC0];
	v3 =	vunpack.i.l.bf16.f32 v11  }
0x1bd: {  	v11 =	vunpack.i.u.bf16.f32 v11;
	[tilespmem:s20+$0xFFFFFF40] =	vst v16;
	v12 =	vmul.f32 v5, v3;
	v16 =	vld [tilespmem:s23+$0x40]  }
0x1be: {  	v11 =	vmul.f32 v5, v11;
	[tilespmem:s20+$0xFFFFFF50] =	vst v9;
	v3 =	vld.idx.msk [tilespmem:v14+s15+$0x0], $0xffff;
	v9 =	vunpack.i.u.bf16.f32 v10  }
0x1bf: {  	v14 =	vld [tilespmem:s23+$0xFFFFFF80];
	[tilespmem:s20+$0xC0] =	vst v12;
	v9 =	vmul.f32 v8, v9;
	v12 =	vunpack.i.l.bf16.f32 v15  }
0x1c0: {  	[tilespmem:s20+$0xD0] =	vst v11;
	v11 =	vunpack.i.u.bf16.f32 v15;
	v12 =	vmul.f32 v4, v12  }
0x1c1: {  	s28 =	simm.s32 $0x44A0;
	v10 =	vunpack.i.l.bf16.f32 v10;
	v15 =	vld [tilespmem:s6+$0xFFFFFFF0];
	[tilespmem:s20+$0x70] =	vst v9;
	v9 =	vmul.f32 v4, v11  }
0x1c2: {  	v8 =	vmul.f32 v8, v10;
	v10 =	vld [tilespmem:s6+$0xFFFFFFB0];
	v11 =	vunpack.i.l.bf16.f32 v13;
	[tilespmem:s28+$0x0] =	vst v12  }
0x1c3: {  	v13 =	vunpack.i.u.bf16.f32 v13;
	v12 =	vld [tilespmem:s6+$0x70];
	v17 =	vunpack.i.u.bf16.f32 v16;
	v11 =	vmul.f32 v3, v11;
	[tilespmem:s28+$0x10] =	vst v9  }
0x1c4: {  	[tilespmem:s20+$0x60] =	vst v8;
	v9 =	vunpack.i.l.bf16.f32 v14;
	v8 =	vmul.f32 v3, v13;
	v14 =	vunpack.i.u.bf16.f32 v14;
	v13 =	vld [tilespmem:s23+$0x10]  }
0x1c5: {  	v9 =	vmul.f32 v2, v9;
	v14 =	vmul.f32 v2, v14;
	[tilespmem:s28+$0xFFFFFF80] =	vst v11;
	v11 =	vunpack.i.l.bf16.f32 v16  }
0x1c6: {  	v16 =	vunpack.i.u.bf16.f32 v15;
	[tilespmem:s28+$0xFFFFFF90] =	vst v8;
	v8 =	vunpack.i.l.bf16.f32 v15;
	v15 =	vmul.f32 v1, v17  }
0x1c7: {  	v18 =	vunpack.i.u.bf16.f32 v10;
	v11 =	vmul.f32 v1, v11;
	v17 =	vld [tilespmem:s23+$0xFFFFFFD0];
	[tilespmem:s28+$0xFFFFFF10] =	vst v14;
	v14 =	vmul.f32 v7, v8  }
0x1c8: {  	[tilespmem:s28+$0xFFFFFF00] =	vst v9;
	v9 =	vunpack.i.l.bf16.f32 v10;
	v16 =	vmul.f32 v7, v16;
	v8 =	vmul.f32 v6, v18  }
0x1c9: {  	s18 =	simm.s32 $0xB;
	v10 =	vunpack.i.u.bf16.f32 v12;
	v19 =	vld [tilespmem:s23+$0xFFFFFF90];
	v9 =	vmul.f32 v6, v9;
	[tilespmem:s28+$0x90] =	vst v15;
	v7 =	vunpack.i.l.bf16.f32 v13  }
0x1ca: {  	v15 =	vmov s18;
	[tilespmem:s28+$0x80] =	vst v11;
	v11 =	vunpack.i.u.bf16.f32 v13;
	v13 =	vmul.f32 v4, v7  }
0x1cb: {  	s17 =	simm.s32 $0x8;
	[tilespmem:s20+$0xFFFFFFE0] =	vst v14;
	v6 =	vmul.f32 v5, v10;
	v7 =	vunpack.i.l.bf16.f32 v12;
	v11 =	vmul.f32 v4, v11;
	v12 =	vld [tilespmem:s23+$0x50]  }
0x1cc: {  	v10 =	vmov s17;
	v7 =	vmul.f32 v5, v7;
	v5 =	vunpack.i.l.bf16.f32 v17;
	[tilespmem:s28+$0x20] =	vst v13  }
0x1cd: {  	v10 =	vand.u32 $0xFFFFFFFC, v10;
	v13 =	vunpack.i.u.bf16.f32 v17;
	v5 =	vmul.f32 v3, v5;
	[tilespmem:s28+$0x30] =	vst v11  }
0x1ce: {  	[tilespmem:s20+$0xFFFFFFF0] =	vst v16;
	s17 =	simm.s32 $0x9;
	v10 =	vbroadcast v10, $0x0;
	v14 =	vunpack.i.u.bf16.f32 v19;
	v11 =	vmul.f32 v3, v13;
	v17 =	vld [tilespmem:s23+$0x20]  }
0x1cf: {  	v13 =	vunpack.i.l.bf16.f32 v19;
	v16 =	vmul.f32 v2, v14;
	[tilespmem:s28+$0xFFFFFFA0] =	vst v5;
	v5 =	vmov s17  }
0x1d0: {  	v13 =	vmul.f32 v2, v13;
	[tilespmem:s28+$0xFFFFFFB0] =	vst v11;
	v11 =	vunpack.i.l.bf16.f32 v12;
	v5 =	vand.u32 $0xFFFFFFFD, v5  }
0x1d1: {  	s18 =	simm.s32 $0xA;
	v12 =	vunpack.i.u.bf16.f32 v12;
	[tilespmem:s28+$0xFFFFFF30] =	vst v16;
	v18 =	vmul.f32 v1, v11;
	v14 =	vld [tilespmem:s23+$0xFFFFFFE0];
	v11 =	vbroadcast v5, $0x0  }
0x1d2: {  	[tilespmem:s28+$0xFFFFFF20] =	vst v13;
	v19 =	vmul.f32 v1, v12;
	v12 =	vmov s18  }
0x1d3: {  	v5 =	vand.u32 $0xFFFFFFFE, v12;
	v13 =	vld [tilespmem:s23+$0xFFFFFFA0];
	v20 =	vunpack.i.l.bf16.f32 v17;
	[tilespmem:s28+$0xA0] =	vst v18  }
0x1d4: {  	s16 =	simm.s32 $0x720;
	s6 =	simm.s32 $0x44A0;
	s17 =	simm.s32 $0xC;
	v12 =	vbroadcast v5, $0x0;
	v5 =	vld.idx.msk [tilespmem:v15+s15+$0x0], $0xffff;
	v16 =	vunpack.i.u.bf16.f32 v17;
	[tilespmem:s28+$0xB0] =	vst v19;
	v15 =	vmul.f32 v4, v20  }
.LBB2_9:
0x1d5: {  	p1 =	slt.u32 s17, $0x74;
	v16 =	vmul.f32 v4, v16;
	v17 =	vld [tilespmem:s23+$0x60];
	[tilespmem:s20+$0xFFFFFF60] =	vst v9  }
0x1d6: {  	v10 =	vld.idx.msk [tilespmem:v10+s15+$0x0], $0xffff;
	v9 =	vunpack.i.u.bf16.f32 v14;
	v14 =	vunpack.i.l.bf16.f32 v14;
	[tilespmem:s28+$0x40] =	vst v15  }
0x1d7: {  	v11 =	vld.idx.msk [tilespmem:v11+s15+$0x0], $0xffff;
	v14 =	vmul.f32 v3, v14;
	v9 =	vmul.f32 v3, v9;
	[tilespmem:s28+$0x50] =	vst v16  }
0x1d8: {  	s23 =	sadd.s32 $0x100, s23;
	v15 =	vunpack.i.u.bf16.f32 v13;
	v13 =	vunpack.i.l.bf16.f32 v13;
	v16 =	vld [tilespmem:s16+$0x30];
	[tilespmem:s20+$0xFFFFFF70] =	vst v8  }
0x1d9: {  	v8 =	vld [tilespmem:s23+$0x0];
	v13 =	vmul.f32 v2, v13;
	v15 =	vmul.f32 v2, v15;
	[tilespmem:s28+$0xFFFFFFC0] =	vst v14  }
0x1da: {  	v12 =	vld.idx.msk [tilespmem:v12+s15+$0x0], $0xffff;
	[tilespmem:s28+$0xFFFFFFD0] =	vst v9;
	v9 =	vunpack.i.u.bf16.f32 v17;
	v14 =	vunpack.i.l.bf16.f32 v17  }
0x1db: {  	v17 =	vld [tilespmem:s23+$0xFFFFFF80];
	[tilespmem:s28+$0xFFFFFF40] =	vst v13;
	v13 =	vmul.f32 v1, v14;
	v9 =	vmul.f32 v1, v9  }
0x1dc: {  	v14 =	vld [tilespmem:s23+$0xFFFFFFC0];
	[tilespmem:s28+$0xFFFFFF50] =	vst v15  }
0x1dd: {  	v15 =	vld [tilespmem:s23+$0x40];
	v18 =	vunpack.i.u.bf16.f32 v16;
	v16 =	vunpack.i.l.bf16.f32 v16;
	[tilespmem:s28+$0xC0] =	vst v13  }
0x1de: {  	v13 =	vld [tilespmem:s16+$0xFFFFFFF0];
	v16 =	vmul.f32 v4, v16;
	v20 =	vmul.f32 v4, v18;
	[tilespmem:s28+$0xD0] =	vst v9  }
0x1df: {  	v9 =	vunpack.i.l.bf16.f32 v8;
	v18 =	vld [tilespmem:s16+$0xFFFFFFB0];
	[tilespmem:s20+$0xE0] =	vst v7  }
0x1e0: {  	v8 =	vunpack.i.u.bf16.f32 v8;
	v9 =	vmul.f32 v12, v9;
	v4 =	vmovc v12;
	v7 =	vunpack.i.u.bf16.f32 v17;
	[tilespmem:s28+$0x70] =	vst v20;
	v19 =	vld [tilespmem:s16+$0x70];
	s16 =	smov.u32 s23  }
0x1e1: {  	v12 =	vunpack.i.l.bf16.f32 v17;
	v8 =	vmul.f32 v4, v8;
	s28 =	sadd.s32 $0x200, s28;
	v17 =	vunpack.i.u.bf16.f32 v14;
	[tilespmem:s6+$0x60] =	vst v16  }
0x1e2: {  	v14 =	vunpack.i.l.bf16.f32 v14;
	[tilespmem:s28+$0x0] =	vst v9;
	v9 =	vunpack.i.u.bf16.f32 v15;
	v15 =	vunpack.i.l.bf16.f32 v15  }
0x1e3: {  	v14 =	vmul.f32 v11, v14;
	v16 =	vmul.f32 v11, v17;
	[tilespmem:s28+$0x10] =	vst v8;
	v8 =	vunpack.i.u.bf16.f32 v13  }
0x1e4: {  	v12 =	vmul.f32 v10, v12;
	v7 =	vmul.f32 v10, v7;
	v13 =	vunpack.i.l.bf16.f32 v13;
	v17 =	vld [tilespmem:s23+$0x10];
	[tilespmem:s20+$0xF0] =	vst v6;
	s20 =	smov.u32 s6;
	s6 =	smov.u32 s28  }
0x1e5: {  	v6 =	vmul.f32 v5, v15;
	v15 =	vunpack.i.u.bf16.f32 v18;
	[tilespmem:s28+$0xFFFFFF80] =	vst v14;
	v14 =	vmul.f32 v5, v9  }
0x1e6: {  	v9 =	vunpack.i.l.bf16.f32 v18;
	v18 =	vunpack.i.l.bf16.f32 v19;
	[tilespmem:s28+$0xFFFFFF90] =	vst v16;
	v16 =	vunpack.i.u.bf16.f32 v19  }
0x1e7: {  	v13 =	vmul.f32 v3, v13;
	v19 =	vmul.f32 v3, v8;
	v3 =	vmov v11;
	[tilespmem:s28+$0xFFFFFF00] =	vst v12;
	v12 =	vld [tilespmem:s23+$0xFFFFFFD0]  }
0x1e8: {  	v9 =	vmul.f32 v2, v9;
	v8 =	vmul.f32 v2, v15;
	v2 =	vmov v10;
	[tilespmem:s28+$0xFFFFFF10] =	vst v7  }
0x1e9: {  	v7 =	vmul.f32 v1, v18;
	v11 =	vld [tilespmem:s23+$0xFFFFFF90];
	v10 =	vunpack.i.l.bf16.f32 v17;
	[tilespmem:s28+$0x80] =	vst v6;
	v6 =	vmul.f32 v1, v16;
	v1 =	vmovc v5  }
0x1ea: {  	s18 =	sadd.s32 $0x3, s17;
	v5 =	vunpack.i.u.bf16.f32 v17;
	v10 =	vmul.f32 v4, v10;
	[tilespmem:s28+$0x90] =	vst v14  }
0x1eb: {  	v15 =	vmov s18;
	v14 =	vmov s17;
	v5 =	vmul.f32 v4, v5;
	v16 =	vld [tilespmem:s23+$0x50];
	[tilespmem:s20+$0xFFFFFFE0] =	vst v13  }
0x1ec: {  	s18 =	sadd.s32 $0x1, s17;
	v13 =	vand.u32 $0xFFFFFFFC, v14;
	v14 =	vunpack.i.u.bf16.f32 v12;
	v12 =	vunpack.i.l.bf16.f32 v12;
	[tilespmem:s28+$0x20] =	vst v10  }
0x1ed: {  	v17 =	vmov s18;
	v12 =	vmul.f32 v3, v12;
	v14 =	vmul.f32 v3, v14;
	[tilespmem:s28+$0x30] =	vst v5  }
0x1ee: {  	v10 =	vbroadcast v13, $0x0;
	v5 =	vunpack.i.u.bf16.f32 v11;
	v11 =	vunpack.i.l.bf16.f32 v11;
	v18 =	vld [tilespmem:s23+$0x20];
	[tilespmem:s20+$0xFFFFFFF0] =	vst v19  }
0x1ef: {  	v13 =	vand.u32 $0xFFFFFFFD, v17;
	v17 =	vmul.f32 v2, v11;
	v5 =	vmul.f32 v2, v5;
	[tilespmem:s28+$0xFFFFFFA0] =	vst v12  }
.Ltmp3:
0x1f0: {  	v11 =	vbroadcast v13, $0x0;
	[tilespmem:s28+$0xFFFFFFB0] =	vst v14;
	v12 =	vunpack.i.u.bf16.f32 v16;
	v13 =	vunpack.i.l.bf16.f32 v16;
	(pc) =	sbr.rel @p1 .LBB2_9-.Ltmp3, $4  }
0x1f1: {  	s18 =	sadd.s32 $0x2, s17;
	[tilespmem:s28+$0xFFFFFF20] =	vst v17;
	v14 =	vld [tilespmem:s23+$0xFFFFFFE0];
	v16 =	vmul.f32 v1, v13;
	v17 =	vmul.f32 v1, v12  }
0x1f2: {  	v12 =	vmov s18;
	[tilespmem:s28+$0xFFFFFF30] =	vst v5  }
0x1f3: {  	v5 =	vand.u32 $0xFFFFFFFE, v12;
	v13 =	vld [tilespmem:s23+$0xFFFFFFA0];
	v19 =	vunpack.i.l.bf16.f32 v18;
	[tilespmem:s28+$0xA0] =	vst v16  }
0x1f4: {  	s17 =	sadd.s32 $0x4, s17;
	v12 =	vbroadcast v5, $0x0;
	v16 =	vunpack.i.u.bf16.f32 v18;
	v5 =	vld.idx.msk [tilespmem:v15+s15+$0x0], $0xffff;
	v15 =	vmul.f32 v4, v19;
	[tilespmem:s28+$0xB0] =	vst v17  }
0x1f5: {  	v16 =	vmul.f32 v4, v16;
	[tilespmem:s20+$0xFFFFFF60] =	vst v9  }
0x1f6: {  	v17 =	vld [tilespmem:s23+$0x60];
	[tilespmem:s28+$0x40] =	vst v15  }
0x1f7: {  	v9 =	vunpack.i.l.bf16.f32 v14;
	[tilespmem:s28+$0x50] =	vst v16  }
0x1f8: {  	[tilespmem:s20+$0xFFFFFF70] =	vst v8;
	v14 =	vunpack.i.u.bf16.f32 v14;
	v9 =	vmul.f32 v3, v9;
	v16 =	vld [tilespmem:s16+$0x30]  }
0x1f9: {  	s17 =	sadd.s32 $0x100, s23;
	[tilespmem:s20+$0xE0] =	vst v7;
	v14 =	vmul.f32 v3, v14;
	v15 =	vunpack.i.l.bf16.f32 v13  }
0x1fa: {  	v8 =	vunpack.i.u.bf16.f32 v13;
	v13 =	vmul.f32 v2, v15;
	[tilespmem:s28+$0xFFFFFFC0] =	vst v9;
	v9 =	vld [tilespmem:s17+$0x0]  }
0x1fb: {  	v12 =	vld.idx.msk [tilespmem:v12+s15+$0x0], $0xffff;
	v8 =	vmul.f32 v2, v8;
	[tilespmem:s28+$0xFFFFFFD0] =	vst v14;
	v14 =	vunpack.i.l.bf16.f32 v17  }
0x1fc: {  	v15 =	vunpack.i.u.bf16.f32 v17;
	[tilespmem:s28+$0xFFFFFF40] =	vst v13;
	v13 =	vmul.f32 v1, v14  }
0x1fd: {  	v14 =	vmul.f32 v1, v15;
	[tilespmem:s28+$0xFFFFFF50] =	vst v8;
	v8 =	vld [tilespmem:s17+$0xFFFFFFC0];
	v15 =	vunpack.i.u.bf16.f32 v16  }
0x1fe: {  	v11 =	vld.idx.msk [tilespmem:v11+s15+$0x0], $0xffff;
	[tilespmem:s28+$0xC0] =	vst v13;
	v13 =	vunpack.i.l.bf16.f32 v16;
	v15 =	vmul.f32 v4, v15  }
0x1ff: {  	[tilespmem:s28+$0xD0] =	vst v14;
	v14 =	vld [tilespmem:s17+$0xFFFFFF80];
	v4 =	vmul.f32 v4, v13;
	v13 =	vunpack.i.l.bf16.f32 v9  }
0x200: {  	v7 =	vld.idx.msk [tilespmem:v10+s15+$0x0], $0xffff;
	v9 =	vunpack.i.u.bf16.f32 v9;
	v10 =	vmul.f32 v12, v13;
	[tilespmem:s28+$0x70] =	vst v15  }
0x201: {  	s18 =	sadd.s32 $0x200, s28;
	v13 =	vld [tilespmem:s17+$0x40];
	v9 =	vmul.f32 v12, v9;
	[tilespmem:s6+$0x60] =	vst v4  }
0x202: {  	v4 =	vunpack.i.l.bf16.f32 v8;
	[tilespmem:s18+$0x0] =	vst v10  }
0x203: {  	v10 =	vld [tilespmem:s16+$0xFFFFFFF0];
	v8 =	vunpack.i.u.bf16.f32 v8;
	[tilespmem:s18+$0x10] =	vst v9;
	v4 =	vmul.f32 v11, v4  }
0x204: {  	[tilespmem:s20+$0xF0] =	vst v6;
	v9 =	vunpack.i.l.bf16.f32 v14;
	v8 =	vmul.f32 v11, v8;
	v15 =	vld [tilespmem:s17+$0x10]  }
0x205: {  	v6 =	vunpack.i.u.bf16.f32 v14;
	v9 =	vmul.f32 v7, v9;
	[tilespmem:s18+$0xFFFFFF80] =	vst v4  }
0x206: {  	v6 =	vmul.f32 v7, v6;
	v4 =	vunpack.i.l.bf16.f32 v13;
	[tilespmem:s18+$0xFFFFFF90] =	vst v8  }
0x207: {  	v8 =	vunpack.i.u.bf16.f32 v13;
	v4 =	vmul.f32 v5, v4;
	[tilespmem:s18+$0xFFFFFF00] =	vst v9;
	v9 =	vld [tilespmem:s17+$0xFFFFFFD0]  }
0x208: {  	v8 =	vmul.f32 v5, v8;
	[tilespmem:s18+$0xFFFFFF10] =	vst v6;
	v13 =	vunpack.i.l.bf16.f32 v10  }
0x209: {  	v6 =	vmul.f32 v3, v13;
	v13 =	vld [tilespmem:s17+$0xFFFFFF90];
	v14 =	vunpack.i.l.bf16.f32 v15;
	[tilespmem:s18+$0x80] =	vst v4  }
0x20a: {  	v4 =	vunpack.i.u.bf16.f32 v15;
	[tilespmem:s18+$0x90] =	vst v8;
	v14 =	vmul.f32 v12, v14  }
0x20b: {  	v8 =	vunpack.i.u.bf16.f32 v10;
	v4 =	vmul.f32 v12, v4;
	v10 =	vld [tilespmem:s17+$0x50];
	[tilespmem:s6+$0xFFFFFFE0] =	vst v6  }
0x20c: {  	v3 =	vmul.f32 v3, v8;
	v6 =	vunpack.i.l.bf16.f32 v9;
	[tilespmem:s18+$0x20] =	vst v14  }
0x20d: {  	v8 =	vld [tilespmem:s16+$0xFFFFFFB0];
	v9 =	vunpack.i.u.bf16.f32 v9;
	[tilespmem:s18+$0x30] =	vst v4;
	v6 =	vmul.f32 v11, v6  }
0x20e: {  	[tilespmem:s6+$0xFFFFFFF0] =	vst v3;
	v4 =	vmul.f32 v11, v9;
	v14 =	vld [tilespmem:s17+$0x20];
	v9 =	vunpack.i.l.bf16.f32 v13  }
0x20f: {  	v3 =	vunpack.i.u.bf16.f32 v13;
	v9 =	vmul.f32 v7, v9;
	[tilespmem:s18+$0xFFFFFFA0] =	vst v6  }
0x210: {  	v3 =	vmul.f32 v7, v3;
	[tilespmem:s18+$0xFFFFFFB0] =	vst v4;
	v4 =	vunpack.i.l.bf16.f32 v10  }
0x211: {  	v6 =	vunpack.i.u.bf16.f32 v10;
	v4 =	vmul.f32 v5, v4;
	[tilespmem:s18+$0xFFFFFF20] =	vst v9;
	v9 =	vld [tilespmem:s17+$0xFFFFFFE0]  }
0x212: {  	v10 =	vunpack.i.l.bf16.f32 v8;
	v6 =	vmul.f32 v5, v6;
	[tilespmem:s18+$0xFFFFFF30] =	vst v3  }
0x213: {  	v3 =	vmul.f32 v2, v10;
	v10 =	vld [tilespmem:s17+$0xFFFFFFA0];
	v13 =	vunpack.i.l.bf16.f32 v14;
	[tilespmem:s18+$0xA0] =	vst v4  }
0x214: {  	v4 =	vunpack.i.u.bf16.f32 v14;
	[tilespmem:s18+$0xB0] =	vst v6;
	v13 =	vmul.f32 v12, v13  }
0x215: {  	v6 =	vunpack.i.u.bf16.f32 v8;
	v4 =	vmul.f32 v12, v4;
	v8 =	vld [tilespmem:s17+$0x60];
	[tilespmem:s6+$0xFFFFFF60] =	vst v3  }
0x216: {  	v2 =	vmul.f32 v2, v6;
	[tilespmem:s18+$0x40] =	vst v13;
	v3 =	vunpack.i.l.bf16.f32 v9  }
0x217: {  	v6 =	vld [tilespmem:s16+$0x70];
	[tilespmem:s18+$0x50] =	vst v4;
	v9 =	vunpack.i.u.bf16.f32 v9;
	v3 =	vmul.f32 v11, v3  }
0x218: {  	[tilespmem:s6+$0xFFFFFF70] =	vst v2;
	v13 =	vld [tilespmem:s17+$0x30];
	v4 =	vmul.f32 v11, v9;
	v9 =	vunpack.i.l.bf16.f32 v10  }
0x219: {  	v2 =	vunpack.i.u.bf16.f32 v10;
	v9 =	vmul.f32 v7, v9;
	[tilespmem:s18+$0xFFFFFFC0] =	vst v3  }
0x21a: {  	v2 =	vmul.f32 v7, v2;
	[tilespmem:s18+$0xFFFFFFD0] =	vst v4;
	v3 =	vunpack.i.l.bf16.f32 v8  }
0x21b: {  	v4 =	vunpack.i.u.bf16.f32 v8;
	[tilespmem:s18+$0xFFFFFF40] =	vst v9;
	v3 =	vmul.f32 v5, v3;
	v8 =	vld [tilespmem:s17+$0xFFFFFFF0]  }
0x21c: {  	v9 =	vunpack.i.l.bf16.f32 v6;
	v4 =	vmul.f32 v5, v4;
	[tilespmem:s18+$0xFFFFFF50] =	vst v2  }
0x21d: {  	v2 =	vmul.f32 v1, v9;
	v9 =	vunpack.i.u.bf16.f32 v13;
	[tilespmem:s18+$0xC0] =	vst v3;
	v3 =	vld [tilespmem:s17+$0xFFFFFFB0]  }
0x21e: {  	v10 =	vunpack.i.l.bf16.f32 v13;
	v9 =	vmul.f32 v12, v9;
	[tilespmem:s18+$0xD0] =	vst v4  }
0x21f: {  	v4 =	vunpack.i.u.bf16.f32 v6;
	v6 =	vmul.f32 v12, v10;
	[tilespmem:s6+$0xE0] =	vst v2;
	v2 =	vld [tilespmem:s17+$0x70]  }
0x220: {  	v1 =	vmul.f32 v1, v4;
	[tilespmem:s18+$0x70] =	vst v9;
	v4 =	vunpack.i.l.bf16.f32 v8  }
0x221: {  	[tilespmem:s18+$0x60] =	vst v6;
	v6 =	vunpack.i.u.bf16.f32 v8;
	v4 =	vmul.f32 v11, v4  }
0x222: {  	[tilespmem:s6+$0xF0] =	vst v1;
	v6 =	vmul.f32 v11, v6;
	v1 =	vunpack.i.l.bf16.f32 v3  }
0x223: {  	v3 =	vunpack.i.u.bf16.f32 v3;
	v1 =	vmul.f32 v7, v1;
	[tilespmem:s18+$0xFFFFFFE0] =	vst v4  }
0x224: {  	v4 =	vunpack.i.l.bf16.f32 v2;
	v3 =	vmul.f32 v7, v3;
	[tilespmem:s18+$0xFFFFFFF0] =	vst v6  }
0x225: {  	v2 =	vunpack.i.u.bf16.f32 v2;
	v4 =	vmul.f32 v5, v4;
	[tilespmem:s18+$0xFFFFFF60] =	vst v1  }
0x226: {  	v1 =	vmul.f32 v5, v2;
	[tilespmem:s18+$0xFFFFFF70] =	vst v3  }
0x227: {  	[tilespmem:s18+$0xE0] =	vst v4  }
0x228: {  	s23 =	simm.s32 $0x348;
	s6 =	sadd.s32 @!p0 s11, s19;
	[tilespmem:s18+$0xF0] =	vst v1  }
0x229: {  	[spmem:s3] =	stream.indirect.scatter.add.f32 [tilespmem:s21], [sflag:$0x3], $0x80, s23, s26, $0xb8;
	[tilespmem:$0x1F9A0] =	vst v63  }
0x22a: {  	s6 =	smul.u32 @!p0 $0x2D, s6;
	_ =	swait.ge [sflag:s24], $0x3C00  }
0x22b: {  	s16 =	simm.s32 @!p0 $0x168;
	[sflag:s24] =	ssyncset.done $0x0  }
0x22c: {  	s11 =	simm.s32 @!p0 $0x0;
	s6 =	sadd.s32 @!p0 s2, s6;
	[sflag:s24] =	ssyncadd.s32 $0xFFFFC400  }
0x22d: {  	[tilespmem:s16], [sflag:$0x6] =	stream.linear.gather @!p0 [hbm4b:s6+s11], $0x168, $0x38;
	[tilespmem:$0x1F9A0] =	vst v63  }
0x22e: {  	s6 =	simm.s32 @!p0 $0x5  }
0x22f: {  	_ =	swait.ge @!p0 [sflag:s6], $0x168  }
0x230: {  	s28 =	simm.s32 $0x2;
	[sflag:s6] =	ssyncset.done @!p0 $0x0  }
0x231: {  	v1 =	vmov s28;
	s16 =	simm.s32 @!p0 $0x5A0;
	[sflag:s6] =	ssyncadd.s32 @!p0 $0xFFFFFE98;
	s6 =	simm.s32 @!p0 $0x78  }
0x232: {  	v1 =	vand.u32 $0xFFFFFFFE, v1;
	[tilespmem:s16], [sflag:$0x1] =	stream.indirect.gather @!p0 [hbm4b:s1+s6], $0x40, s11, s6, $0xb8;
	[tilespmem:$0x1F9A0] =	vst v63  }
0x233: {  	v1 =	vbroadcast v1, $0x0;
	s11 =	simm.s32 $0x1  }
0x234: {  	v2 =	vmov s11  }
0x235: {  	s16 =	simm.s32 $0x0;
	_ =	swait.ge [sflag:s9], $0x1E00;
	v2 =	vand.u32 $0xFFFFFFFD, v2  }
0x236: {  	v3 =	vmov s16;
	[sflag:s9] =	ssyncset.done $0x0;
	v2 =	vbroadcast v2, $0x0  }
0x237: {  	s6 =	simm.s32 $0x2490;
	v3 =	vand.u32 $0xFFFFFFFC, v3;
	[sflag:s9] =	ssyncadd.s32 $0xFFFFE200  }
0x238: {  	v3 =	vbroadcast v3, $0x0;
	v4 =	vld [tilespmem:s6+$0xFFFFFF90]  }
0x239: {  	s17 =	simm.s32 $0x3;
	v8 =	vld.idx.msk [tilespmem:v1+s25+$0x0], $0xffff  }
0x23a: {  	v1 =	vmov s17  }
0x23b: {  	v9 =	vld [tilespmem:s6+$0xFFFFFF50]  }
0x23c: {  	v7 =	vld.idx.msk [tilespmem:v2+s25+$0x0], $0xffff  }
0x23d: {  	v10 =	vld [tilespmem:s6+$0xFFFFFF10];
	v2 =	vunpack.i.l.bf16.f32 v4  }
0x23e: {  	v4 =	vunpack.i.u.bf16.f32 v4;
	v6 =	vld.idx.msk [tilespmem:v3+s25+$0x0], $0xffff;
	v2 =	vmul.f32 v8, v2  }
0x23f: {  	s11 =	simm.s32 $0x7F90;
	v5 =	vld.idx.msk [tilespmem:v1+s25+$0x0], $0xffff;
	v3 =	vmul.f32 v8, v4  }
0x240: {  	v1 =	vunpack.i.l.bf16.f32 v9;
	v4 =	vld [tilespmem:s6+$0xFFFFFFD0];
	[tilespmem:s11+$0xFFFFFF10] =	vst v2  }
0x241: {  	[tilespmem:s11+$0xFFFFFF20] =	vst v3;
	v2 =	vunpack.i.u.bf16.f32 v9;
	v1 =	vmul.f32 v7, v1  }
0x242: {  	v9 =	vunpack.i.l.bf16.f32 v10;
	v3 =	vld [tilespmem:s6+$0xFFFFFFA0];
	v2 =	vmul.f32 v7, v2  }
0x243: {  	v10 =	vunpack.i.u.bf16.f32 v10;
	v9 =	vmul.f32 v6, v9;
	[tilespmem:s11+$0xFFFFFE90] =	vst v1  }
0x244: {  	v10 =	vmul.f32 v6, v10;
	[tilespmem:s11+$0xFFFFFEA0] =	vst v2  }
0x245: {  	v1 =	vunpack.i.l.bf16.f32 v4;
	v2 =	vunpack.i.u.bf16.f32 v4;
	[tilespmem:s11+$0xFFFFFE10] =	vst v9;
	v4 =	vld [tilespmem:s6+$0xFFFFFF60]  }
0x246: {  	[tilespmem:s11+$0xFFFFFE20] =	vst v10;
	v1 =	vmul.f32 v5, v1  }
0x247: {  	v2 =	vmul.f32 v5, v2;
	v10 =	vld [tilespmem:s6+$0xFFFFFF20];
	v9 =	vunpack.i.l.bf16.f32 v3  }
0x248: {  	[tilespmem:s11+$0xFFFFFF90] =	vst v1;
	v1 =	vunpack.i.u.bf16.f32 v3;
	v3 =	vmul.f32 v8, v9  }
0x249: {  	[tilespmem:s11+$0xFFFFFFA0] =	vst v2;
	v1 =	vmul.f32 v8, v1  }
0x24a: {  	v2 =	vld [tilespmem:s6+$0xFFFFFFE0];
	[tilespmem:s11+$0xFFFFFF30] =	vst v3;
	v3 =	vunpack.i.l.bf16.f32 v4  }
0x24b: {  	[tilespmem:s11+$0xFFFFFF40] =	vst v1;
	v1 =	vunpack.i.u.bf16.f32 v4;
	v3 =	vmul.f32 v7, v3  }
0x24c: {  	s18 =	simm.s32 $0x4;
	v11 =	vunpack.i.l.bf16.f32 v10;
	v4 =	vld [tilespmem:s6+$0xFFFFFFB0];
	v1 =	vmul.f32 v7, v1  }
0x24d: {  	v9 =	vmov s18;
	v10 =	vunpack.i.u.bf16.f32 v10;
	v11 =	vmul.f32 v6, v11;
	[tilespmem:s11+$0xFFFFFEB0] =	vst v3  }
0x24e: {  	s20 =	simm.s32 $0x7;
	s23 =	simm.s32 $0x6;
	v3 =	vand.u32 $0xFFFFFFFC, v9;
	v9 =	vmul.f32 v6, v10;
	[tilespmem:s11+$0xFFFFFEC0] =	vst v1  }
0x24f: {  	v12 =	vmov s20;
	v1 =	vunpack.i.l.bf16.f32 v2;
	[tilespmem:s11+$0xFFFFFE30] =	vst v11;
	v11 =	vmov s23;
	v10 =	vld [tilespmem:s6+$0xFFFFFF70]  }
0x250: {  	v2 =	vunpack.i.u.bf16.f32 v2;
	v1 =	vmul.f32 v5, v1;
	[tilespmem:s11+$0xFFFFFE40] =	vst v9;
	v9 =	vand.u32 $0xFFFFFFFE, v11  }
0x251: {  	v2 =	vmul.f32 v5, v2;
	v11 =	vunpack.i.l.bf16.f32 v4;
	v9 =	vbroadcast v9, $0x0  }
0x252: {  	s20 =	simm.s32 $0x2590;
	s28 =	simm.s32 $0x5;
	v3 =	vbroadcast v3, $0x0;
	v13 =	vld [tilespmem:s6+$0xFFFFFF30];
	[tilespmem:s11+$0xFFFFFFB0] =	vst v1;
	v1 =	vunpack.i.u.bf16.f32 v4;
	v4 =	vmul.f32 v8, v11  }
0x253: {  	v15 =	vld [tilespmem:s20+$0xFFFFFF90];
	[tilespmem:s11+$0xFFFFFFC0] =	vst v2;
	v11 =	vmov s28;
	v2 =	vmul.f32 v8, v1  }
0x254: {  	v1 =	vand.u32 $0xFFFFFFFD, v11;
	v11 =	vld [tilespmem:s6+$0xFFFFFFF0];
	[tilespmem:s11+$0xFFFFFF50] =	vst v4;
	v4 =	vunpack.i.l.bf16.f32 v10  }
0x255: {  	v14 =	vbroadcast v1, $0x0;
	v1 =	vld.idx.msk [tilespmem:v12+s25+$0x0], $0xffff;
	[tilespmem:s11+$0xFFFFFF60] =	vst v2;
	v4 =	vmul.f32 v7, v4  }
0x256: {  	v2 =	vunpack.i.u.bf16.f32 v10;
	v10 =	vld [tilespmem:s6+$0xFFFFFFC0]  }
0x257: {  	v12 =	vmul.f32 v7, v2;
	v2 =	vunpack.i.l.bf16.f32 v13;
	[tilespmem:s11+$0xFFFFFED0] =	vst v4;
	v4 =	vld.idx.msk [tilespmem:v9+s25+$0x0], $0xffff  }
0x258: {  	v13 =	vunpack.i.u.bf16.f32 v13;
	v16 =	vmul.f32 v6, v2;
	v2 =	vld.idx.msk [tilespmem:v3+s25+$0x0], $0xffff  }
0x259: {  	v9 =	vmul.f32 v6, v13;
	[tilespmem:s11+$0xFFFFFEE0] =	vst v12;
	v13 =	vld [tilespmem:s20+$0xFFFFFF50];
	v3 =	vunpack.i.l.bf16.f32 v11  }
0x25a: {  	v11 =	vunpack.i.u.bf16.f32 v11;
	[tilespmem:s11+$0xFFFFFE50] =	vst v16;
	v12 =	vmul.f32 v5, v3;
	v16 =	vld [tilespmem:s20+$0xFFFFFFD0]  }
0x25b: {  	v11 =	vmul.f32 v5, v11;
	[tilespmem:s11+$0xFFFFFE60] =	vst v9;
	v3 =	vld.idx.msk [tilespmem:v14+s25+$0x0], $0xffff;
	v9 =	vunpack.i.u.bf16.f32 v10  }
0x25c: {  	v14 =	vld [tilespmem:s20+$0xFFFFFF10];
	[tilespmem:s11+$0xFFFFFFD0] =	vst v12;
	v9 =	vmul.f32 v8, v9;
	v12 =	vunpack.i.l.bf16.f32 v15  }
0x25d: {  	[tilespmem:s11+$0xFFFFFFE0] =	vst v11;
	v11 =	vunpack.i.u.bf16.f32 v15;
	v12 =	vmul.f32 v4, v12  }
0x25e: {  	s23 =	simm.s32 $0x8190;
	v10 =	vunpack.i.l.bf16.f32 v10;
	v15 =	vld [tilespmem:s6+$0xFFFFFF80];
	[tilespmem:s11+$0xFFFFFF80] =	vst v9;
	v9 =	vmul.f32 v4, v11  }
0x25f: {  	v8 =	vmul.f32 v8, v10;
	v10 =	vld [tilespmem:s6+$0xFFFFFF40];
	v11 =	vunpack.i.l.bf16.f32 v13;
	[tilespmem:s23+$0xFFFFFF10] =	vst v12  }
0x260: {  	v13 =	vunpack.i.u.bf16.f32 v13;
	v12 =	vld [tilespmem:s6+$0x0];
	v17 =	vunpack.i.u.bf16.f32 v16;
	v11 =	vmul.f32 v3, v11;
	[tilespmem:s23+$0xFFFFFF20] =	vst v9  }
0x261: {  	[tilespmem:s11+$0xFFFFFF70] =	vst v8;
	v9 =	vunpack.i.l.bf16.f32 v14;
	v8 =	vmul.f32 v3, v13;
	v14 =	vunpack.i.u.bf16.f32 v14;
	v13 =	vld [tilespmem:s20+$0xFFFFFFA0]  }
0x262: {  	v9 =	vmul.f32 v2, v9;
	v14 =	vmul.f32 v2, v14;
	[tilespmem:s23+$0xFFFFFE90] =	vst v11;
	v11 =	vunpack.i.l.bf16.f32 v16  }
0x263: {  	v16 =	vunpack.i.u.bf16.f32 v15;
	[tilespmem:s23+$0xFFFFFEA0] =	vst v8;
	v8 =	vunpack.i.l.bf16.f32 v15;
	v15 =	vmul.f32 v1, v17  }
0x264: {  	v18 =	vunpack.i.u.bf16.f32 v10;
	v11 =	vmul.f32 v1, v11;
	v17 =	vld [tilespmem:s20+$0xFFFFFF60];
	[tilespmem:s23+$0xFFFFFE20] =	vst v14;
	v14 =	vmul.f32 v7, v8  }
0x265: {  	[tilespmem:s23+$0xFFFFFE10] =	vst v9;
	v9 =	vunpack.i.l.bf16.f32 v10;
	v16 =	vmul.f32 v7, v16;
	v8 =	vmul.f32 v6, v18  }
0x266: {  	s17 =	simm.s32 $0xB;
	v10 =	vunpack.i.u.bf16.f32 v12;
	v19 =	vld [tilespmem:s20+$0xFFFFFF20];
	v9 =	vmul.f32 v6, v9;
	[tilespmem:s23+$0xFFFFFFA0] =	vst v15;
	v7 =	vunpack.i.l.bf16.f32 v13  }
0x267: {  	v15 =	vmov s17;
	[tilespmem:s23+$0xFFFFFF90] =	vst v11;
	v11 =	vunpack.i.u.bf16.f32 v13;
	v13 =	vmul.f32 v4, v7  }
0x268: {  	s16 =	simm.s32 $0x8;
	[tilespmem:s11+$0xFFFFFEF0] =	vst v14;
	v6 =	vmul.f32 v5, v10;
	v7 =	vunpack.i.l.bf16.f32 v12;
	v11 =	vmul.f32 v4, v11;
	v12 =	vld [tilespmem:s20+$0xFFFFFFE0]  }
0x269: {  	v10 =	vmov s16;
	v7 =	vmul.f32 v5, v7;
	v5 =	vunpack.i.l.bf16.f32 v17;
	[tilespmem:s23+$0xFFFFFF30] =	vst v13  }
0x26a: {  	v10 =	vand.u32 $0xFFFFFFFC, v10;
	v13 =	vunpack.i.u.bf16.f32 v17;
	v5 =	vmul.f32 v3, v5;
	[tilespmem:s23+$0xFFFFFF40] =	vst v11  }
0x26b: {  	s18 =	simm.s32 $0x9;
	[tilespmem:s11+$0xFFFFFF00] =	vst v16;
	v10 =	vbroadcast v10, $0x0;
	v14 =	vunpack.i.u.bf16.f32 v19;
	v11 =	vmul.f32 v3, v13;
	v17 =	vld [tilespmem:s20+$0xFFFFFFB0]  }
0x26c: {  	v13 =	vunpack.i.l.bf16.f32 v19;
	v16 =	vmul.f32 v2, v14;
	[tilespmem:s23+$0xFFFFFEB0] =	vst v5;
	v5 =	vmov s18  }
0x26d: {  	v13 =	vmul.f32 v2, v13;
	[tilespmem:s23+$0xFFFFFEC0] =	vst v11;
	v11 =	vunpack.i.l.bf16.f32 v12;
	v5 =	vand.u32 $0xFFFFFFFD, v5  }
0x26e: {  	s28 =	simm.s32 $0xA;
	v12 =	vunpack.i.u.bf16.f32 v12;
	[tilespmem:s23+$0xFFFFFE40] =	vst v16;
	v18 =	vmul.f32 v1, v11;
	v14 =	vld [tilespmem:s20+$0xFFFFFF70];
	v11 =	vbroadcast v5, $0x0  }
0x26f: {  	[tilespmem:s23+$0xFFFFFE30] =	vst v13;
	v19 =	vmul.f32 v1, v12;
	v12 =	vmov s28  }
0x270: {  	v5 =	vand.u32 $0xFFFFFFFE, v12;
	v13 =	vld [tilespmem:s20+$0xFFFFFF30];
	v20 =	vunpack.i.l.bf16.f32 v17;
	[tilespmem:s23+$0xFFFFFFB0] =	vst v18  }
0x271: {  	s6 =	simm.s32 $0x8190;
	s17 =	simm.s32 $0xC;
	s16 =	simm.s32 $0x2590;
	v12 =	vbroadcast v5, $0x0;
	v5 =	vld.idx.msk [tilespmem:v15+s25+$0x0], $0xffff;
	v16 =	vunpack.i.u.bf16.f32 v17;
	[tilespmem:s23+$0xFFFFFFC0] =	vst v19;
	v15 =	vmul.f32 v4, v20  }
.LBB2_11:
0x272: {  	p0 =	slt.u32 s17, $0x74;
	v16 =	vmul.f32 v4, v16;
	v17 =	vld [tilespmem:s20+$0xFFFFFFF0];
	[tilespmem:s11+$0xFFFFFE70] =	vst v9  }
0x273: {  	v10 =	vld.idx.msk [tilespmem:v10+s25+$0x0], $0xffff;
	v9 =	vunpack.i.u.bf16.f32 v14;
	v14 =	vunpack.i.l.bf16.f32 v14;
	[tilespmem:s23+$0xFFFFFF50] =	vst v15  }
0x274: {  	v11 =	vld.idx.msk [tilespmem:v11+s25+$0x0], $0xffff;
	v14 =	vmul.f32 v3, v14;
	v9 =	vmul.f32 v3, v9;
	[tilespmem:s23+$0xFFFFFF60] =	vst v16  }
0x275: {  	s20 =	sadd.s32 $0x100, s20;
	v15 =	vunpack.i.u.bf16.f32 v13;
	v13 =	vunpack.i.l.bf16.f32 v13;
	v16 =	vld [tilespmem:s16+$0xFFFFFFC0];
	[tilespmem:s11+$0xFFFFFE80] =	vst v8  }
0x276: {  	v8 =	vld [tilespmem:s20+$0xFFFFFF90];
	v13 =	vmul.f32 v2, v13;
	v15 =	vmul.f32 v2, v15;
	[tilespmem:s23+$0xFFFFFED0] =	vst v14  }
0x277: {  	v12 =	vld.idx.msk [tilespmem:v12+s25+$0x0], $0xffff;
	[tilespmem:s23+$0xFFFFFEE0] =	vst v9;
	v9 =	vunpack.i.u.bf16.f32 v17;
	v14 =	vunpack.i.l.bf16.f32 v17  }
0x278: {  	v17 =	vld [tilespmem:s20+$0xFFFFFF10];
	[tilespmem:s23+$0xFFFFFE50] =	vst v13;
	v13 =	vmul.f32 v1, v14;
	v9 =	vmul.f32 v1, v9  }
0x279: {  	v14 =	vld [tilespmem:s20+$0xFFFFFF50];
	[tilespmem:s23+$0xFFFFFE60] =	vst v15  }
0x27a: {  	v15 =	vld [tilespmem:s20+$0xFFFFFFD0];
	v18 =	vunpack.i.u.bf16.f32 v16;
	v16 =	vunpack.i.l.bf16.f32 v16;
	[tilespmem:s23+$0xFFFFFFD0] =	vst v13  }
0x27b: {  	v13 =	vld [tilespmem:s16+$0xFFFFFF80];
	v16 =	vmul.f32 v4, v16;
	v20 =	vmul.f32 v4, v18;
	[tilespmem:s23+$0xFFFFFFE0] =	vst v9  }
0x27c: {  	v9 =	vunpack.i.l.bf16.f32 v8;
	v18 =	vld [tilespmem:s16+$0xFFFFFF40];
	[tilespmem:s11+$0xFFFFFFF0] =	vst v7  }
0x27d: {  	v8 =	vunpack.i.u.bf16.f32 v8;
	v9 =	vmul.f32 v12, v9;
	v4 =	vmovc v12;
	v7 =	vunpack.i.u.bf16.f32 v17;
	[tilespmem:s23+$0xFFFFFF80] =	vst v20;
	v19 =	vld [tilespmem:s16+$0x0];
	s16 =	smov.u32 s20  }
0x27e: {  	v12 =	vunpack.i.l.bf16.f32 v17;
	v8 =	vmul.f32 v4, v8;
	s23 =	sadd.s32 $0x200, s23;
	v17 =	vunpack.i.u.bf16.f32 v14;
	[tilespmem:s6+$0xFFFFFF70] =	vst v16  }
0x27f: {  	v14 =	vunpack.i.l.bf16.f32 v14;
	[tilespmem:s23+$0xFFFFFF10] =	vst v9;
	v9 =	vunpack.i.u.bf16.f32 v15;
	v15 =	vunpack.i.l.bf16.f32 v15  }
0x280: {  	v14 =	vmul.f32 v11, v14;
	v16 =	vmul.f32 v11, v17;
	[tilespmem:s23+$0xFFFFFF20] =	vst v8;
	v8 =	vunpack.i.u.bf16.f32 v13  }
0x281: {  	v12 =	vmul.f32 v10, v12;
	v7 =	vmul.f32 v10, v7;
	v13 =	vunpack.i.l.bf16.f32 v13;
	v17 =	vld [tilespmem:s20+$0xFFFFFFA0];
	[tilespmem:s11+$0x0] =	vst v6;
	s11 =	smov.u32 s6;
	s6 =	smov.u32 s23  }
0x282: {  	v6 =	vmul.f32 v5, v15;
	v15 =	vunpack.i.u.bf16.f32 v18;
	[tilespmem:s23+$0xFFFFFE90] =	vst v14;
	v14 =	vmul.f32 v5, v9  }
0x283: {  	v9 =	vunpack.i.l.bf16.f32 v18;
	v18 =	vunpack.i.l.bf16.f32 v19;
	[tilespmem:s23+$0xFFFFFEA0] =	vst v16;
	v16 =	vunpack.i.u.bf16.f32 v19  }
0x284: {  	v13 =	vmul.f32 v3, v13;
	v19 =	vmul.f32 v3, v8;
	v3 =	vmov v11;
	[tilespmem:s23+$0xFFFFFE10] =	vst v12;
	v12 =	vld [tilespmem:s20+$0xFFFFFF60]  }
0x285: {  	v9 =	vmul.f32 v2, v9;
	v8 =	vmul.f32 v2, v15;
	v2 =	vmov v10;
	[tilespmem:s23+$0xFFFFFE20] =	vst v7  }
0x286: {  	v7 =	vmul.f32 v1, v18;
	v11 =	vld [tilespmem:s20+$0xFFFFFF20];
	v10 =	vunpack.i.l.bf16.f32 v17;
	[tilespmem:s23+$0xFFFFFF90] =	vst v6;
	v6 =	vmul.f32 v1, v16;
	v1 =	vmovc v5  }
0x287: {  	s18 =	sadd.s32 $0x3, s17;
	v5 =	vunpack.i.u.bf16.f32 v17;
	v10 =	vmul.f32 v4, v10;
	[tilespmem:s23+$0xFFFFFFA0] =	vst v14  }
0x288: {  	v15 =	vmov s18;
	v14 =	vmov s17;
	v5 =	vmul.f32 v4, v5;
	v16 =	vld [tilespmem:s20+$0xFFFFFFE0];
	[tilespmem:s11+$0xFFFFFEF0] =	vst v13  }
0x289: {  	s18 =	sadd.s32 $0x1, s17;
	v13 =	vand.u32 $0xFFFFFFFC, v14;
	v14 =	vunpack.i.u.bf16.f32 v12;
	v12 =	vunpack.i.l.bf16.f32 v12;
	[tilespmem:s23+$0xFFFFFF30] =	vst v10  }
0x28a: {  	v17 =	vmov s18;
	v12 =	vmul.f32 v3, v12;
	v14 =	vmul.f32 v3, v14;
	[tilespmem:s23+$0xFFFFFF40] =	vst v5  }
0x28b: {  	v10 =	vbroadcast v13, $0x0;
	v5 =	vunpack.i.u.bf16.f32 v11;
	v11 =	vunpack.i.l.bf16.f32 v11;
	v18 =	vld [tilespmem:s20+$0xFFFFFFB0];
	[tilespmem:s11+$0xFFFFFF00] =	vst v19  }
0x28c: {  	v13 =	vand.u32 $0xFFFFFFFD, v17;
	v17 =	vmul.f32 v2, v11;
	v5 =	vmul.f32 v2, v5;
	[tilespmem:s23+$0xFFFFFEB0] =	vst v12  }
.Ltmp4:
0x28d: {  	v11 =	vbroadcast v13, $0x0;
	[tilespmem:s23+$0xFFFFFEC0] =	vst v14;
	v12 =	vunpack.i.u.bf16.f32 v16;
	v13 =	vunpack.i.l.bf16.f32 v16;
	(pc) =	sbr.rel @p0 .LBB2_11-.Ltmp4, $4  }
0x28e: {  	s18 =	sadd.s32 $0x2, s17;
	[tilespmem:s23+$0xFFFFFE30] =	vst v17;
	v14 =	vld [tilespmem:s20+$0xFFFFFF70];
	v16 =	vmul.f32 v1, v13;
	v17 =	vmul.f32 v1, v12  }
0x28f: {  	v12 =	vmov s18;
	[tilespmem:s23+$0xFFFFFE40] =	vst v5  }
0x290: {  	v5 =	vand.u32 $0xFFFFFFFE, v12;
	v13 =	vld [tilespmem:s20+$0xFFFFFF30];
	v19 =	vunpack.i.l.bf16.f32 v18;
	[tilespmem:s23+$0xFFFFFFB0] =	vst v16  }
0x291: {  	s17 =	sadd.s32 $0x4, s17;
	v12 =	vbroadcast v5, $0x0;
	v16 =	vunpack.i.u.bf16.f32 v18;
	v5 =	vld.idx.msk [tilespmem:v15+s25+$0x0], $0xffff;
	v15 =	vmul.f32 v4, v19;
	[tilespmem:s23+$0xFFFFFFC0] =	vst v17  }
0x292: {  	[tilespmem:s11+$0xFFFFFE70] =	vst v9  }
0x293: {  	v16 =	vmul.f32 v4, v16;
	[tilespmem:s11+$0xFFFFFE80] =	vst v8  }
0x294: {  	v17 =	vld [tilespmem:s20+$0xFFFFFFF0];
	[tilespmem:s23+$0xFFFFFF50] =	vst v15  }
0x295: {  	v50 =	vunpack.i.l.bf16.f32 v14;
	[tilespmem:s23+$0xFFFFFF60] =	vst v16  }
0x296: {  	[tilespmem:s11+$0xFFFFFFF0] =	vst v7;
	v51 =	vunpack.i.u.bf16.f32 v14;
	v9 =	vmul.f32 v3, v50;
	v16 =	vld [tilespmem:s16+$0xFFFFFFC0]  }
0x297: {  	s17 =	sadd.s32 $0x100, s20;
	[tilespmem:s11+$0x0] =	vst v6;
	v14 =	vmul.f32 v3, v51;
	v52 =	vunpack.i.l.bf16.f32 v13  }
0x298: {  	v55 =	vld [tilespmem:s17+$0xFFFFFF90];
	v53 =	vunpack.i.u.bf16.f32 v13;
	v54 =	vmul.f32 v2, v52;
	[tilespmem:s23+$0xFFFFFED0] =	vst v9  }
0x299: {  	v12 =	vld.idx.msk [tilespmem:v12+s25+$0x0], $0xffff;
	v8 =	vmul.f32 v2, v53;
	[tilespmem:s23+$0xFFFFFEE0] =	vst v14;
	v56 =	vunpack.i.l.bf16.f32 v17  }
0x29a: {  	v60 =	vld [tilespmem:s17+$0xFFFFFF50];
	v57 =	vunpack.i.u.bf16.f32 v17;
	[tilespmem:s23+$0xFFFFFE50] =	vst v54;
	v58 =	vmul.f32 v1, v56  }
0x29b: {  	v11 =	vld.idx.msk [tilespmem:v11+s25+$0x0], $0xffff;
	v59 =	vmul.f32 v1, v57;
	[tilespmem:s23+$0xFFFFFE60] =	vst v8;
	v61 =	vunpack.i.u.bf16.f32 v16  }
0x29c: {  	v63 =	vld [tilespmem:s17+$0xFFFFFF10];
	[tilespmem:s23+$0xFFFFFFD0] =	vst v58;
	v62 =	vunpack.i.l.bf16.f32 v16;
	v15 =	vmul.f32 v4, v61  }
0x29d: {  	v20 =	vld.idx.msk [tilespmem:v10+s25+$0x0], $0xffff;
	v19 =	vunpack.i.l.bf16.f32 v55;
	[tilespmem:s23+$0xFFFFFFE0] =	vst v59;
	v18 =	vmul.f32 v4, v62  }
0x29e: {  	v22 =	vld [tilespmem:s17+$0xFFFFFFD0];
	v9 =	vunpack.i.u.bf16.f32 v55;
	v21 =	vmul.f32 v12, v19;
	[tilespmem:s23+$0xFFFFFF80] =	vst v15  }
0x29f: {  	v23 =	vunpack.i.l.bf16.f32 v60;
	v9 =	vmul.f32 v12, v9;
	s23 =	sadd.s32 $0x200, s23;
	[tilespmem:s6+$0xFFFFFF70] =	vst v18  }
0x2a0: {  	v24 =	vld [tilespmem:s16+$0xFFFFFF80];
	v8 =	vunpack.i.u.bf16.f32 v60;
	v4 =	vmul.f32 v11, v23;
	[tilespmem:s23+$0xFFFFFF10] =	vst v21  }
0x2a1: {  	v27 =	vunpack.i.u.bf16.f32 v63;
	v8 =	vmul.f32 v11, v8;
	[tilespmem:s23+$0xFFFFFF20] =	vst v9  }
0x2a2: {  	v25 =	vunpack.i.l.bf16.f32 v63;
	v6 =	vmul.f32 v20, v27;
	[tilespmem:s23+$0xFFFFFE90] =	vst v4;
	v26 =	vld [tilespmem:s17+$0xFFFFFFA0]  }
0x2a3: {  	v28 =	vunpack.i.l.bf16.f32 v22;
	v9 =	vmul.f32 v20, v25;
	[tilespmem:s23+$0xFFFFFEA0] =	vst v8  }
0x2a4: {  	v29 =	vunpack.i.u.bf16.f32 v22;
	v4 =	vmul.f32 v5, v28;
	[tilespmem:s23+$0xFFFFFE20] =	vst v6;
	v30 =	vld [tilespmem:s17+$0xFFFFFF60]  }
0x2a5: {  	v31 =	vunpack.i.l.bf16.f32 v24;
	v8 =	vmul.f32 v5, v29;
	[tilespmem:s23+$0xFFFFFE10] =	vst v9  }
0x2a6: {  	v36 =	vunpack.i.u.bf16.f32 v24;
	v32 =	vmul.f32 v3, v31;
	[tilespmem:s23+$0xFFFFFF90] =	vst v4;
	v33 =	vld [tilespmem:s17+$0xFFFFFF20]  }
0x2a7: {  	v3 =	vmul.f32 v3, v36;
	[tilespmem:s23+$0xFFFFFFA0] =	vst v8;
	v34 =	vunpack.i.l.bf16.f32 v26  }
0x2a8: {  	[tilespmem:s6+$0xFFFFFEF0] =	vst v32;
	v37 =	vld [tilespmem:s17+$0xFFFFFFE0];
	v35 =	vunpack.i.u.bf16.f32 v26;
	v14 =	vmul.f32 v12, v34  }
0x2a9: {  	[tilespmem:s6+$0xFFFFFF00] =	vst v3;
	v38 =	vunpack.i.l.bf16.f32 v30;
	v4 =	vmul.f32 v12, v35  }
0x2aa: {  	v39 =	vld [tilespmem:s16+$0xFFFFFF40];
	v9 =	vunpack.i.u.bf16.f32 v30;
	v6 =	vmul.f32 v11, v38;
	[tilespmem:s23+$0xFFFFFF30] =	vst v14  }
0x2ab: {  	v40 =	vmul.f32 v11, v9;
	v41 =	vunpack.i.l.bf16.f32 v33;
	[tilespmem:s23+$0xFFFFFF40] =	vst v4  }
0x2ac: {  	v3 =	vunpack.i.u.bf16.f32 v33;
	v9 =	vmul.f32 v20, v41;
	[tilespmem:s23+$0xFFFFFEB0] =	vst v6;
	v14 =	vld [tilespmem:s17+$0xFFFFFFB0]  }
0x2ad: {  	v42 =	vunpack.i.l.bf16.f32 v37;
	v3 =	vmul.f32 v20, v3;
	[tilespmem:s23+$0xFFFFFEC0] =	vst v40  }
0x2ae: {  	v43 =	vunpack.i.u.bf16.f32 v37;
	v4 =	vmul.f32 v5, v42;
	v44 =	vld [tilespmem:s17+$0xFFFFFF70];
	[tilespmem:s23+$0xFFFFFE30] =	vst v9  }
0x2af: {  	v45 =	vunpack.i.l.bf16.f32 v39;
	v6 =	vmul.f32 v5, v43;
	[tilespmem:s23+$0xFFFFFE40] =	vst v3  }
0x2b0: {  	v49 =	vunpack.i.u.bf16.f32 v39;
	v3 =	vmul.f32 v2, v45;
	[tilespmem:s23+$0xFFFFFFB0] =	vst v4;
	v46 =	vld [tilespmem:s17+$0xFFFFFF30]  }
0x2b1: {  	[tilespmem:s23+$0xFFFFFFC0] =	vst v6;
	v2 =	vmul.f32 v2, v49;
	v47 =	vunpack.i.l.bf16.f32 v14  }
0x2b2: {  	v50 =	vld [tilespmem:s17+$0xFFFFFFF0];
	[tilespmem:s6+$0xFFFFFE70] =	vst v3;
	v48 =	vunpack.i.u.bf16.f32 v14;
	v13 =	vmul.f32 v12, v47  }
0x2b3: {  	[tilespmem:s6+$0xFFFFFE80] =	vst v2;
	v3 =	vunpack.i.l.bf16.f32 v44;
	v4 =	vmul.f32 v12, v48  }
0x2b4: {  	v51 =	vld [tilespmem:s16+$0x0];
	v9 =	vunpack.i.u.bf16.f32 v44;
	v3 =	vmul.f32 v11, v3;
	[tilespmem:s23+$0xFFFFFF50] =	vst v13  }
0x2b5: {  	v52 =	vmul.f32 v11, v9;
	v53 =	vunpack.i.l.bf16.f32 v46;
	[tilespmem:s23+$0xFFFFFF60] =	vst v4  }
0x2b6: {  	v2 =	vunpack.i.u.bf16.f32 v46;
	v9 =	vmul.f32 v20, v53;
	[tilespmem:s23+$0xFFFFFED0] =	vst v3;
	v13 =	vld [tilespmem:s17+$0xFFFFFFC0]  }
0x2b7: {  	v2 =	vmul.f32 v20, v2;
	[tilespmem:s23+$0xFFFFFEE0] =	vst v52;
	v3 =	vunpack.i.l.bf16.f32 v50  }
0x2b8: {  	v54 =	vunpack.i.u.bf16.f32 v50;
	v3 =	vmul.f32 v5, v3;
	v55 =	vld [tilespmem:s17+$0xFFFFFF80];
	[tilespmem:s23+$0xFFFFFE50] =	vst v9  }
0x2b9: {  	v56 =	vunpack.i.l.bf16.f32 v51;
	v4 =	vmul.f32 v5, v54;
	[tilespmem:s23+$0xFFFFFE60] =	vst v2  }
0x2ba: {  	v59 =	vunpack.i.u.bf16.f32 v51;
	v2 =	vmul.f32 v1, v56;
	[tilespmem:s23+$0xFFFFFFD0] =	vst v3;
	v3 =	vld [tilespmem:s17+$0xFFFFFF40]  }
0x2bb: {  	[tilespmem:s23+$0xFFFFFFE0] =	vst v4;
	v1 =	vmul.f32 v1, v59;
	v57 =	vunpack.i.u.bf16.f32 v13  }
0x2bc: {  	[tilespmem:s6+$0xFFFFFFF0] =	vst v2;
	v2 =	vld [tilespmem:s17+$0x0];
	v58 =	vunpack.i.l.bf16.f32 v13;
	v9 =	vmul.f32 v12, v57  }
0x2bd: {  	[tilespmem:s6+$0x0] =	vst v1;
	v61 =	vunpack.i.l.bf16.f32 v55;
	v60 =	vmul.f32 v12, v58  }
0x2be: {  	v62 =	vunpack.i.u.bf16.f32 v55;
	v4 =	vmul.f32 v11, v61;
	[tilespmem:s23+$0xFFFFFF80] =	vst v9  }
0x2bf: {  	v6 =	vmul.f32 v11, v62;
	v1 =	vunpack.i.l.bf16.f32 v3;
	[tilespmem:s23+$0xFFFFFF70] =	vst v60  }
0x2c0: {  	s22 =	sadd.s32 $0x1, s22;
	v3 =	vunpack.i.u.bf16.f32 v3;
	v1 =	vmul.f32 v20, v1;
	[tilespmem:s23+$0xFFFFFEF0] =	vst v4  }
0x2c1: {  	p0 =	sne.s32 s22, $0x15;
	v63 =	vunpack.i.l.bf16.f32 v2;
	v3 =	vmul.f32 v20, v3;
	[tilespmem:s23+$0xFFFFFF00] =	vst v6  }
.Ltmp5:
0x2c2: {  	v2 =	vunpack.i.u.bf16.f32 v2;
	v4 =	vmul.f32 v5, v63;
	[tilespmem:s23+$0xFFFFFE70] =	vst v1;
	(pc) =	sbr.rel @p0 .LBB2_4-.Ltmp5, $4  }
0x2c3: {  	v1 =	vmul.f32 v5, v2;
	[tilespmem:s23+$0xFFFFFE80] =	vst v3  }
0x2c4: {  	[tilespmem:s23+$0xFFFFFFF0] =	vst v4  }
0x2c5: {  	s28 =	simm.s32 $0x4B0;
	[tilespmem:s23+$0x0] =	vst v1  }
0x2c6: {  	[spmem:s3] =	stream.indirect.scatter.add.f32 [tilespmem:s12], [sflag:$0x4], $0x80, s28, s26, $0xb8;
	[tilespmem:$0x1F9A0] =	vst v63  }
0x2c7: {  	_ =	swait.ge [sflag:s13], $0x3C00  }
0x2c8: {  	[sflag:s13] =	ssyncset.done $0x0  }
0x2c9: {  	[sflag:s13] =	ssyncadd.s32 $0xFFFFC400  }
0x2ca: {  	_ =	swait.ge [sflag:s24], $0x3C00  }
0x2cb: {  	[sflag:s24] =	ssyncset.done $0x0  }
0x2cc: {  	[sflag:s24] =	ssyncadd.s32 $0xFFFFC400  }
0x2cd: {  	s5 =	stileid.u32;
	[bflag:$0x0] =	sbarrier.arrive $0xFFFF  }
0x2ce: {  	s17 =	simm.s32 $0x9;
	s5 =	sshll.u32 s5, $0x6;
	s16 =	rddreg [dreg:$0x5]  }
0x2cf: {  	s5 =	sor.u32 $0x1C09, s5;
	s11 =	rddreg [dreg:$0x13];
	s6 =	sshrl.u32 s16, $0x3  }
0x2d0: {  	[hbm:s11], [sflag:s5] =	dma.local [spmem:s6], $0x2800  }
0x2d1: {  	_ =	swait.ge [sflag:s17], $0x2800  }
0x2d2: {  	s23 =	rddreg [dreg:$0x4]  }
0x2d3: {  	s28 =	rddreg [dreg:$0x12];
	s11 =	sadd.s32 $0x1, s23  }
0x2d4: {  	p0 =	sne.s32 s11, s28  }
.Ltmp6:
0x2d5: {  	_ = 	snop;
	(pc) =	sbr.rel @p0 .LBB2_1-.Ltmp6, $3  }
0x2d6: {  	_ =	sdelay $0x1  }
0x2d7: {  	[sflag:s17] =	ssyncset.done $0x0  }
0x2d8: {  	[sflag:s17] =	ssyncadd.s32 $0xFFFFD800  }
0x2d9: {  	_ =	sfence.sel $0x180000  }
0x2da: {  	[bflag:$0x0] =	sbarrier.arrive $0xFFFF  }
0x2db: {  	_ =	strace $0x90000047  }
0x2dc: {  	s0 =	stileid.u32;
	[bflag:$0x2] =	sbarrier.arrive $0xFFFF  }
0x2dd: {  	p0 =	sne.s32 s0, $0x0;
	s0 =	rddreg [dreg:$0x3]  }
0x2de: {  	s0 =	sadd.s32 @!p0 $0x100000, s0  }
0x2df: {  	[sflag:s0] =	ssyncadd.tile.s32 @!p0 $0x1;
	_ =	shalt  }
.Lfunc_end2:
_tile_overlayer_lowered:
.L_overlay_start_2:
0x2e0: {  	(tag) =	ssettag $0x2  }
0x2e1: {  	s0 =	rddreg [dreg:$0x0];
	s2 =	stileid.u32  }
0x2e2: {  	s1 =	rddreg [dreg:$0x1];
	p0 =	sne.s32 s2, $0x0  }
0x2e3: {  	s3 =	rddreg [dreg:$0x2];
	[bflag:$0x3] =	sbarrier.arrive $0xFFFF;
	s2 =	simm.s32 @!p0 $0x1C09  }
0x2e4: {  	[timem:s3], [sflag:s2] =	dma.local @!p0 [hbm:s0], s1  }
0x2e5: {  	s0 =	simm.s32 @!p0 $0x9  }
0x2e6: {  	_ =	swait.ge @!p0 [sflag:s0], s1  }
0x2e7: {  	s1 =	ssub.s32 @!p0 $0x0, s1;
	[sflag:s0] =	ssyncset.done @!p0 $0x0  }
0x2e8: {  	[sflag:s0] =	ssyncadd.s32 @!p0 s1  }
0x2e9: {  	[bflag:$0x3] =	sbarrier.arrive $0xFFFF  }
0x2ea: {  	_ =	shalt  }

</sc_bundles>
